<compile_context>
chip_gen: v7x
topology: tpu7x:2x2x1
jax: 0.10.2.dev20260603
libtpu: 0.0.44.dev20260713+nightly
codegen_flags: <defaults>
</compile_context>

<pallas_src>
import functools

import jax
import jax.numpy as jnp
from jax import lax
from jax.experimental import pallas as pl
from jax.experimental.pallas import tpu as pltpu
from jax.experimental.pallas import tpu_sc as plsc

B = 8
SEQ_LEN = 2048
INST_LEN = 512
STEP = 4
N_STEPS = (SEQ_LEN - INST_LEN) // STEP
DIM = 128
OUT_PER_B = INST_LEN + N_STEPS

NC = 2
NS = 16
NW = NC * NS
WPB = NW // B
INST_W = INST_LEN // WPB
POOL_TOK_W = (SEQ_LEN - INST_LEN) // WPB
POOL_W = N_STEPS // WPB
CHUNK = 128
N_POOL_CHUNKS = POOL_TOK_W // CHUNK


def _sc_body(ids_hbm, table_hbm, out_hbm,
             idx_inst, idx_pool, rows_inst, rows_pool, mean_buf,
             sem_s, sem_i, sem_p, sem_w):
    wid = lax.axis_index("s") * NC + lax.axis_index("c")
    i = wid // WPB
    q = wid % WPB

    inst_tok = i * SEQ_LEN + q * INST_W
    pool_tok = i * SEQ_LEN + INST_LEN + q * POOL_TOK_W
    out_inst = i * OUT_PER_B + q * INST_W
    out_pool = i * OUT_PER_B + INST_LEN + q * POOL_W

    id_i = pltpu.async_copy(ids_hbm.at[pl.ds(inst_tok, INST_W)],
                            idx_inst, sem_s)
    id_ps = [
        pltpu.async_copy(ids_hbm.at[pl.ds(pool_tok + c * CHUNK, CHUNK)],
                         idx_pool.at[c], sem_s)
        for c in range(N_POOL_CHUNKS)
    ]

    id_i.wait()
    cp_i = pltpu.async_copy(table_hbm.at[idx_inst], rows_inst, sem_i)
    cps = []
    for c in range(N_POOL_CHUNKS):
        id_ps[c].wait()
        cps.append(
            pltpu.async_copy(table_hbm.at[idx_pool.at[c]],
                             rows_pool.at[pl.ds(c * CHUNK, CHUNK)], sem_p))

    cp_i.wait()
    w_i = pltpu.async_copy(rows_inst,
                           out_hbm.at[0, pl.ds(out_inst, INST_W)], sem_w)

    grp_per_chunk = CHUNK // STEP

    def grp(g, carry):
        base = g * STEP
        for d in range(DIM // 16):
            s = pl.ds(d * 16, 16)
            acc = rows_pool[base, s]
            for r in range(1, STEP):
                acc = acc + rows_pool[base + r, s]
            mean_buf[g, s] = acc * jnp.float32(1.0 / STEP)
        return carry

    for c in range(N_POOL_CHUNKS):
        cps[c].wait()
        lax.fori_loop(c * grp_per_chunk, (c + 1) * grp_per_chunk, grp, 0,
                      unroll=2)

    w_m = pltpu.async_copy(mean_buf,
                           out_hbm.at[0, pl.ds(out_pool, POOL_W)], sem_w)
    w_i.wait()
    w_m.wait()


@jax.jit
def _compose(input_ids, table):
    mesh = plsc.VectorSubcoreMesh(core_axis_name="c", subcore_axis_name="s")
    f = pl.kernel(
        _sc_body,
        out_type=jax.ShapeDtypeStruct((1, B * OUT_PER_B, DIM), jnp.float32),
        mesh=mesh,
        scratch_types=[
            pltpu.VMEM((INST_W,), jnp.int32),
            pltpu.VMEM((N_POOL_CHUNKS, CHUNK), jnp.int32),
            pltpu.VMEM((INST_W, DIM), jnp.float32),
            pltpu.VMEM((POOL_TOK_W, DIM), jnp.float32),
            pltpu.VMEM((POOL_W, DIM), jnp.float32),
            pltpu.SemaphoreType.DMA,
            pltpu.SemaphoreType.DMA,
            pltpu.SemaphoreType.DMA,
            pltpu.SemaphoreType.DMA,
        ],
    )
    return f(input_ids, table)


def kernel(input_ids, seq_lens, inst_lens, steps, table):
    out = _compose(input_ids, table)
    n_steps = steps.shape[1]
    pos_inst = jnp.broadcast_to(jnp.arange(INST_LEN, dtype=jnp.int32),
                                (B, INST_LEN))
    pos_ext = (inst_lens[:, None] - 1
               + jnp.cumsum(steps, axis=1)).astype(jnp.int32)
    pos_ids = jnp.concatenate([pos_inst, pos_ext], axis=1).reshape(1, -1)
    comp_seq_lens = (inst_lens + n_steps).astype(jnp.int32)
    return out, pos_ids, comp_seq_lens

# --- scband reference (transcript-rebuilt; emitter-appended) ---
"""Pipeline reference for scband-compositional-embedder-35914516529200 (READ-ONLY COPY).

The authoritative reference and input builder live on the scoring server;
editing this copy changes nothing except your own understanding.
"""

import jax, jax.numpy as jnp
import numpy as np

B = 8
SEQ_LEN = 2048
INST_LEN = 512
STEP = 4
N_STEPS = (SEQ_LEN - INST_LEN) // STEP  # 384
VOCAB = 100000
DIM = 128


def setup_inputs(seed: int = 0) -> dict:
    key = jax.random.key(seed)
    k1, k2 = jax.random.split(key)
    input_ids = jax.random.randint(k1, (B * SEQ_LEN,), 0, VOCAB, dtype=jnp.int32)
    seq_lens = jnp.full((B,), SEQ_LEN, dtype=jnp.int32)
    inst_lens = jnp.full((B,), INST_LEN, dtype=jnp.int32)
    steps = jnp.full((B, N_STEPS), STEP, dtype=jnp.int32)
    table = jax.random.normal(k2, (VOCAB, DIM), dtype=jnp.float32) * 0.02
    return {"input_ids": input_ids, "seq_lens": seq_lens, "inst_lens": inst_lens, "steps": steps, "table": table}


def reference(input_ids, seq_lens, inst_lens, steps, table):
    # embedding lookup (gather)
    token_embeds = jnp.take(table, input_ids, axis=0)
    b = seq_lens.shape[0]
    n_steps = steps.shape[1]
    seq_len = input_ids.shape[0] // b
    inst_len = seq_len - n_steps * STEP
    offsets = jnp.concatenate(
        [jnp.zeros((1,), dtype=jnp.int32), jnp.cumsum(seq_lens)[:-1]]
    )
    seg_ids = jnp.asarray(np.repeat(np.arange(n_steps), STEP))
    result_tokens = []
    position_ids = []
    for i in range(b):
        off = offsets[i]
        il = inst_lens[i]
        step = steps[i]
        result_tokens.append(
            jax.lax.dynamic_slice_in_dim(token_embeds, off, inst_len, axis=0)
        )
        rest = jax.lax.dynamic_slice_in_dim(
            token_embeds, off + il, seq_len - inst_len, axis=0
        )
        # mean over each split == segment_sum / counts (maps to SparseCore segment reduce)
        sums = jax.ops.segment_sum(rest, seg_ids, num_segments=n_steps)
        means = sums / jnp.asarray(step, dtype=jnp.float32)[:, None]
        result_tokens.append(means)
        pos_inst = jnp.arange(inst_len, dtype=jnp.int32)
        pos_ext = (il - 1 + jnp.cumsum(step)).astype(jnp.int32)
        position_ids.append(jnp.concatenate([pos_inst, pos_ext]))
    comp_seq_lens = (inst_lens + n_steps).astype(jnp.int32)
    out = jnp.concatenate(result_tokens, axis=0)[None]
    pos_ids = jnp.concatenate(position_ids).astype(jnp.int32)[None]
    return out, pos_ids, comp_seq_lens

if __name__ == "__main__":
    import jax
    _d = setup_inputs()
    print(jax.jit(kernel)(*tuple(_d.values())))

</pallas_src>

<mosaic_0001>
#map = affine_map<(d0, d1) -> (0)>
#map1 = affine_map<(d0, d1) -> (0, 0)>
#map2 = affine_map<(d0, d1) -> (0, 0, 0)>
module attributes {stable_mosaic.version = 14 : i64} {
  func.func @_sc_body(%arg0: i32, %arg1: i32, %arg2: memref<16384xi32, #tpu.memory_space<hbm>>, %arg3: memref<100000x128xf32, #tpu.memory_space<hbm>>, %arg4: memref<1x7168x128xf32, #tpu.memory_space<hbm>>, %arg5: memref<128xi32, #tpu.memory_space<vmem>>, %arg6: memref<3x128xi32, #tpu.memory_space<vmem>>, %arg7: memref<128x128xf32, #tpu.memory_space<vmem>>, %arg8: memref<384x128xf32, #tpu.memory_space<vmem>>, %arg9: memref<96x128xf32, #tpu.memory_space<vmem>>, %arg10: memref<!tpu.dma_semaphore, #tpu.memory_space<semaphore_mem>>, %arg11: memref<!tpu.dma_semaphore, #tpu.memory_space<semaphore_mem>>, %arg12: memref<!tpu.dma_semaphore, #tpu.memory_space<semaphore_mem>>, %arg13: memref<!tpu.dma_semaphore, #tpu.memory_space<semaphore_mem>>) attributes {dimension_semantics = [#tpu.dimension_semantics<core_parallel>, #tpu.dimension_semantics<subcore_parallel>], iteration_bounds = array<i64: 2, 16>, scalar_prefetch = 0 : i64, scratch_operands = 9 : i64, tpu.core_type = #tpu.core_type<sc_vector_subcore>, window_params = [{transform_indices = #map}, {transform_indices = #map1}, {transform_indices = #map2}]} {
    %mul3A = arith.constant 2 : i32
    %mul3A_0 = arith.muli %arg1, %mul3A : i32
    %add3A = arith.addi %mul3A_0, %arg0 : i32
    %jit3A = arith.constant 4 : i32
    %div3A = arith.divsi %add3A, %jit3A : i32
    %sign3A = arith.constant 0 : i32
    %sign3A_1 = arith.cmpi sgt, %add3A, %sign3A : i32
    %sign3A_2 = arith.extui %sign3A_1 : i1 to i32
    %sign3A_3 = arith.constant 0 : i32
    %sign3A_4 = arith.cmpi slt, %add3A, %sign3A_3 : i32
    %sign3A_5 = arith.extui %sign3A_4 : i1 to i32
    %sign3A_6 = arith.subi %sign3A_2, %sign3A_5 : i32
    %sign3A_7 = arith.constant 0 : i32
    %sign3A_8 = arith.cmpi sgt, %jit3A, %sign3A_7 : i32
    %sign3A_9 = arith.extui %sign3A_8 : i1 to i32
    %sign3A_10 = arith.constant 0 : i32
    %sign3A_11 = arith.cmpi slt, %jit3A, %sign3A_10 : i32
    %sign3A_12 = arith.extui %sign3A_11 : i1 to i32
    %sign3A_13 = arith.subi %sign3A_9, %sign3A_12 : i32
    %ne3A = arith.cmpi ne, %sign3A_6, %sign3A_13 : i32
    %rem3A = arith.remsi %add3A, %jit3A : i32
    %ne3A_14 = arith.constant 0 : i32
    %ne3A_15 = arith.cmpi ne, %rem3A, %ne3A_14 : i32
    %and3A = arith.andi %ne3A, %ne3A_15 : i1
    %sub3A = arith.constant 1 : i32
    %sub3A_16 = arith.subi %div3A, %sub3A : i32
    %select_n3A = arith.select %and3A, %sub3A_16, %div3A : i32
    %jit3A_17 = arith.constant 4 : i32
    %eq3A = arith.constant 0 : i32
    %eq3A_18 = arith.cmpi eq, %jit3A_17, %eq3A : i32
    %jit3A_19 = arith.constant 1 : i32
    %select_n3A_20 = arith.select %eq3A_18, %jit3A_19, %jit3A_17 : i32
    %rem3A_21 = arith.remsi %add3A, %select_n3A_20 : i32
    %ne3A_22 = arith.constant 0 : i32
    %ne3A_23 = arith.cmpi ne, %rem3A_21, %ne3A_22 : i32
    %lt3A = arith.constant 0 : i32
    %lt3A_24 = arith.cmpi slt, %rem3A_21, %lt3A : i32
    %lt3A_25 = arith.constant 0 : i32
    %lt3A_26 = arith.cmpi slt, %select_n3A_20, %lt3A_25 : i32
    %ne3A_27 = arith.xori %lt3A_24, %lt3A_26 : i1
    %and3A_28 = arith.andi %ne3A_27, %ne3A_23 : i1
    %add3A_29 = arith.addi %rem3A_21, %select_n3A_20 : i32
    %select_n3A_30 = arith.select %and3A_28, %add3A_29, %rem3A_21 : i32
    %mul3A_31 = arith.constant 2048 : i32
    %mul3A_32 = arith.muli %select_n3A, %mul3A_31 : i32
    %mul3A_33 = arith.constant 128 : i32
    %mul3A_34 = arith.muli %select_n3A_30, %mul3A_33 : i32
    %add3A_35 = arith.addi %mul3A_32, %mul3A_34 : i32
    %mul3A_36 = arith.constant 2048 : i32
    %mul3A_37 = arith.muli %select_n3A, %mul3A_36 : i32
    %add3A_38 = arith.constant 512 : i32
    %add3A_39 = arith.addi %mul3A_37, %add3A_38 : i32
    %mul3A_40 = arith.constant 384 : i32
    %mul3A_41 = arith.muli %select_n3A_30, %mul3A_40 : i32
    %add3A_42 = arith.addi %add3A_39, %mul3A_41 : i32
    %mul3A_43 = arith.constant 896 : i32
    %mul3A_44 = arith.muli %select_n3A, %mul3A_43 : i32
    %mul3A_45 = arith.constant 128 : i32
    %mul3A_46 = arith.muli %select_n3A_30, %mul3A_45 : i32
    %add3A_47 = arith.addi %mul3A_44, %mul3A_46 : i32
    %mul3A_48 = arith.constant 896 : i32
    %mul3A_49 = arith.muli %select_n3A, %mul3A_48 : i32
    %add3A_50 = arith.constant 512 : i32
    %add3A_51 = arith.addi %mul3A_49, %add3A_50 : i32
    %mul3A_52 = arith.constant 96 : i32
    %mul3A_53 = arith.muli %select_n3A_30, %mul3A_52 : i32
    %add3A_54 = arith.addi %add3A_51, %mul3A_53 : i32
    %dma_start3A = tpu.memref_slice %arg2[%add3A_35] : memref<16384xi32, #tpu.memory_space<hbm>> -> memref<128xi32, #tpu.memory_space<hbm>>
    %dma_start3A_55 = tpu.memref_slice %arg2[%add3A_35] : memref<16384xi32, #tpu.memory_space<hbm>> -> memref<128xi32, #tpu.memory_space<hbm>>
    tpu.enqueue_dma source(%dma_start3A_55 : memref<128xi32, #tpu.memory_space<hbm>>) target(%arg5 : memref<128xi32, #tpu.memory_space<vmem>>) target_semaphore(%arg10 : memref<!tpu.dma_semaphore, #tpu.memory_space<semaphore_mem>>)
    %add3A_56 = arith.constant 0 : i32
    %add3A_57 = arith.addi %add3A_42, %add3A_56 : i32
    %dma_start3A_58 = arith.constant 0 : i32
    %dma_start3A_59 = arith.constant 0 : i32
    %dma_start3A_60 = tpu.memref_slice %arg6[%dma_start3A_58, %dma_start3A_59] : memref<3x128xi32, #tpu.memory_space<vmem>> -> memref<1x128xi32, #tpu.memory_space<vmem>>
    %dma_start3A_61 = tpu.memref_squeeze %dma_start3A_60 : memref<1x128xi32, #tpu.memory_space<vmem>> -> memref<128xi32, #tpu.memory_space<vmem>>
    %dma_start3A_62 = tpu.memref_slice %arg2[%add3A_57] : memref<16384xi32, #tpu.memory_space<hbm>> -> memref<128xi32, #tpu.memory_space<hbm>>
    %dma_start3A_63 = arith.constant 0 : i32
    %dma_start3A_64 = tpu.memref_slice %arg6[%dma_start3A_58, %dma_start3A_63] : memref<3x128xi32, #tpu.memory_space<vmem>> -> memref<1x128xi32, #tpu.memory_space<vmem>>
    %dma_start3A_65 = tpu.memref_squeeze %dma_start3A_64 : memref<1x128xi32, #tpu.memory_space<vmem>> -> memref<128xi32, #tpu.memory_space<vmem>>
    %dma_start3A_66 = tpu.memref_slice %arg2[%add3A_57] : memref<16384xi32, #tpu.memory_space<hbm>> -> memref<128xi32, #tpu.memory_space<hbm>>
    tpu.enqueue_dma source(%dma_start3A_66 : memref<128xi32, #tpu.memory_space<hbm>>) target(%dma_start3A_65 : memref<128xi32, #tpu.memory_space<vmem>>) target_semaphore(%arg10 : memref<!tpu.dma_semaphore, #tpu.memory_space<semaphore_mem>>)
    %add3A_67 = arith.constant 128 : i32
    %add3A_68 = arith.addi %add3A_42, %add3A_67 : i32
    %dma_start3A_69 = arith.constant 1 : i32
    %dma_start3A_70 = arith.constant 0 : i32
    %dma_start3A_71 = tpu.memref_slice %arg6[%dma_start3A_69, %dma_start3A_70] : memref<3x128xi32, #tpu.memory_space<vmem>> -> memref<1x128xi32, #tpu.memory_space<vmem>>
    %dma_start3A_72 = tpu.memref_squeeze %dma_start3A_71 : memref<1x128xi32, #tpu.memory_space<vmem>> -> memref<128xi32, #tpu.memory_space<vmem>>
    %dma_start3A_73 = tpu.memref_slice %arg2[%add3A_68] : memref<16384xi32, #tpu.memory_space<hbm>> -> memref<128xi32, #tpu.memory_space<hbm>>
    %dma_start3A_74 = arith.constant 0 : i32
    %dma_start3A_75 = tpu.memref_slice %arg6[%dma_start3A_69, %dma_start3A_74] : memref<3x128xi32, #tpu.memory_space<vmem>> -> memref<1x128xi32, #tpu.memory_space<vmem>>
    %dma_start3A_76 = tpu.memref_squeeze %dma_start3A_75 : memref<1x128xi32, #tpu.memory_space<vmem>> -> memref<128xi32, #tpu.memory_space<vmem>>
    %dma_start3A_77 = tpu.memref_slice %arg2[%add3A_68] : memref<16384xi32, #tpu.memory_space<hbm>> -> memref<128xi32, #tpu.memory_space<hbm>>
    tpu.enqueue_dma source(%dma_start3A_77 : memref<128xi32, #tpu.memory_space<hbm>>) target(%dma_start3A_76 : memref<128xi32, #tpu.memory_space<vmem>>) target_semaphore(%arg10 : memref<!tpu.dma_semaphore, #tpu.memory_space<semaphore_mem>>)
    %add3A_78 = arith.constant 256 : i32
    %add3A_79 = arith.addi %add3A_42, %add3A_78 : i32
    %dma_start3A_80 = arith.constant 2 : i32
    %dma_start3A_81 = arith.constant 0 : i32
    %dma_start3A_82 = tpu.memref_slice %arg6[%dma_start3A_80, %dma_start3A_81] : memref<3x128xi32, #tpu.memory_space<vmem>> -> memref<1x128xi32, #tpu.memory_space<vmem>>
    %dma_start3A_83 = tpu.memref_squeeze %dma_start3A_82 : memref<1x128xi32, #tpu.memory_space<vmem>> -> memref<128xi32, #tpu.memory_space<vmem>>
    %dma_start3A_84 = tpu.memref_slice %arg2[%add3A_79] : memref<16384xi32, #tpu.memory_space<hbm>> -> memref<128xi32, #tpu.memory_space<hbm>>
    %dma_start3A_85 = arith.constant 0 : i32
    %dma_start3A_86 = tpu.memref_slice %arg6[%dma_start3A_80, %dma_start3A_85] : memref<3x128xi32, #tpu.memory_space<vmem>> -> memref<1x128xi32, #tpu.memory_space<vmem>>
    %dma_start3A_87 = tpu.memref_squeeze %dma_start3A_86 : memref<1x128xi32, #tpu.memory_space<vmem>> -> memref<128xi32, #tpu.memory_space<vmem>>
    %dma_start3A_88 = tpu.memref_slice %arg2[%add3A_79] : memref<16384xi32, #tpu.memory_space<hbm>> -> memref<128xi32, #tpu.memory_space<hbm>>
    tpu.enqueue_dma source(%dma_start3A_88 : memref<128xi32, #tpu.memory_space<hbm>>) target(%dma_start3A_87 : memref<128xi32, #tpu.memory_space<vmem>>) target_semaphore(%arg10 : memref<!tpu.dma_semaphore, #tpu.memory_space<semaphore_mem>>)
    %dma_wait3A = tpu.memref_slice %arg2[%add3A_35] : memref<16384xi32, #tpu.memory_space<hbm>> -> memref<128xi32, #tpu.memory_space<hbm>>
    %dma_wait3A_89 = tpu.memref_slice %arg2[%add3A_35] : memref<16384xi32, #tpu.memory_space<hbm>> -> memref<128xi32, #tpu.memory_space<hbm>>
    tpu.wait_dma2 semaphore(%arg10 : memref<!tpu.dma_semaphore, #tpu.memory_space<semaphore_mem>>) src(%dma_wait3A_89 : memref<128xi32, #tpu.memory_space<hbm>>) dst(%arg5 : memref<128xi32, #tpu.memory_space<vmem>>)
    %dma_start3A_90 = arith.constant 0 : i32
    %dma_start3A_91 = arith.constant 0 : i32
    %dma_start3A_92 = tpu.memref_slice %arg3[%dma_start3A_90, %dma_start3A_91] : memref<100000x128xf32, #tpu.memory_space<hbm>> -> memref<100000x128xf32, #tpu.memory_space<hbm>>
    tpu.enqueue_indirect_dma source(%dma_start3A_92 : memref<100000x128xf32, #tpu.memory_space<hbm>>) target(%arg7 : memref<128x128xf32, #tpu.memory_space<vmem>>) offsets(%arg5 : memref<128xi32, #tpu.memory_space<vmem>>) semaphore(%arg11 : memref<!tpu.dma_semaphore, #tpu.memory_space<semaphore_mem>>)
    %dma_wait3A_93 = arith.constant 0 : i32
    %dma_wait3A_94 = arith.constant 0 : i32
    %dma_wait3A_95 = tpu.memref_slice %arg6[%dma_wait3A_93, %dma_wait3A_94] : memref<3x128xi32, #tpu.memory_space<vmem>> -> memref<1x128xi32, #tpu.memory_space<vmem>>
    %dma_wait3A_96 = tpu.memref_squeeze %dma_wait3A_95 : memref<1x128xi32, #tpu.memory_space<vmem>> -> memref<128xi32, #tpu.memory_space<vmem>>
    %dma_wait3A_97 = tpu.memref_slice %arg2[%add3A_57] : memref<16384xi32, #tpu.memory_space<hbm>> -> memref<128xi32, #tpu.memory_space<hbm>>
    %dma_wait3A_98 = arith.constant 0 : i32
    %dma_wait3A_99 = tpu.memref_slice %arg6[%dma_wait3A_93, %dma_wait3A_98] : memref<3x128xi32, #tpu.memory_space<vmem>> -> memref<1x128xi32, #tpu.memory_space<vmem>>
    %dma_wait3A_100 = tpu.memref_squeeze %dma_wait3A_99 : memref<1x128xi32, #tpu.memory_space<vmem>> -> memref<128xi32, #tpu.memory_space<vmem>>
    %dma_wait3A_101 = tpu.memref_slice %arg2[%add3A_57] : memref<16384xi32, #tpu.memory_space<hbm>> -> memref<128xi32, #tpu.memory_space<hbm>>
    tpu.wait_dma2 semaphore(%arg10 : memref<!tpu.dma_semaphore, #tpu.memory_space<semaphore_mem>>) src(%dma_wait3A_101 : memref<128xi32, #tpu.memory_space<hbm>>) dst(%dma_wait3A_100 : memref<128xi32, #tpu.memory_space<vmem>>)
    %dma_start3A_102 = arith.constant 0 : i32
    %dma_start3A_103 = arith.constant 0 : i32
    %dma_start3A_104 = arith.constant 0 : i32
    %dma_start3A_105 = tpu.memref_slice %arg8[%dma_start3A_103, %dma_start3A_104] : memref<384x128xf32, #tpu.memory_space<vmem>> -> memref<128x128xf32, #tpu.memory_space<vmem>>
    %dma_start3A_106 = arith.constant 0 : i32
    %dma_start3A_107 = tpu.memref_slice %arg6[%dma_start3A_102, %dma_start3A_106] : memref<3x128xi32, #tpu.memory_space<vmem>> -> memref<1x128xi32, #tpu.memory_space<vmem>>
    %dma_start3A_108 = tpu.memref_squeeze %dma_start3A_107 : memref<1x128xi32, #tpu.memory_space<vmem>> -> memref<128xi32, #tpu.memory_space<vmem>>
    %dma_start3A_109 = arith.constant 0 : i32
    %dma_start3A_110 = arith.constant 0 : i32
    %dma_start3A_111 = tpu.memref_slice %arg3[%dma_start3A_109, %dma_start3A_110] : memref<100000x128xf32, #tpu.memory_space<hbm>> -> memref<100000x128xf32, #tpu.memory_space<hbm>>
    tpu.enqueue_indirect_dma source(%dma_start3A_111 : memref<100000x128xf32, #tpu.memory_space<hbm>>) target(%dma_start3A_105 : memref<128x128xf32, #tpu.memory_space<vmem>>) offsets(%dma_start3A_108 : memref<128xi32, #tpu.memory_space<vmem>>) semaphore(%arg12 : memref<!tpu.dma_semaphore, #tpu.memory_space<semaphore_mem>>)
    %dma_wait3A_112 = arith.constant 1 : i32
    %dma_wait3A_113 = arith.constant 0 : i32
    %dma_wait3A_114 = tpu.memref_slice %arg6[%dma_wait3A_112, %dma_wait3A_113] : memref<3x128xi32, #tpu.memory_space<vmem>> -> memref<1x128xi32, #tpu.memory_space<vmem>>
    %dma_wait3A_115 = tpu.memref_squeeze %dma_wait3A_114 : memref<1x128xi32, #tpu.memory_space<vmem>> -> memref<128xi32, #tpu.memory_space<vmem>>
    %dma_wait3A_116 = tpu.memref_slice %arg2[%add3A_68] : memref<16384xi32, #tpu.memory_space<hbm>> -> memref<128xi32, #tpu.memory_space<hbm>>
    %dma_wait3A_117 = arith.constant 0 : i32
    %dma_wait3A_118 = tpu.memref_slice %arg6[%dma_wait3A_112, %dma_wait3A_117] : memref<3x128xi32, #tpu.memory_space<vmem>> -> memref<1x128xi32, #tpu.memory_space<vmem>>
    %dma_wait3A_119 = tpu.memref_squeeze %dma_wait3A_118 : memref<1x128xi32, #tpu.memory_space<vmem>> -> memref<128xi32, #tpu.memory_space<vmem>>
    %dma_wait3A_120 = tpu.memref_slice %arg2[%add3A_68] : memref<16384xi32, #tpu.memory_space<hbm>> -> memref<128xi32, #tpu.memory_space<hbm>>
    tpu.wait_dma2 semaphore(%arg10 : memref<!tpu.dma_semaphore, #tpu.memory_space<semaphore_mem>>) src(%dma_wait3A_120 : memref<128xi32, #tpu.memory_space<hbm>>) dst(%dma_wait3A_119 : memref<128xi32, #tpu.memory_space<vmem>>)
    %dma_start3A_121 = arith.constant 1 : i32
    %dma_start3A_122 = arith.constant 128 : i32
    %dma_start3A_123 = arith.constant 0 : i32
    %dma_start3A_124 = tpu.memref_slice %arg8[%dma_start3A_122, %dma_start3A_123] : memref<384x128xf32, #tpu.memory_space<vmem>> -> memref<128x128xf32, #tpu.memory_space<vmem>>
    %dma_start3A_125 = arith.constant 0 : i32
    %dma_start3A_126 = tpu.memref_slice %arg6[%dma_start3A_121, %dma_start3A_125] : memref<3x128xi32, #tpu.memory_space<vmem>> -> memref<1x128xi32, #tpu.memory_space<vmem>>
    %dma_start3A_127 = tpu.memref_squeeze %dma_start3A_126 : memref<1x128xi32, #tpu.memory_space<vmem>> -> memref<128xi32, #tpu.memory_space<vmem>>
    %dma_start3A_128 = arith.constant 0 : i32
    %dma_start3A_129 = arith.constant 0 : i32
    %dma_start3A_130 = tpu.memref_slice %arg3[%dma_start3A_128, %dma_start3A_129] : memref<100000x128xf32, #tpu.memory_space<hbm>> -> memref<100000x128xf32, #tpu.memory_space<hbm>>
    tpu.enqueue_indirect_dma source(%dma_start3A_130 : memref<100000x128xf32, #tpu.memory_space<hbm>>) target(%dma_start3A_124 : memref<128x128xf32, #tpu.memory_space<vmem>>) offsets(%dma_start3A_127 : memref<128xi32, #tpu.memory_space<vmem>>) semaphore(%arg12 : memref<!tpu.dma_semaphore, #tpu.memory_space<semaphore_mem>>)
    %dma_wait3A_131 = arith.constant 2 : i32
    %dma_wait3A_132 = arith.constant 0 : i32
    %dma_wait3A_133 = tpu.memref_slice %arg6[%dma_wait3A_131, %dma_wait3A_132] : memref<3x128xi32, #tpu.memory_space<vmem>> -> memref<1x128xi32, #tpu.memory_space<vmem>>
    %dma_wait3A_134 = tpu.memref_squeeze %dma_wait3A_133 : memref<1x128xi32, #tpu.memory_space<vmem>> -> memref<128xi32, #tpu.memory_space<vmem>>
    %dma_wait3A_135 = tpu.memref_slice %arg2[%add3A_79] : memref<16384xi32, #tpu.memory_space<hbm>> -> memref<128xi32, #tpu.memory_space<hbm>>
    %dma_wait3A_136 = arith.constant 0 : i32
    %dma_wait3A_137 = tpu.memref_slice %arg6[%dma_wait3A_131, %dma_wait3A_136] : memref<3x128xi32, #tpu.memory_space<vmem>> -> memref<1x128xi32, #tpu.memory_space<vmem>>
    %dma_wait3A_138 = tpu.memref_squeeze %dma_wait3A_137 : memref<1x128xi32, #tpu.memory_space<vmem>> -> memref<128xi32, #tpu.memory_space<vmem>>
    %dma_wait3A_139 = tpu.memref_slice %arg2[%add3A_79] : memref<16384xi32, #tpu.memory_space<hbm>> -> memref<128xi32, #tpu.memory_space<hbm>>
    tpu.wait_dma2 semaphore(%arg10 : memref<!tpu.dma_semaphore, #tpu.memory_space<semaphore_mem>>) src(%dma_wait3A_139 : memref<128xi32, #tpu.memory_space<hbm>>) dst(%dma_wait3A_138 : memref<128xi32, #tpu.memory_space<vmem>>)
    %dma_start3A_140 = arith.constant 2 : i32
    %dma_start3A_141 = arith.constant 256 : i32
    %dma_start3A_142 = arith.constant 0 : i32
    %dma_start3A_143 = tpu.memref_slice %arg8[%dma_start3A_141, %dma_start3A_142] : memref<384x128xf32, #tpu.memory_space<vmem>> -> memref<128x128xf32, #tpu.memory_space<vmem>>
    %dma_start3A_144 = arith.constant 0 : i32
    %dma_start3A_145 = tpu.memref_slice %arg6[%dma_start3A_140, %dma_start3A_144] : memref<3x128xi32, #tpu.memory_space<vmem>> -> memref<1x128xi32, #tpu.memory_space<vmem>>
    %dma_start3A_146 = tpu.memref_squeeze %dma_start3A_145 : memref<1x128xi32, #tpu.memory_space<vmem>> -> memref<128xi32, #tpu.memory_space<vmem>>
    %dma_start3A_147 = arith.constant 0 : i32
    %dma_start3A_148 = arith.constant 0 : i32
    %dma_start3A_149 = tpu.memref_slice %arg3[%dma_start3A_147, %dma_start3A_148] : memref<100000x128xf32, #tpu.memory_space<hbm>> -> memref<100000x128xf32, #tpu.memory_space<hbm>>
    tpu.enqueue_indirect_dma source(%dma_start3A_149 : memref<100000x128xf32, #tpu.memory_space<hbm>>) target(%dma_start3A_143 : memref<128x128xf32, #tpu.memory_space<vmem>>) offsets(%dma_start3A_146 : memref<128xi32, #tpu.memory_space<vmem>>) semaphore(%arg12 : memref<!tpu.dma_semaphore, #tpu.memory_space<semaphore_mem>>)
    %dma_wait3A_150 = arith.constant 0 : i32
    %dma_wait3A_151 = arith.constant 0 : i32
    %dma_wait3A_152 = tpu.memref_slice %arg3[%dma_wait3A_150, %dma_wait3A_151] : memref<100000x128xf32, #tpu.memory_space<hbm>> -> memref<100000x128xf32, #tpu.memory_space<hbm>>
    tpu.wait_indirect_dma semaphore(%arg11 : memref<!tpu.dma_semaphore, #tpu.memory_space<semaphore_mem>>) src(%dma_wait3A_152 : memref<100000x128xf32, #tpu.memory_space<hbm>>) dst(%arg7 : memref<128x128xf32, #tpu.memory_space<vmem>>)
    %dma_start3A_153 = arith.constant 0 : i32
    %dma_start3A_154 = arith.constant 0 : i32
    %dma_start3A_155 = tpu.memref_slice %arg4[%dma_start3A_153, %add3A_47, %dma_start3A_154] : memref<1x7168x128xf32, #tpu.memory_space<hbm>> -> memref<1x128x128xf32, #tpu.memory_space<hbm>>
    %dma_start3A_156 = tpu.memref_squeeze %dma_start3A_155 : memref<1x128x128xf32, #tpu.memory_space<hbm>> -> memref<128x128xf32, #tpu.memory_space<hbm>>
    %dma_start3A_157 = arith.constant 0 : i32
    %dma_start3A_158 = tpu.memref_slice %arg4[%dma_start3A_153, %add3A_47, %dma_start3A_157] : memref<1x7168x128xf32, #tpu.memory_space<hbm>> -> memref<1x128x128xf32, #tpu.memory_space<hbm>>
    %dma_start3A_159 = tpu.memref_squeeze %dma_start3A_158 : memref<1x128x128xf32, #tpu.memory_space<hbm>> -> memref<128x128xf32, #tpu.memory_space<hbm>>
    tpu.enqueue_dma source(%arg7 : memref<128x128xf32, #tpu.memory_space<vmem>>) target(%dma_start3A_159 : memref<128x128xf32, #tpu.memory_space<hbm>>) target_semaphore(%arg13 : memref<!tpu.dma_semaphore, #tpu.memory_space<semaphore_mem>>)
    %dma_wait3A_160 = arith.constant 0 : i32
    %dma_wait3A_161 = arith.constant 0 : i32
    %dma_wait3A_162 = arith.constant 0 : i32
    %dma_wait3A_163 = tpu.memref_slice %arg8[%dma_wait3A_161, %dma_wait3A_162] : memref<384x128xf32, #tpu.memory_space<vmem>> -> memref<128x128xf32, #tpu.memory_space<vmem>>
    %dma_wait3A_164 = arith.constant 0 : i32
    %dma_wait3A_165 = tpu.memref_slice %arg6[%dma_wait3A_160, %dma_wait3A_164] : memref<3x128xi32, #tpu.memory_space<vmem>> -> memref<1x128xi32, #tpu.memory_space<vmem>>
    %dma_wait3A_166 = tpu.memref_squeeze %dma_wait3A_165 : memref<1x128xi32, #tpu.memory_space<vmem>> -> memref<128xi32, #tpu.memory_space<vmem>>
    %dma_wait3A_167 = arith.constant 0 : i32
    %dma_wait3A_168 = arith.constant 0 : i32
    %dma_wait3A_169 = tpu.memref_slice %arg3[%dma_wait3A_167, %dma_wait3A_168] : memref<100000x128xf32, #tpu.memory_space<hbm>> -> memref<100000x128xf32, #tpu.memory_space<hbm>>
    tpu.wait_indirect_dma semaphore(%arg12 : memref<!tpu.dma_semaphore, #tpu.memory_space<semaphore_mem>>) src(%dma_wait3A_169 : memref<100000x128xf32, #tpu.memory_space<hbm>>) dst(%dma_wait3A_163 : memref<128x128xf32, #tpu.memory_space<vmem>>)
    %scan3A = arith.constant 0 : i32
    %scan3A_170 = arith.constant 0 : i32
    %scan3A_171 = arith.constant 32 : i32
    %scan3A_172 = arith.addi %scan3A_170, %scan3A_171 : i32
    %scan3A_173 = arith.constant 2 : i32
    scf.for %scan3A_228 = %scan3A_170 to %scan3A_172 step %scan3A_173  : i32 {
      %mul3A_229 = arith.constant 4 : i32
      %mul3A_230 = arith.muli %scan3A_228, %mul3A_229 : i32
      %get3A = arith.index_cast %mul3A_230 : i32 to index
      %get3A_231 = arith.constant 0 : index
      %get3A_232 = tpu.vector_load %arg8[%get3A, %get3A_231] {strides = array<i32>} : memref<384x128xf32, #tpu.memory_space<vmem>>, vector<1x16xf32>,
      %get3A_233 = vector.shape_cast %get3A_232 : vector<1x16xf32> to vector<16xf32>
      %add3A_234 = arith.constant 1 : i32
      %add3A_235 = arith.addi %mul3A_230, %add3A_234 : i32
      %get3A_236 = arith.index_cast %add3A_235 : i32 to index
      %get3A_237 = arith.constant 0 : index
      %get3A_238 = tpu.vector_load %arg8[%get3A_236, %get3A_237] {strides = array<i32>} : memref<384x128xf32, #tpu.memory_space<vmem>>, vector<1x16xf32>,
      %get3A_239 = vector.shape_cast %get3A_238 : vector<1x16xf32> to vector<16xf32>
      %add3A_240 = arith.addf %get3A_233, %get3A_239 : vector<16xf32>
      %add3A_241 = arith.constant 2 : i32
      %add3A_242 = arith.addi %mul3A_230, %add3A_241 : i32
      %get3A_243 = arith.index_cast %add3A_242 : i32 to index
      %get3A_244 = arith.constant 0 : index
      %get3A_245 = tpu.vector_load %arg8[%get3A_243, %get3A_244] {strides = array<i32>} : memref<384x128xf32, #tpu.memory_space<vmem>>, vector<1x16xf32>,
      %get3A_246 = vector.shape_cast %get3A_245 : vector<1x16xf32> to vector<16xf32>
      %add3A_247 = arith.addf %add3A_240, %get3A_246 : vector<16xf32>
      %add3A_248 = arith.constant 3 : i32
      %add3A_249 = arith.addi %mul3A_230, %add3A_248 : i32
      %get3A_250 = arith.index_cast %add3A_249 : i32 to index
      %get3A_251 = arith.constant 0 : index
      %get3A_252 = tpu.vector_load %arg8[%get3A_250, %get3A_251] {strides = array<i32>} : memref<384x128xf32, #tpu.memory_space<vmem>>, vector<1x16xf32>,
      %get3A_253 = vector.shape_cast %get3A_252 : vector<1x16xf32> to vector<16xf32>
      %add3A_254 = arith.addf %add3A_247, %get3A_253 : vector<16xf32>
      %mul3A_255 = arith.constant 2.500000e-01 : f32
      %mul3A_256 = vector.broadcast %mul3A_255 : f32 to vector<16xf32>
      %mul3A_257 = arith.mulf %add3A_254, %mul3A_256 : vector<16xf32>
      %swap3A = arith.index_cast %scan3A_228 : i32 to index
      %swap3A_258 = arith.constant 0 : index
      %swap3A_259 = tpu.vector_load %arg9[%swap3A, %swap3A_258] {strides = array<i32>} : memref<96x128xf32, #tpu.memory_space<vmem>>, vector<1x16xf32>,
      %swap3A_260 = vector.shape_cast %swap3A_259 : vector<1x16xf32> to vector<16xf32>
      %swap3A_261 = vector.shape_cast %mul3A_257 : vector<16xf32> to vector<1x16xf32>
      tpu.vector_store %arg9[%swap3A, %swap3A_258], %swap3A_261 {strides = array<i32>} : memref<96x128xf32, #tpu.memory_space<vmem>>, vector<1x16xf32>,
      %get3A_262 = arith.index_cast %mul3A_230 : i32 to index
      %get3A_263 = arith.constant 16 : index
      %get3A_264 = tpu.vector_load %arg8[%get3A_262, %get3A_263] {strides = array<i32>} : memref<384x128xf32, #tpu.memory_space<vmem>>, vector<1x16xf32>,
      %get3A_265 = vector.shape_cast %get3A_264 : vector<1x16xf32> to vector<16xf32>
      %add3A_266 = arith.constant 1 : i32
      %add3A_267 = arith.addi %mul3A_230, %add3A_266 : i32
      %get3A_268 = arith.index_cast %add3A_267 : i32 to index
      %get3A_269 = arith.constant 16 : index
      %get3A_270 = tpu.vector_load %arg8[%get3A_268, %get3A_269] {strides = array<i32>} : memref<384x128xf32, #tpu.memory_space<vmem>>, vector<1x16xf32>,
      %get3A_271 = vector.shape_cast %get3A_270 : vector<1x16xf32> to vector<16xf32>
      %add3A_272 = arith.addf %get3A_265, %get3A_271 : vector<16xf32>
      %add3A_273 = arith.constant 2 : i32
      %add3A_274 = arith.addi %mul3A_230, %add3A_273 : i32
      %get3A_275 = arith.index_cast %add3A_274 : i32 to index
      %get3A_276 = arith.constant 16 : index
      %get3A_277 = tpu.vector_load %arg8[%get3A_275, %get3A_276] {strides = array<i32>} : memref<384x128xf32, #tpu.memory_space<vmem>>, vector<1x16xf32>,
      %get3A_278 = vector.shape_cast %get3A_277 : vector<1x16xf32> to vector<16xf32>
      %add3A_279 = arith.addf %add3A_272, %get3A_278 : vector<16xf32>
      %add3A_280 = arith.constant 3 : i32
      %add3A_281 = arith.addi %mul3A_230, %add3A_280 : i32
      %get3A_282 = arith.index_cast %add3A_281 : i32 to index
      %get3A_283 = arith.constant 16 : index
      %get3A_284 = tpu.vector_load %arg8[%get3A_282, %get3A_283] {strides = array<i32>} : memref<384x128xf32, #tpu.memory_space<vmem>>, vector<1x16xf32>,
      %get3A_285 = vector.shape_cast %get3A_284 : vector<1x16xf32> to vector<16xf32>
      %add3A_286 = arith.addf %add3A_279, %get3A_285 : vector<16xf32>
      %mul3A_287 = arith.constant 2.500000e-01 : f32
      %mul3A_288 = vector.broadcast %mul3A_287 : f32 to vector<16xf32>
      %mul3A_289 = arith.mulf %add3A_286, %mul3A_288 : vector<16xf32>
      %swap3A_290 = arith.index_cast %scan3A_228 : i32 to index
      %swap3A_291 = arith.constant 16 : index
      %swap3A_292 = tpu.vector_load %arg9[%swap3A_290, %swap3A_291] {strides = array<i32>} : memref<96x128xf32, #tpu.memory_space<vmem>>, vector<1x16xf32>,
      %swap3A_293 = vector.shape_cast %swap3A_292 : vector<1x16xf32> to vector<16xf32>
      %swap3A_294 = vector.shape_cast %mul3A_289 : vector<16xf32> to vector<1x16xf32>
      tpu.vector_store %arg9[%swap3A_290, %swap3A_291], %swap3A_294 {strides = array<i32>} : memref<96x128xf32, #tpu.memory_space<vmem>>, vector<1x16xf32>,
      %get3A_295 = arith.index_cast %mul3A_230 : i32 to index
      %get3A_296 = arith.constant 32 : index
      %get3A_297 = tpu.vector_load %arg8[%get3A_295, %get3A_296] {strides = array<i32>} : memref<384x128xf32, #tpu.memory_space<vmem>>, vector<1x16xf32>,
      %get3A_298 = vector.shape_cast %get3A_297 : vector<1x16xf32> to vector<16xf32>
      %add3A_299 = arith.constant 1 : i32
      %add3A_300 = arith.addi %mul3A_230, %add3A_299 : i32
      %get3A_301 = arith.index_cast %add3A_300 : i32 to index
      %get3A_302 = arith.constant 32 : index
      %get3A_303 = tpu.vector_load %arg8[%get3A_301, %get3A_302] {strides = array<i32>} : memref<384x128xf32, #tpu.memory_space<vmem>>, vector<1x16xf32>,
      %get3A_304 = vector.shape_cast %get3A_303 : vector<1x16xf32> to vector<16xf32>
      %add3A_305 = arith.addf %get3A_298, %get3A_304 : vector<16xf32>
      %add3A_306 = arith.constant 2 : i32
      %add3A_307 = arith.addi %mul3A_230, %add3A_306 : i32
      %get3A_308 = arith.index_cast %add3A_307 : i32 to index
      %get3A_309 = arith.constant 32 : index
      %get3A_310 = tpu.vector_load %arg8[%get3A_308, %get3A_309] {strides = array<i32>} : memref<384x128xf32, #tpu.memory_space<vmem>>, vector<1x16xf32>,
      %get3A_311 = vector.shape_cast %get3A_310 : vector<1x16xf32> to vector<16xf32>
      %add3A_312 = arith.addf %add3A_305, %get3A_311 : vector<16xf32>
      %add3A_313 = arith.constant 3 : i32
      %add3A_314 = arith.addi %mul3A_230, %add3A_313 : i32
      %get3A_315 = arith.index_cast %add3A_314 : i32 to index
      %get3A_316 = arith.constant 32 : index
      %get3A_317 = tpu.vector_load %arg8[%get3A_315, %get3A_316] {strides = array<i32>} : memref<384x128xf32, #tpu.memory_space<vmem>>, vector<1x16xf32>,
      %get3A_318 = vector.shape_cast %get3A_317 : vector<1x16xf32> to vector<16xf32>
      %add3A_319 = arith.addf %add3A_312, %get3A_318 : vector<16xf32>
      %mul3A_320 = arith.constant 2.500000e-01 : f32
      %mul3A_321 = vector.broadcast %mul3A_320 : f32 to vector<16xf32>
      %mul3A_322 = arith.mulf %add3A_319, %mul3A_321 : vector<16xf32>
      %swap3A_323 = arith.index_cast %scan3A_228 : i32 to index
      %swap3A_324 = arith.constant 32 : index
      %swap3A_325 = tpu.vector_load %arg9[%swap3A_323, %swap3A_324] {strides = array<i32>} : memref<96x128xf32, #tpu.memory_space<vmem>>, vector<1x16xf32>,
      %swap3A_326 = vector.shape_cast %swap3A_325 : vector<1x16xf32> to vector<16xf32>
      %swap3A_327 = vector.shape_cast %mul3A_322 : vector<16xf32> to vector<1x16xf32>
      tpu.vector_store %arg9[%swap3A_323, %swap3A_324], %swap3A_327 {strides = array<i32>} : memref<96x128xf32, #tpu.memory_space<vmem>>, vector<1x16xf32>,
      %get3A_328 = arith.index_cast %mul3A_230 : i32 to index
      %get3A_329 = arith.constant 48 : index
      %get3A_330 = tpu.vector_load %arg8[%get3A_328, %get3A_329] {strides = array<i32>} : memref<384x128xf32, #tpu.memory_space<vmem>>, vector<1x16xf32>,
      %get3A_331 = vector.shape_cast %get3A_330 : vector<1x16xf32> to vector<16xf32>
      %add3A_332 = arith.constant 1 : i32
      %add3A_333 = arith.addi %mul3A_230, %add3A_332 : i32
      %get3A_334 = arith.index_cast %add3A_333 : i32 to index
      %get3A_335 = arith.constant 48 : index
      %get3A_336 = tpu.vector_load %arg8[%get3A_334, %get3A_335] {strides = array<i32>} : memref<384x128xf32, #tpu.memory_space<vmem>>, vector<1x16xf32>,
      %get3A_337 = vector.shape_cast %get3A_336 : vector<1x16xf32> to vector<16xf32>
      %add3A_338 = arith.addf %get3A_331, %get3A_337 : vector<16xf32>
      %add3A_339 = arith.constant 2 : i32
      %add3A_340 = arith.addi %mul3A_230, %add3A_339 : i32
      %get3A_341 = arith.index_cast %add3A_340 : i32 to index
      %get3A_342 = arith.constant 48 : index
      %get3A_343 = tpu.vector_load %arg8[%get3A_341, %get3A_342] {strides = array<i32>} : memref<384x128xf32, #tpu.memory_space<vmem>>, vector<1x16xf32>,
      %get3A_344 = vector.shape_cast %get3A_343 : vector<1x16xf32> to vector<16xf32>
      %add3A_345 = arith.addf %add3A_338, %get3A_344 : vector<16xf32>
      %add3A_346 = arith.constant 3 : i32
      %add3A_347 = arith.addi %mul3A_230, %add3A_346 : i32
      %get3A_348 = arith.index_cast %add3A_347 : i32 to index
      %get3A_349 = arith.constant 48 : index
      %get3A_350 = tpu.vector_load %arg8[%get3A_348, %get3A_349] {strides = array<i32>} : memref<384x128xf32, #tpu.memory_space<vmem>>, vector<1x16xf32>,
      %get3A_351 = vector.shape_cast %get3A_350 : vector<1x16xf32> to vector<16xf32>
      %add3A_352 = arith.addf %add3A_345, %get3A_351 : vector<16xf32>
      %mul3A_353 = arith.constant 2.500000e-01 : f32
      %mul3A_354 = vector.broadcast %mul3A_353 : f32 to vector<16xf32>
      %mul3A_355 = arith.mulf %add3A_352, %mul3A_354 : vector<16xf32>
      %swap3A_356 = arith.index_cast %scan3A_228 : i32 to index
      %swap3A_357 = arith.constant 48 : index
      %swap3A_358 = tpu.vector_load %arg9[%swap3A_356, %swap3A_357] {strides = array<i32>} : memref<96x128xf32, #tpu.memory_space<vmem>>, vector<1x16xf32>,
      %swap3A_359 = vector.shape_cast %swap3A_358 : vector<1x16xf32> to vector<16xf32>
      %swap3A_360 = vector.shape_cast %mul3A_355 : vector<16xf32> to vector<1x16xf32>
      tpu.vector_store %arg9[%swap3A_356, %swap3A_357], %swap3A_360 {strides = array<i32>} : memref<96x128xf32, #tpu.memory_space<vmem>>, vector<1x16xf32>,
      %get3A_361 = arith.index_cast %mul3A_230 : i32 to index
      %get3A_362 = arith.constant 64 : index
      %get3A_363 = tpu.vector_load %arg8[%get3A_361, %get3A_362] {strides = array<i32>} : memref<384x128xf32, #tpu.memory_space<vmem>>, vector<1x16xf32>,
      %get3A_364 = vector.shape_cast %get3A_363 : vector<1x16xf32> to vector<16xf32>
      %add3A_365 = arith.constant 1 : i32
      %add3A_366 = arith.addi %mul3A_230, %add3A_365 : i32
      %get3A_367 = arith.index_cast %add3A_366 : i32 to index
      %get3A_368 = arith.constant 64 : index
      %get3A_369 = tpu.vector_load %arg8[%get3A_367, %get3A_368] {strides = array<i32>} : memref<384x128xf32, #tpu.memory_space<vmem>>, vector<1x16xf32>,
      %get3A_370 = vector.shape_cast %get3A_369 : vector<1x16xf32> to vector<16xf32>
      %add3A_371 = arith.addf %get3A_364, %get3A_370 : vector<16xf32>
      %add3A_372 = arith.constant 2 : i32
      %add3A_373 = arith.addi %mul3A_230, %add3A_372 : i32
      %get3A_374 = arith.index_cast %add3A_373 : i32 to index
      %get3A_375 = arith.constant 64 : index
      %get3A_376 = tpu.vector_load %arg8[%get3A_374, %get3A_375] {strides = array<i32>} : memref<384x128xf32, #tpu.memory_space<vmem>>, vector<1x16xf32>,
      %get3A_377 = vector.shape_cast %get3A_376 : vector<1x16xf32> to vector<16xf32>
      %add3A_378 = arith.addf %add3A_371, %get3A_377 : vector<16xf32>
      %add3A_379 = arith.constant 3 : i32
      %add3A_380 = arith.addi %mul3A_230, %add3A_379 : i32
      %get3A_381 = arith.index_cast %add3A_380 : i32 to index
      %get3A_382 = arith.constant 64 : index
      %get3A_383 = tpu.vector_load %arg8[%get3A_381, %get3A_382] {strides = array<i32>} : memref<384x128xf32, #tpu.memory_space<vmem>>, vector<1x16xf32>,
      %get3A_384 = vector.shape_cast %get3A_383 : vector<1x16xf32> to vector<16xf32>
      %add3A_385 = arith.addf %add3A_378, %get3A_384 : vector<16xf32>
      %mul3A_386 = arith.constant 2.500000e-01 : f32
      %mul3A_387 = vector.broadcast %mul3A_386 : f32 to vector<16xf32>
      %mul3A_388 = arith.mulf %add3A_385, %mul3A_387 : vector<16xf32>
      %swap3A_389 = arith.index_cast %scan3A_228 : i32 to index
      %swap3A_390 = arith.constant 64 : index
      %swap3A_391 = tpu.vector_load %arg9[%swap3A_389, %swap3A_390] {strides = array<i32>} : memref<96x128xf32, #tpu.memory_space<vmem>>, vector<1x16xf32>,
      %swap3A_392 = vector.shape_cast %swap3A_391 : vector<1x16xf32> to vector<16xf32>
      %swap3A_393 = vector.shape_cast %mul3A_388 : vector<16xf32> to vector<1x16xf32>
      tpu.vector_store %arg9[%swap3A_389, %swap3A_390], %swap3A_393 {strides = array<i32>} : memref<96x128xf32, #tpu.memory_space<vmem>>, vector<1x16xf32>,
      %get3A_394 = arith.index_cast %mul3A_230 : i32 to index
      %get3A_395 = arith.constant 80 : index
      %get3A_396 = tpu.vector_load %arg8[%get3A_394, %get3A_395] {strides = array<i32>} : memref<384x128xf32, #tpu.memory_space<vmem>>, vector<1x16xf32>,
      %get3A_397 = vector.shape_cast %get3A_396 : vector<1x16xf32> to vector<16xf32>
      %add3A_398 = arith.constant 1 : i32
      %add3A_399 = arith.addi %mul3A_230, %add3A_398 : i32
      %get3A_400 = arith.index_cast %add3A_399 : i32 to index
      %get3A_401 = arith.constant 80 : index
      %get3A_402 = tpu.vector_load %arg8[%get3A_400, %get3A_401] {strides = array<i32>} : memref<384x128xf32, #tpu.memory_space<vmem>>, vector<1x16xf32>,
      %get3A_403 = vector.shape_cast %get3A_402 : vector<1x16xf32> to vector<16xf32>
      %add3A_404 = arith.addf %get3A_397, %get3A_403 : vector<16xf32>
      %add3A_405 = arith.constant 2 : i32
      %add3A_406 = arith.addi %mul3A_230, %add3A_405 : i32
      %get3A_407 = arith.index_cast %add3A_406 : i32 to index
      %get3A_408 = arith.constant 80 : index
      %get3A_409 = tpu.vector_load %arg8[%get3A_407, %get3A_408] {strides = array<i32>} : memref<384x128xf32, #tpu.memory_space<vmem>>, vector<1x16xf32>,
      %get3A_410 = vector.shape_cast %get3A_409 : vector<1x16xf32> to vector<16xf32>
      %add3A_411 = arith.addf %add3A_404, %get3A_410 : vector<16xf32>
      %add3A_412 = arith.constant 3 : i32
      %add3A_413 = arith.addi %mul3A_230, %add3A_412 : i32
      %get3A_414 = arith.index_cast %add3A_413 : i32 to index
      %get3A_415 = arith.constant 80 : index
      %get3A_416 = tpu.vector_load %arg8[%get3A_414, %get3A_415] {strides = array<i32>} : memref<384x128xf32, #tpu.memory_space<vmem>>, vector<1x16xf32>,
      %get3A_417 = vector.shape_cast %get3A_416 : vector<1x16xf32> to vector<16xf32>
      %add3A_418 = arith.addf %add3A_411, %get3A_417 : vector<16xf32>
      %mul3A_419 = arith.constant 2.500000e-01 : f32
      %mul3A_420 = vector.broadcast %mul3A_419 : f32 to vector<16xf32>
      %mul3A_421 = arith.mulf %add3A_418, %mul3A_420 : vector<16xf32>
      %swap3A_422 = arith.index_cast %scan3A_228 : i32 to index
      %swap3A_423 = arith.constant 80 : index
      %swap3A_424 = tpu.vector_load %arg9[%swap3A_422, %swap3A_423] {strides = array<i32>} : memref<96x128xf32, #tpu.memory_space<vmem>>, vector<1x16xf32>,
      %swap3A_425 = vector.shape_cast %swap3A_424 : vector<1x16xf32> to vector<16xf32>
      %swap3A_426 = vector.shape_cast %mul3A_421 : vector<16xf32> to vector<1x16xf32>
      tpu.vector_store %arg9[%swap3A_422, %swap3A_423], %swap3A_426 {strides = array<i32>} : memref<96x128xf32, #tpu.memory_space<vmem>>, vector<1x16xf32>,
      %get3A_427 = arith.index_cast %mul3A_230 : i32 to index
      %get3A_428 = arith.constant 96 : index
      %get3A_429 = tpu.vector_load %arg8[%get3A_427, %get3A_428] {strides = array<i32>} : memref<384x128xf32, #tpu.memory_space<vmem>>, vector<1x16xf32>,
      %get3A_430 = vector.shape_cast %get3A_429 : vector<1x16xf32> to vector<16xf32>
      %add3A_431 = arith.constant 1 : i32
      %add3A_432 = arith.addi %mul3A_230, %add3A_431 : i32
      %get3A_433 = arith.index_cast %add3A_432 : i32 to index
      %get3A_434 = arith.constant 96 : index
      %get3A_435 = tpu.vector_load %arg8[%get3A_433, %get3A_434] {strides = array<i32>} : memref<384x128xf32, #tpu.memory_space<vmem>>, vector<1x16xf32>,
      %get3A_436 = vector.shape_cast %get3A_435 : vector<1x16xf32> to vector<16xf32>
      %add3A_437 = arith.addf %get3A_430, %get3A_436 : vector<16xf32>
      %add3A_438 = arith.constant 2 : i32
      %add3A_439 = arith.addi %mul3A_230, %add3A_438 : i32
      %get3A_440 = arith.index_cast %add3A_439 : i32 to index
      %get3A_441 = arith.constant 96 : index
      %get3A_442 = tpu.vector_load %arg8[%get3A_440, %get3A_441] {strides = array<i32>} : memref<384x128xf32, #tpu.memory_space<vmem>>, vector<1x16xf32>,
      %get3A_443 = vector.shape_cast %get3A_442 : vector<1x16xf32> to vector<16xf32>
      %add3A_444 = arith.addf %add3A_437, %get3A_443 : vector<16xf32>
      %add3A_445 = arith.constant 3 : i32
      %add3A_446 = arith.addi %mul3A_230, %add3A_445 : i32
      %get3A_447 = arith.index_cast %add3A_446 : i32 to index
      %get3A_448 = arith.constant 96 : index
      %get3A_449 = tpu.vector_load %arg8[%get3A_447, %get3A_448] {strides = array<i32>} : memref<384x128xf32, #tpu.memory_space<vmem>>, vector<1x16xf32>,
      %get3A_450 = vector.shape_cast %get3A_449 : vector<1x16xf32> to vector<16xf32>
      %add3A_451 = arith.addf %add3A_444, %get3A_450 : vector<16xf32>
      %mul3A_452 = arith.constant 2.500000e-01 : f32
      %mul3A_453 = vector.broadcast %mul3A_452 : f32 to vector<16xf32>
      %mul3A_454 = arith.mulf %add3A_451, %mul3A_453 : vector<16xf32>
      %swap3A_455 = arith.index_cast %scan3A_228 : i32 to index
      %swap3A_456 = arith.constant 96 : index
      %swap3A_457 = tpu.vector_load %arg9[%swap3A_455, %swap3A_456] {strides = array<i32>} : memref<96x128xf32, #tpu.memory_space<vmem>>, vector<1x16xf32>,
      %swap3A_458 = vector.shape_cast %swap3A_457 : vector<1x16xf32> to vector<16xf32>
      %swap3A_459 = vector.shape_cast %mul3A_454 : vector<16xf32> to vector<1x16xf32>
      tpu.vector_store %arg9[%swap3A_455, %swap3A_456], %swap3A_459 {strides = array<i32>} : memref<96x128xf32, #tpu.memory_space<vmem>>, vector<1x16xf32>,
      %get3A_460 = arith.index_cast %mul3A_230 : i32 to index
      %get3A_461 = arith.constant 112 : index
      %get3A_462 = tpu.vector_load %arg8[%get3A_460, %get3A_461] {strides = array<i32>} : memref<384x128xf32, #tpu.memory_space<vmem>>, vector<1x16xf32>,
      %get3A_463 = vector.shape_cast %get3A_462 : vector<1x16xf32> to vector<16xf32>
      %add3A_464 = arith.constant 1 : i32
      %add3A_465 = arith.addi %mul3A_230, %add3A_464 : i32
      %get3A_466 = arith.index_cast %add3A_465 : i32 to index
      %get3A_467 = arith.constant 112 : index
      %get3A_468 = tpu.vector_load %arg8[%get3A_466, %get3A_467] {strides = array<i32>} : memref<384x128xf32, #tpu.memory_space<vmem>>, vector<1x16xf32>,
      %get3A_469 = vector.shape_cast %get3A_468 : vector<1x16xf32> to vector<16xf32>
      %add3A_470 = arith.addf %get3A_463, %get3A_469 : vector<16xf32>
      %add3A_471 = arith.constant 2 : i32
      %add3A_472 = arith.addi %mul3A_230, %add3A_471 : i32
      %get3A_473 = arith.index_cast %add3A_472 : i32 to index
      %get3A_474 = arith.constant 112 : index
      %get3A_475 = tpu.vector_load %arg8[%get3A_473, %get3A_474] {strides = array<i32>} : memref<384x128xf32, #tpu.memory_space<vmem>>, vector<1x16xf32>,
      %get3A_476 = vector.shape_cast %get3A_475 : vector<1x16xf32> to vector<16xf32>
      %add3A_477 = arith.addf %add3A_470, %get3A_476 : vector<16xf32>
      %add3A_478 = arith.constant 3 : i32
      %add3A_479 = arith.addi %mul3A_230, %add3A_478 : i32
      %get3A_480 = arith.index_cast %add3A_479 : i32 to index
      %get3A_481 = arith.constant 112 : index
      %get3A_482 = tpu.vector_load %arg8[%get3A_480, %get3A_481] {strides = array<i32>} : memref<384x128xf32, #tpu.memory_space<vmem>>, vector<1x16xf32>,
      %get3A_483 = vector.shape_cast %get3A_482 : vector<1x16xf32> to vector<16xf32>
      %add3A_484 = arith.addf %add3A_477, %get3A_483 : vector<16xf32>
      %mul3A_485 = arith.constant 2.500000e-01 : f32
      %mul3A_486 = vector.broadcast %mul3A_485 : f32 to vector<16xf32>
      %mul3A_487 = arith.mulf %add3A_484, %mul3A_486 : vector<16xf32>
      %swap3A_488 = arith.index_cast %scan3A_228 : i32 to index
      %swap3A_489 = arith.constant 112 : index
      %swap3A_490 = tpu.vector_load %arg9[%swap3A_488, %swap3A_489] {strides = array<i32>} : memref<96x128xf32, #tpu.memory_space<vmem>>, vector<1x16xf32>,
      %swap3A_491 = vector.shape_cast %swap3A_490 : vector<1x16xf32> to vector<16xf32>
      %swap3A_492 = vector.shape_cast %mul3A_487 : vector<16xf32> to vector<1x16xf32>
      tpu.vector_store %arg9[%swap3A_488, %swap3A_489], %swap3A_492 {strides = array<i32>} : memref<96x128xf32, #tpu.memory_space<vmem>>, vector<1x16xf32>,
      %scan3A_493 = arith.constant 1 : i32
      %scan3A_494 = arith.addi %scan3A_228, %scan3A_493 : i32
      %mul3A_495 = arith.constant 4 : i32
      %mul3A_496 = arith.muli %scan3A_494, %mul3A_495 : i32
      %get3A_497 = arith.index_cast %mul3A_496 : i32 to index
      %get3A_498 = arith.constant 0 : index
      %get3A_499 = tpu.vector_load %arg8[%get3A_497, %get3A_498] {strides = array<i32>} : memref<384x128xf32, #tpu.memory_space<vmem>>, vector<1x16xf32>,
      %get3A_500 = vector.shape_cast %get3A_499 : vector<1x16xf32> to vector<16xf32>
      %add3A_501 = arith.constant 1 : i32
      %add3A_502 = arith.addi %mul3A_496, %add3A_501 : i32
      %get3A_503 = arith.index_cast %add3A_502 : i32 to index
      %get3A_504 = arith.constant 0 : index
      %get3A_505 = tpu.vector_load %arg8[%get3A_503, %get3A_504] {strides = array<i32>} : memref<384x128xf32, #tpu.memory_space<vmem>>, vector<1x16xf32>,
      %get3A_506 = vector.shape_cast %get3A_505 : vector<1x16xf32> to vector<16xf32>
      %add3A_507 = arith.addf %get3A_500, %get3A_506 : vector<16xf32>
      %add3A_508 = arith.constant 2 : i32
      %add3A_509 = arith.addi %mul3A_496, %add3A_508 : i32
      %get3A_510 = arith.index_cast %add3A_509 : i32 to index
      %get3A_511 = arith.constant 0 : index
      %get3A_512 = tpu.vector_load %arg8[%get3A_510, %get3A_511] {strides = array<i32>} : memref<384x128xf32, #tpu.memory_space<vmem>>, vector<1x16xf32>,
      %get3A_513 = vector.shape_cast %get3A_512 : vector<1x16xf32> to vector<16xf32>
      %add3A_514 = arith.addf %add3A_507, %get3A_513 : vector<16xf32>
      %add3A_515 = arith.constant 3 : i32
      %add3A_516 = arith.addi %mul3A_496, %add3A_515 : i32
      %get3A_517 = arith.index_cast %add3A_516 : i32 to index
      %get3A_518 = arith.constant 0 : index
      %get3A_519 = tpu.vector_load %arg8[%get3A_517, %get3A_518] {strides = array<i32>} : memref<384x128xf32, #tpu.memory_space<vmem>>, vector<1x16xf32>,
      %get3A_520 = vector.shape_cast %get3A_519 : vector<1x16xf32> to vector<16xf32>
      %add3A_521 = arith.addf %add3A_514, %get3A_520 : vector<16xf32>
      %mul3A_522 = arith.constant 2.500000e-01 : f32
      %mul3A_523 = vector.broadcast %mul3A_522 : f32 to vector<16xf32>
      %mul3A_524 = arith.mulf %add3A_521, %mul3A_523 : vector<16xf32>
      %swap3A_525 = arith.index_cast %scan3A_494 : i32 to index
      %swap3A_526 = arith.constant 0 : index
      %swap3A_527 = tpu.vector_load %arg9[%swap3A_525, %swap3A_526] {strides = array<i32>} : memref<96x128xf32, #tpu.memory_space<vmem>>, vector<1x16xf32>,
      %swap3A_528 = vector.shape_cast %swap3A_527 : vector<1x16xf32> to vector<16xf32>
      %swap3A_529 = vector.shape_cast %mul3A_524 : vector<16xf32> to vector<1x16xf32>
      tpu.vector_store %arg9[%swap3A_525, %swap3A_526], %swap3A_529 {strides = array<i32>} : memref<96x128xf32, #tpu.memory_space<vmem>>, vector<1x16xf32>,
      %get3A_530 = arith.index_cast %mul3A_496 : i32 to index
      %get3A_531 = arith.constant 16 : index
      %get3A_532 = tpu.vector_load %arg8[%get3A_530, %get3A_531] {strides = array<i32>} : memref<384x128xf32, #tpu.memory_space<vmem>>, vector<1x16xf32>,
      %get3A_533 = vector.shape_cast %get3A_532 : vector<1x16xf32> to vector<16xf32>
      %add3A_534 = arith.constant 1 : i32
      %add3A_535 = arith.addi %mul3A_496, %add3A_534 : i32
      %get3A_536 = arith.index_cast %add3A_535 : i32 to index
      %get3A_537 = arith.constant 16 : index
      %get3A_538 = tpu.vector_load %arg8[%get3A_536, %get3A_537] {strides = array<i32>} : memref<384x128xf32, #tpu.memory_space<vmem>>, vector<1x16xf32>,
      %get3A_539 = vector.shape_cast %get3A_538 : vector<1x16xf32> to vector<16xf32>
      %add3A_540 = arith.addf %get3A_533, %get3A_539 : vector<16xf32>
      %add3A_541 = arith.constant 2 : i32
      %add3A_542 = arith.addi %mul3A_496, %add3A_541 : i32
      %get3A_543 = arith.index_cast %add3A_542 : i32 to index
      %get3A_544 = arith.constant 16 : index
      %get3A_545 = tpu.vector_load %arg8[%get3A_543, %get3A_544] {strides = array<i32>} : memref<384x128xf32, #tpu.memory_space<vmem>>, vector<1x16xf32>,
      %get3A_546 = vector.shape_cast %get3A_545 : vector<1x16xf32> to vector<16xf32>
      %add3A_547 = arith.addf %add3A_540, %get3A_546 : vector<16xf32>
      %add3A_548 = arith.constant 3 : i32
      %add3A_549 = arith.addi %mul3A_496, %add3A_548 : i32
      %get3A_550 = arith.index_cast %add3A_549 : i32 to index
      %get3A_551 = arith.constant 16 : index
      %get3A_552 = tpu.vector_load %arg8[%get3A_550, %get3A_551] {strides = array<i32>} : memref<384x128xf32, #tpu.memory_space<vmem>>, vector<1x16xf32>,
      %get3A_553 = vector.shape_cast %get3A_552 : vector<1x16xf32> to vector<16xf32>
      %add3A_554 = arith.addf %add3A_547, %get3A_553 : vector<16xf32>
      %mul3A_555 = arith.constant 2.500000e-01 : f32
      %mul3A_556 = vector.broadcast %mul3A_555 : f32 to vector<16xf32>
      %mul3A_557 = arith.mulf %add3A_554, %mul3A_556 : vector<16xf32>
      %swap3A_558 = arith.index_cast %scan3A_494 : i32 to index
      %swap3A_559 = arith.constant 16 : index
      %swap3A_560 = tpu.vector_load %arg9[%swap3A_558, %swap3A_559] {strides = array<i32>} : memref<96x128xf32, #tpu.memory_space<vmem>>, vector<1x16xf32>,
      %swap3A_561 = vector.shape_cast %swap3A_560 : vector<1x16xf32> to vector<16xf32>
      %swap3A_562 = vector.shape_cast %mul3A_557 : vector<16xf32> to vector<1x16xf32>
      tpu.vector_store %arg9[%swap3A_558, %swap3A_559], %swap3A_562 {strides = array<i32>} : memref<96x128xf32, #tpu.memory_space<vmem>>, vector<1x16xf32>,
      %get3A_563 = arith.index_cast %mul3A_496 : i32 to index
      %get3A_564 = arith.constant 32 : index
      %get3A_565 = tpu.vector_load %arg8[%get3A_563, %get3A_564] {strides = array<i32>} : memref<384x128xf32, #tpu.memory_space<vmem>>, vector<1x16xf32>,
      %get3A_566 = vector.shape_cast %get3A_565 : vector<1x16xf32> to vector<16xf32>
      %add3A_567 = arith.constant 1 : i32
      %add3A_568 = arith.addi %mul3A_496, %add3A_567 : i32
      %get3A_569 = arith.index_cast %add3A_568 : i32 to index
      %get3A_570 = arith.constant 32 : index
      %get3A_571 = tpu.vector_load %arg8[%get3A_569, %get3A_570] {strides = array<i32>} : memref<384x128xf32, #tpu.memory_space<vmem>>, vector<1x16xf32>,
      %get3A_572 = vector.shape_cast %get3A_571 : vector<1x16xf32> to vector<16xf32>
      %add3A_573 = arith.addf %get3A_566, %get3A_572 : vector<16xf32>
      %add3A_574 = arith.constant 2 : i32
      %add3A_575 = arith.addi %mul3A_496, %add3A_574 : i32
      %get3A_576 = arith.index_cast %add3A_575 : i32 to index
      %get3A_577 = arith.constant 32 : index
      %get3A_578 = tpu.vector_load %arg8[%get3A_576, %get3A_577] {strides = array<i32>} : memref<384x128xf32, #tpu.memory_space<vmem>>, vector<1x16xf32>,
      %get3A_579 = vector.shape_cast %get3A_578 : vector<1x16xf32> to vector<16xf32>
      %add3A_580 = arith.addf %add3A_573, %get3A_579 : vector<16xf32>
      %add3A_581 = arith.constant 3 : i32
      %add3A_582 = arith.addi %mul3A_496, %add3A_581 : i32
      %get3A_583 = arith.index_cast %add3A_582 : i32 to index
      %get3A_584 = arith.constant 32 : index
      %get3A_585 = tpu.vector_load %arg8[%get3A_583, %get3A_584] {strides = array<i32>} : memref<384x128xf32, #tpu.memory_space<vmem>>, vector<1x16xf32>,
      %get3A_586 = vector.shape_cast %get3A_585 : vector<1x16xf32> to vector<16xf32>
      %add3A_587 = arith.addf %add3A_580, %get3A_586 : vector<16xf32>
      %mul3A_588 = arith.constant 2.500000e-01 : f32
      %mul3A_589 = vector.broadcast %mul3A_588 : f32 to vector<16xf32>
      %mul3A_590 = arith.mulf %add3A_587, %mul3A_589 : vector<16xf32>
      %swap3A_591 = arith.index_cast %scan3A_494 : i32 to index
      %swap3A_592 = arith.constant 32 : index
      %swap3A_593 = tpu.vector_load %arg9[%swap3A_591, %swap3A_592] {strides = array<i32>} : memref<96x128xf32, #tpu.memory_space<vmem>>, vector<1x16xf32>,
      %swap3A_594 = vector.shape_cast %swap3A_593 : vector<1x16xf32> to vector<16xf32>
      %swap3A_595 = vector.shape_cast %mul3A_590 : vector<16xf32> to vector<1x16xf32>
      tpu.vector_store %arg9[%swap3A_591, %swap3A_592], %swap3A_595 {strides = array<i32>} : memref<96x128xf32, #tpu.memory_space<vmem>>, vector<1x16xf32>,
      %get3A_596 = arith.index_cast %mul3A_496 : i32 to index
      %get3A_597 = arith.constant 48 : index
      %get3A_598 = tpu.vector_load %arg8[%get3A_596, %get3A_597] {strides = array<i32>} : memref<384x128xf32, #tpu.memory_space<vmem>>, vector<1x16xf32>,
      %get3A_599 = vector.shape_cast %get3A_598 : vector<1x16xf32> to vector<16xf32>
      %add3A_600 = arith.constant 1 : i32
      %add3A_601 = arith.addi %mul3A_496, %add3A_600 : i32
      %get3A_602 = arith.index_cast %add3A_601 : i32 to index
      %get3A_603 = arith.constant 48 : index
      %get3A_604 = tpu.vector_load %arg8[%get3A_602, %get3A_603] {strides = array<i32>} : memref<384x128xf32, #tpu.memory_space<vmem>>, vector<1x16xf32>,
      %get3A_605 = vector.shape_cast %get3A_604 : vector<1x16xf32> to vector<16xf32>
      %add3A_606 = arith.addf %get3A_599, %get3A_605 : vector<16xf32>
      %add3A_607 = arith.constant 2 : i32
      %add3A_608 = arith.addi %mul3A_496, %add3A_607 : i32
      %get3A_609 = arith.index_cast %add3A_608 : i32 to index
      %get3A_610 = arith.constant 48 : index
      %get3A_611 = tpu.vector_load %arg8[%get3A_609, %get3A_610] {strides = array<i32>} : memref<384x128xf32, #tpu.memory_space<vmem>>, vector<1x16xf32>,
      %get3A_612 = vector.shape_cast %get3A_611 : vector<1x16xf32> to vector<16xf32>
      %add3A_613 = arith.addf %add3A_606, %get3A_612 : vector<16xf32>
      %add3A_614 = arith.constant 3 : i32
      %add3A_615 = arith.addi %mul3A_496, %add3A_614 : i32
      %get3A_616 = arith.index_cast %add3A_615 : i32 to index
      %get3A_617 = arith.constant 48 : index
      %get3A_618 = tpu.vector_load %arg8[%get3A_616, %get3A_617] {strides = array<i32>} : memref<384x128xf32, #tpu.memory_space<vmem>>, vector<1x16xf32>,
      %get3A_619 = vector.shape_cast %get3A_618 : vector<1x16xf32> to vector<16xf32>
      %add3A_620 = arith.addf %add3A_613, %get3A_619 : vector<16xf32>
      %mul3A_621 = arith.constant 2.500000e-01 : f32
      %mul3A_622 = vector.broadcast %mul3A_621 : f32 to vector<16xf32>
      %mul3A_623 = arith.mulf %add3A_620, %mul3A_622 : vector<16xf32>
      %swap3A_624 = arith.index_cast %scan3A_494 : i32 to index
      %swap3A_625 = arith.constant 48 : index
      %swap3A_626 = tpu.vector_load %arg9[%swap3A_624, %swap3A_625] {strides = array<i32>} : memref<96x128xf32, #tpu.memory_space<vmem>>, vector<1x16xf32>,
      %swap3A_627 = vector.shape_cast %swap3A_626 : vector<1x16xf32> to vector<16xf32>
      %swap3A_628 = vector.shape_cast %mul3A_623 : vector<16xf32> to vector<1x16xf32>
      tpu.vector_store %arg9[%swap3A_624, %swap3A_625], %swap3A_628 {strides = array<i32>} : memref<96x128xf32, #tpu.memory_space<vmem>>, vector<1x16xf32>,
      %get3A_629 = arith.index_cast %mul3A_496 : i32 to index
      %get3A_630 = arith.constant 64 : index
      %get3A_631 = tpu.vector_load %arg8[%get3A_629, %get3A_630] {strides = array<i32>} : memref<384x128xf32, #tpu.memory_space<vmem>>, vector<1x16xf32>,
      %get3A_632 = vector.shape_cast %get3A_631 : vector<1x16xf32> to vector<16xf32>
      %add3A_633 = arith.constant 1 : i32
      %add3A_634 = arith.addi %mul3A_496, %add3A_633 : i32
      %get3A_635 = arith.index_cast %add3A_634 : i32 to index
      %get3A_636 = arith.constant 64 : index
      %get3A_637 = tpu.vector_load %arg8[%get3A_635, %get3A_636] {strides = array<i32>} : memref<384x128xf32, #tpu.memory_space<vmem>>, vector<1x16xf32>,
      %get3A_638 = vector.shape_cast %get3A_637 : vector<1x16xf32> to vector<16xf32>
      %add3A_639 = arith.addf %get3A_632, %get3A_638 : vector<16xf32>
      %add3A_640 = arith.constant 2 : i32
      %add3A_641 = arith.addi %mul3A_496, %add3A_640 : i32
      %get3A_642 = arith.index_cast %add3A_641 : i32 to index
      %get3A_643 = arith.constant 64 : index
      %get3A_644 = tpu.vector_load %arg8[%get3A_642, %get3A_643] {strides = array<i32>} : memref<384x128xf32, #tpu.memory_space<vmem>>, vector<1x16xf32>,
      %get3A_645 = vector.shape_cast %get3A_644 : vector<1x16xf32> to vector<16xf32>
      %add3A_646 = arith.addf %add3A_639, %get3A_645 : vector<16xf32>
      %add3A_647 = arith.constant 3 : i32
      %add3A_648 = arith.addi %mul3A_496, %add3A_647 : i32
      %get3A_649 = arith.index_cast %add3A_648 : i32 to index
      %get3A_650 = arith.constant 64 : index
      %get3A_651 = tpu.vector_load %arg8[%get3A_649, %get3A_650] {strides = array<i32>} : memref<384x128xf32, #tpu.memory_space<vmem>>, vector<1x16xf32>,
      %get3A_652 = vector.shape_cast %get3A_651 : vector<1x16xf32> to vector<16xf32>
      %add3A_653 = arith.addf %add3A_646, %get3A_652 : vector<16xf32>
      %mul3A_654 = arith.constant 2.500000e-01 : f32
      %mul3A_655 = vector.broadcast %mul3A_654 : f32 to vector<16xf32>
      %mul3A_656 = arith.mulf %add3A_653, %mul3A_655 : vector<16xf32>
      %swap3A_657 = arith.index_cast %scan3A_494 : i32 to index
      %swap3A_658 = arith.constant 64 : index
      %swap3A_659 = tpu.vector_load %arg9[%swap3A_657, %swap3A_658] {strides = array<i32>} : memref<96x128xf32, #tpu.memory_space<vmem>>, vector<1x16xf32>,
      %swap3A_660 = vector.shape_cast %swap3A_659 : vector<1x16xf32> to vector<16xf32>
      %swap3A_661 = vector.shape_cast %mul3A_656 : vector<16xf32> to vector<1x16xf32>
      tpu.vector_store %arg9[%swap3A_657, %swap3A_658], %swap3A_661 {strides = array<i32>} : memref<96x128xf32, #tpu.memory_space<vmem>>, vector<1x16xf32>,
      %get3A_662 = arith.index_cast %mul3A_496 : i32 to index
      %get3A_663 = arith.constant 80 : index
      %get3A_664 = tpu.vector_load %arg8[%get3A_662, %get3A_663] {strides = array<i32>} : memref<384x128xf32, #tpu.memory_space<vmem>>, vector<1x16xf32>,
      %get3A_665 = vector.shape_cast %get3A_664 : vector<1x16xf32> to vector<16xf32>
      %add3A_666 = arith.constant 1 : i32
      %add3A_667 = arith.addi %mul3A_496, %add3A_666 : i32
      %get3A_668 = arith.index_cast %add3A_667 : i32 to index
      %get3A_669 = arith.constant 80 : index
      %get3A_670 = tpu.vector_load %arg8[%get3A_668, %get3A_669] {strides = array<i32>} : memref<384x128xf32, #tpu.memory_space<vmem>>, vector<1x16xf32>,
      %get3A_671 = vector.shape_cast %get3A_670 : vector<1x16xf32> to vector<16xf32>
      %add3A_672 = arith.addf %get3A_665, %get3A_671 : vector<16xf32>
      %add3A_673 = arith.constant 2 : i32
      %add3A_674 = arith.addi %mul3A_496, %add3A_673 : i32
      %get3A_675 = arith.index_cast %add3A_674 : i32 to index
      %get3A_676 = arith.constant 80 : index
      %get3A_677 = tpu.vector_load %arg8[%get3A_675, %get3A_676] {strides = array<i32>} : memref<384x128xf32, #tpu.memory_space<vmem>>, vector<1x16xf32>,
      %get3A_678 = vector.shape_cast %get3A_677 : vector<1x16xf32> to vector<16xf32>
      %add3A_679 = arith.addf %add3A_672, %get3A_678 : vector<16xf32>
      %add3A_680 = arith.constant 3 : i32
      %add3A_681 = arith.addi %mul3A_496, %add3A_680 : i32
      %get3A_682 = arith.index_cast %add3A_681 : i32 to index
      %get3A_683 = arith.constant 80 : index
      %get3A_684 = tpu.vector_load %arg8[%get3A_682, %get3A_683] {strides = array<i32>} : memref<384x128xf32, #tpu.memory_space<vmem>>, vector<1x16xf32>,
      %get3A_685 = vector.shape_cast %get3A_684 : vector<1x16xf32> to vector<16xf32>
      %add3A_686 = arith.addf %add3A_679, %get3A_685 : vector<16xf32>
      %mul3A_687 = arith.constant 2.500000e-01 : f32
      %mul3A_688 = vector.broadcast %mul3A_687 : f32 to vector<16xf32>
      %mul3A_689 = arith.mulf %add3A_686, %mul3A_688 : vector<16xf32>
      %swap3A_690 = arith.index_cast %scan3A_494 : i32 to index
      %swap3A_691 = arith.constant 80 : index
      %swap3A_692 = tpu.vector_load %arg9[%swap3A_690, %swap3A_691] {strides = array<i32>} : memref<96x128xf32, #tpu.memory_space<vmem>>, vector<1x16xf32>,
      %swap3A_693 = vector.shape_cast %swap3A_692 : vector<1x16xf32> to vector<16xf32>
      %swap3A_694 = vector.shape_cast %mul3A_689 : vector<16xf32> to vector<1x16xf32>
      tpu.vector_store %arg9[%swap3A_690, %swap3A_691], %swap3A_694 {strides = array<i32>} : memref<96x128xf32, #tpu.memory_space<vmem>>, vector<1x16xf32>,
      %get3A_695 = arith.index_cast %mul3A_496 : i32 to index
      %get3A_696 = arith.constant 96 : index
      %get3A_697 = tpu.vector_load %arg8[%get3A_695, %get3A_696] {strides = array<i32>} : memref<384x128xf32, #tpu.memory_space<vmem>>, vector<1x16xf32>,
      %get3A_698 = vector.shape_cast %get3A_697 : vector<1x16xf32> to vector<16xf32>
      %add3A_699 = arith.constant 1 : i32
      %add3A_700 = arith.addi %mul3A_496, %add3A_699 : i32
      %get3A_701 = arith.index_cast %add3A_700 : i32 to index
      %get3A_702 = arith.constant 96 : index
      %get3A_703 = tpu.vector_load %arg8[%get3A_701, %get3A_702] {strides = array<i32>} : memref<384x128xf32, #tpu.memory_space<vmem>>, vector<1x16xf32>,
      %get3A_704 = vector.shape_cast %get3A_703 : vector<1x16xf32> to vector<16xf32>
      %add3A_705 = arith.addf %get3A_698, %get3A_704 : vector<16xf32>
      %add3A_706 = arith.constant 2 : i32
      %add3A_707 = arith.addi %mul3A_496, %add3A_706 : i32
      %get3A_708 = arith.index_cast %add3A_707 : i32 to index
      %get3A_709 = arith.constant 96 : index
      %get3A_710 = tpu.vector_load %arg8[%get3A_708, %get3A_709] {strides = array<i32>} : memref<384x128xf32, #tpu.memory_space<vmem>>, vector<1x16xf32>,
      %get3A_711 = vector.shape_cast %get3A_710 : vector<1x16xf32> to vector<16xf32>
      %add3A_712 = arith.addf %add3A_705, %get3A_711 : vector<16xf32>
      %add3A_713 = arith.constant 3 : i32
      %add3A_714 = arith.addi %mul3A_496, %add3A_713 : i32
      %get3A_715 = arith.index_cast %add3A_714 : i32 to index
      %get3A_716 = arith.constant 96 : index
      %get3A_717 = tpu.vector_load %arg8[%get3A_715, %get3A_716] {strides = array<i32>} : memref<384x128xf32, #tpu.memory_space<vmem>>, vector<1x16xf32>,
      %get3A_718 = vector.shape_cast %get3A_717 : vector<1x16xf32> to vector<16xf32>
      %add3A_719 = arith.addf %add3A_712, %get3A_718 : vector<16xf32>
      %mul3A_720 = arith.constant 2.500000e-01 : f32
      %mul3A_721 = vector.broadcast %mul3A_720 : f32 to vector<16xf32>
      %mul3A_722 = arith.mulf %add3A_719, %mul3A_721 : vector<16xf32>
      %swap3A_723 = arith.index_cast %scan3A_494 : i32 to index
      %swap3A_724 = arith.constant 96 : index
      %swap3A_725 = tpu.vector_load %arg9[%swap3A_723, %swap3A_724] {strides = array<i32>} : memref<96x128xf32, #tpu.memory_space<vmem>>, vector<1x16xf32>,
      %swap3A_726 = vector.shape_cast %swap3A_725 : vector<1x16xf32> to vector<16xf32>
      %swap3A_727 = vector.shape_cast %mul3A_722 : vector<16xf32> to vector<1x16xf32>
      tpu.vector_store %arg9[%swap3A_723, %swap3A_724], %swap3A_727 {strides = array<i32>} : memref<96x128xf32, #tpu.memory_space<vmem>>, vector<1x16xf32>,
      %get3A_728 = arith.index_cast %mul3A_496 : i32 to index
      %get3A_729 = arith.constant 112 : index
      %get3A_730 = tpu.vector_load %arg8[%get3A_728, %get3A_729] {strides = array<i32>} : memref<384x128xf32, #tpu.memory_space<vmem>>, vector<1x16xf32>,
      %get3A_731 = vector.shape_cast %get3A_730 : vector<1x16xf32> to vector<16xf32>
      %add3A_732 = arith.constant 1 : i32
      %add3A_733 = arith.addi %mul3A_496, %add3A_732 : i32
      %get3A_734 = arith.index_cast %add3A_733 : i32 to index
      %get3A_735 = arith.constant 112 : index
      %get3A_736 = tpu.vector_load %arg8[%get3A_734, %get3A_735] {strides = array<i32>} : memref<384x128xf32, #tpu.memory_space<vmem>>, vector<1x16xf32>,
      %get3A_737 = vector.shape_cast %get3A_736 : vector<1x16xf32> to vector<16xf32>
      %add3A_738 = arith.addf %get3A_731, %get3A_737 : vector<16xf32>
      %add3A_739 = arith.constant 2 : i32
      %add3A_740 = arith.addi %mul3A_496, %add3A_739 : i32
      %get3A_741 = arith.index_cast %add3A_740 : i32 to index
      %get3A_742 = arith.constant 112 : index
      %get3A_743 = tpu.vector_load %arg8[%get3A_741, %get3A_742] {strides = array<i32>} : memref<384x128xf32, #tpu.memory_space<vmem>>, vector<1x16xf32>,
      %get3A_744 = vector.shape_cast %get3A_743 : vector<1x16xf32> to vector<16xf32>
      %add3A_745 = arith.addf %add3A_738, %get3A_744 : vector<16xf32>
      %add3A_746 = arith.constant 3 : i32
      %add3A_747 = arith.addi %mul3A_496, %add3A_746 : i32
      %get3A_748 = arith.index_cast %add3A_747 : i32 to index
      %get3A_749 = arith.constant 112 : index
      %get3A_750 = tpu.vector_load %arg8[%get3A_748, %get3A_749] {strides = array<i32>} : memref<384x128xf32, #tpu.memory_space<vmem>>, vector<1x16xf32>,
      %get3A_751 = vector.shape_cast %get3A_750 : vector<1x16xf32> to vector<16xf32>
      %add3A_752 = arith.addf %add3A_745, %get3A_751 : vector<16xf32>
      %mul3A_753 = arith.constant 2.500000e-01 : f32
      %mul3A_754 = vector.broadcast %mul3A_753 : f32 to vector<16xf32>
      %mul3A_755 = arith.mulf %add3A_752, %mul3A_754 : vector<16xf32>
      %swap3A_756 = arith.index_cast %scan3A_494 : i32 to index
      %swap3A_757 = arith.constant 112 : index
      %swap3A_758 = tpu.vector_load %arg9[%swap3A_756, %swap3A_757] {strides = array<i32>} : memref<96x128xf32, #tpu.memory_space<vmem>>, vector<1x16xf32>,
      %swap3A_759 = vector.shape_cast %swap3A_758 : vector<1x16xf32> to vector<16xf32>
      %swap3A_760 = vector.shape_cast %mul3A_755 : vector<16xf32> to vector<1x16xf32>
      tpu.vector_store %arg9[%swap3A_756, %swap3A_757], %swap3A_760 {strides = array<i32>} : memref<96x128xf32, #tpu.memory_space<vmem>>, vector<1x16xf32>,
    }
    %scan3A_174 = arith.constant 32 : i32
    %dma_wait3A_175 = arith.constant 1 : i32
    %dma_wait3A_176 = arith.constant 128 : i32
    %dma_wait3A_177 = arith.constant 0 : i32
    %dma_wait3A_178 = tpu.memref_slice %arg8[%dma_wait3A_176, %dma_wait3A_177] : memref<384x128xf32, #tpu.memory_space<vmem>> -> memref<128x128xf32, #tpu.memory_space<vmem>>
    %dma_wait3A_179 = arith.constant 0 : i32
    %dma_wait3A_180 = tpu.memref_slice %arg6[%dma_wait3A_175, %dma_wait3A_179] : memref<3x128xi32, #tpu.memory_space<vmem>> -> memref<1x128xi32, #tpu.memory_space<vmem>>
    %dma_wait3A_181 = tpu.memref_squeeze %dma_wait3A_180 : memref<1x128xi32, #tpu.memory_space<vmem>> -> memref<128xi32, #tpu.memory_space<vmem>>
    %dma_wait3A_182 = arith.constant 0 : i32
    %dma_wait3A_183 = arith.constant 0 : i32
    %dma_wait3A_184 = tpu.memref_slice %arg3[%dma_wait3A_182, %dma_wait3A_183] : memref<100000x128xf32, #tpu.memory_space<hbm>> -> memref<100000x128xf32, #tpu.memory_space<hbm>>
    tpu.wait_indirect_dma semaphore(%arg12 : memref<!tpu.dma_semaphore, #tpu.memory_space<semaphore_mem>>) src(%dma_wait3A_184 : memref<100000x128xf32, #tpu.memory_space<hbm>>) dst(%dma_wait3A_178 : memref<128x128xf32, #tpu.memory_space<vmem>>)
    %scan3A_185 = arith.constant 0 : i32
    %scan3A_186 = arith.constant 32 : i32
    %scan3A_187 = arith.constant 32 : i32
    %scan3A_188 = arith.addi %scan3A_186, %scan3A_187 : i32
    %scan3A_189 = arith.constant 2 : i32
    scf.for %scan3A_228 = %scan3A_186 to %scan3A_188 step %scan3A_189  : i32 {
      %mul3A_229 = arith.constant 4 : i32
      %mul3A_230 = arith.muli %scan3A_228, %mul3A_229 : i32
      %get3A = arith.index_cast %mul3A_230 : i32 to index
      %get3A_231 = arith.constant 0 : index
      %get3A_232 = tpu.vector_load %arg8[%get3A, %get3A_231] {strides = array<i32>} : memref<384x128xf32, #tpu.memory_space<vmem>>, vector<1x16xf32>,
      %get3A_233 = vector.shape_cast %get3A_232 : vector<1x16xf32> to vector<16xf32>
      %add3A_234 = arith.constant 1 : i32
      %add3A_235 = arith.addi %mul3A_230, %add3A_234 : i32
      %get3A_236 = arith.index_cast %add3A_235 : i32 to index
      %get3A_237 = arith.constant 0 : index
      %get3A_238 = tpu.vector_load %arg8[%get3A_236, %get3A_237] {strides = array<i32>} : memref<384x128xf32, #tpu.memory_space<vmem>>, vector<1x16xf32>,
      %get3A_239 = vector.shape_cast %get3A_238 : vector<1x16xf32> to vector<16xf32>
      %add3A_240 = arith.addf %get3A_233, %get3A_239 : vector<16xf32>
      %add3A_241 = arith.constant 2 : i32
      %add3A_242 = arith.addi %mul3A_230, %add3A_241 : i32
      %get3A_243 = arith.index_cast %add3A_242 : i32 to index
      %get3A_244 = arith.constant 0 : index
      %get3A_245 = tpu.vector_load %arg8[%get3A_243, %get3A_244] {strides = array<i32>} : memref<384x128xf32, #tpu.memory_space<vmem>>, vector<1x16xf32>,
      %get3A_246 = vector.shape_cast %get3A_245 : vector<1x16xf32> to vector<16xf32>
      %add3A_247 = arith.addf %add3A_240, %get3A_246 : vector<16xf32>
      %add3A_248 = arith.constant 3 : i32
      %add3A_249 = arith.addi %mul3A_230, %add3A_248 : i32
      %get3A_250 = arith.index_cast %add3A_249 : i32 to index
      %get3A_251 = arith.constant 0 : index
      %get3A_252 = tpu.vector_load %arg8[%get3A_250, %get3A_251] {strides = array<i32>} : memref<384x128xf32, #tpu.memory_space<vmem>>, vector<1x16xf32>,
      %get3A_253 = vector.shape_cast %get3A_252 : vector<1x16xf32> to vector<16xf32>
      %add3A_254 = arith.addf %add3A_247, %get3A_253 : vector<16xf32>
      %mul3A_255 = arith.constant 2.500000e-01 : f32
      %mul3A_256 = vector.broadcast %mul3A_255 : f32 to vector<16xf32>
      %mul3A_257 = arith.mulf %add3A_254, %mul3A_256 : vector<16xf32>
      %swap3A = arith.index_cast %scan3A_228 : i32 to index
      %swap3A_258 = arith.constant 0 : index
      %swap3A_259 = tpu.vector_load %arg9[%swap3A, %swap3A_258] {strides = array<i32>} : memref<96x128xf32, #tpu.memory_space<vmem>>, vector<1x16xf32>,
      %swap3A_260 = vector.shape_cast %swap3A_259 : vector<1x16xf32> to vector<16xf32>
      %swap3A_261 = vector.shape_cast %mul3A_257 : vector<16xf32> to vector<1x16xf32>
      tpu.vector_store %arg9[%swap3A, %swap3A_258], %swap3A_261 {strides = array<i32>} : memref<96x128xf32, #tpu.memory_space<vmem>>, vector<1x16xf32>,
      %get3A_262 = arith.index_cast %mul3A_230 : i32 to index
      %get3A_263 = arith.constant 16 : index
      %get3A_264 = tpu.vector_load %arg8[%get3A_262, %get3A_263] {strides = array<i32>} : memref<384x128xf32, #tpu.memory_space<vmem>>, vector<1x16xf32>,
      %get3A_265 = vector.shape_cast %get3A_264 : vector<1x16xf32> to vector<16xf32>
      %add3A_266 = arith.constant 1 : i32
      %add3A_267 = arith.addi %mul3A_230, %add3A_266 : i32
      %get3A_268 = arith.index_cast %add3A_267 : i32 to index
      %get3A_269 = arith.constant 16 : index
      %get3A_270 = tpu.vector_load %arg8[%get3A_268, %get3A_269] {strides = array<i32>} : memref<384x128xf32, #tpu.memory_space<vmem>>, vector<1x16xf32>,
      %get3A_271 = vector.shape_cast %get3A_270 : vector<1x16xf32> to vector<16xf32>
      %add3A_272 = arith.addf %get3A_265, %get3A_271 : vector<16xf32>
      %add3A_273 = arith.constant 2 : i32
      %add3A_274 = arith.addi %mul3A_230, %add3A_273 : i32
      %get3A_275 = arith.index_cast %add3A_274 : i32 to index
      %get3A_276 = arith.constant 16 : index
      %get3A_277 = tpu.vector_load %arg8[%get3A_275, %get3A_276] {strides = array<i32>} : memref<384x128xf32, #tpu.memory_space<vmem>>, vector<1x16xf32>,
      %get3A_278 = vector.shape_cast %get3A_277 : vector<1x16xf32> to vector<16xf32>
      %add3A_279 = arith.addf %add3A_272, %get3A_278 : vector<16xf32>
      %add3A_280 = arith.constant 3 : i32
      %add3A_281 = arith.addi %mul3A_230, %add3A_280 : i32
      %get3A_282 = arith.index_cast %add3A_281 : i32 to index
      %get3A_283 = arith.constant 16 : index
      %get3A_284 = tpu.vector_load %arg8[%get3A_282, %get3A_283] {strides = array<i32>} : memref<384x128xf32, #tpu.memory_space<vmem>>, vector<1x16xf32>,
      %get3A_285 = vector.shape_cast %get3A_284 : vector<1x16xf32> to vector<16xf32>
      %add3A_286 = arith.addf %add3A_279, %get3A_285 : vector<16xf32>
      %mul3A_287 = arith.constant 2.500000e-01 : f32
      %mul3A_288 = vector.broadcast %mul3A_287 : f32 to vector<16xf32>
      %mul3A_289 = arith.mulf %add3A_286, %mul3A_288 : vector<16xf32>
      %swap3A_290 = arith.index_cast %scan3A_228 : i32 to index
      %swap3A_291 = arith.constant 16 : index
      %swap3A_292 = tpu.vector_load %arg9[%swap3A_290, %swap3A_291] {strides = array<i32>} : memref<96x128xf32, #tpu.memory_space<vmem>>, vector<1x16xf32>,
      %swap3A_293 = vector.shape_cast %swap3A_292 : vector<1x16xf32> to vector<16xf32>
      %swap3A_294 = vector.shape_cast %mul3A_289 : vector<16xf32> to vector<1x16xf32>
      tpu.vector_store %arg9[%swap3A_290, %swap3A_291], %swap3A_294 {strides = array<i32>} : memref<96x128xf32, #tpu.memory_space<vmem>>, vector<1x16xf32>,
      %get3A_295 = arith.index_cast %mul3A_230 : i32 to index
      %get3A_296 = arith.constant 32 : index
      %get3A_297 = tpu.vector_load %arg8[%get3A_295, %get3A_296] {strides = array<i32>} : memref<384x128xf32, #tpu.memory_space<vmem>>, vector<1x16xf32>,
      %get3A_298 = vector.shape_cast %get3A_297 : vector<1x16xf32> to vector<16xf32>
      %add3A_299 = arith.constant 1 : i32
      %add3A_300 = arith.addi %mul3A_230, %add3A_299 : i32
      %get3A_301 = arith.index_cast %add3A_300 : i32 to index
      %get3A_302 = arith.constant 32 : index
      %get3A_303 = tpu.vector_load %arg8[%get3A_301, %get3A_302] {strides = array<i32>} : memref<384x128xf32, #tpu.memory_space<vmem>>, vector<1x16xf32>,
      %get3A_304 = vector.shape_cast %get3A_303 : vector<1x16xf32> to vector<16xf32>
      %add3A_305 = arith.addf %get3A_298, %get3A_304 : vector<16xf32>
      %add3A_306 = arith.constant 2 : i32
      %add3A_307 = arith.addi %mul3A_230, %add3A_306 : i32
      %get3A_308 = arith.index_cast %add3A_307 : i32 to index
      %get3A_309 = arith.constant 32 : index
      %get3A_310 = tpu.vector_load %arg8[%get3A_308, %get3A_309] {strides = array<i32>} : memref<384x128xf32, #tpu.memory_space<vmem>>, vector<1x16xf32>,
      %get3A_311 = vector.shape_cast %get3A_310 : vector<1x16xf32> to vector<16xf32>
      %add3A_312 = arith.addf %add3A_305, %get3A_311 : vector<16xf32>
      %add3A_313 = arith.constant 3 : i32
      %add3A_314 = arith.addi %mul3A_230, %add3A_313 : i32
      %get3A_315 = arith.index_cast %add3A_314 : i32 to index
      %get3A_316 = arith.constant 32 : index
      %get3A_317 = tpu.vector_load %arg8[%get3A_315, %get3A_316] {strides = array<i32>} : memref<384x128xf32, #tpu.memory_space<vmem>>, vector<1x16xf32>,
      %get3A_318 = vector.shape_cast %get3A_317 : vector<1x16xf32> to vector<16xf32>
      %add3A_319 = arith.addf %add3A_312, %get3A_318 : vector<16xf32>
      %mul3A_320 = arith.constant 2.500000e-01 : f32
      %mul3A_321 = vector.broadcast %mul3A_320 : f32 to vector<16xf32>
      %mul3A_322 = arith.mulf %add3A_319, %mul3A_321 : vector<16xf32>
      %swap3A_323 = arith.index_cast %scan3A_228 : i32 to index
      %swap3A_324 = arith.constant 32 : index
      %swap3A_325 = tpu.vector_load %arg9[%swap3A_323, %swap3A_324] {strides = array<i32>} : memref<96x128xf32, #tpu.memory_space<vmem>>, vector<1x16xf32>,
      %swap3A_326 = vector.shape_cast %swap3A_325 : vector<1x16xf32> to vector<16xf32>
      %swap3A_327 = vector.shape_cast %mul3A_322 : vector<16xf32> to vector<1x16xf32>
      tpu.vector_store %arg9[%swap3A_323, %swap3A_324], %swap3A_327 {strides = array<i32>} : memref<96x128xf32, #tpu.memory_space<vmem>>, vector<1x16xf32>,
      %get3A_328 = arith.index_cast %mul3A_230 : i32 to index
      %get3A_329 = arith.constant 48 : index
      %get3A_330 = tpu.vector_load %arg8[%get3A_328, %get3A_329] {strides = array<i32>} : memref<384x128xf32, #tpu.memory_space<vmem>>, vector<1x16xf32>,
      %get3A_331 = vector.shape_cast %get3A_330 : vector<1x16xf32> to vector<16xf32>
      %add3A_332 = arith.constant 1 : i32
      %add3A_333 = arith.addi %mul3A_230, %add3A_332 : i32
      %get3A_334 = arith.index_cast %add3A_333 : i32 to index
      %get3A_335 = arith.constant 48 : index
      %get3A_336 = tpu.vector_load %arg8[%get3A_334, %get3A_335] {strides = array<i32>} : memref<384x128xf32, #tpu.memory_space<vmem>>, vector<1x16xf32>,
      %get3A_337 = vector.shape_cast %get3A_336 : vector<1x16xf32> to vector<16xf32>
      %add3A_338 = arith.addf %get3A_331, %get3A_337 : vector<16xf32>
      %add3A_339 = arith.constant 2 : i32
      %add3A_340 = arith.addi %mul3A_230, %add3A_339 : i32
      %get3A_341 = arith.index_cast %add3A_340 : i32 to index
      %get3A_342 = arith.constant 48 : index
      %get3A_343 = tpu.vector_load %arg8[%get3A_341, %get3A_342] {strides = array<i32>} : memref<384x128xf32, #tpu.memory_space<vmem>>, vector<1x16xf32>,
      %get3A_344 = vector.shape_cast %get3A_343 : vector<1x16xf32> to vector<16xf32>
      %add3A_345 = arith.addf %add3A_338, %get3A_344 : vector<16xf32>
      %add3A_346 = arith.constant 3 : i32
      %add3A_347 = arith.addi %mul3A_230, %add3A_346 : i32
      %get3A_348 = arith.index_cast %add3A_347 : i32 to index
      %get3A_349 = arith.constant 48 : index
      %get3A_350 = tpu.vector_load %arg8[%get3A_348, %get3A_349] {strides = array<i32>} : memref<384x128xf32, #tpu.memory_space<vmem>>, vector<1x16xf32>,
      %get3A_351 = vector.shape_cast %get3A_350 : vector<1x16xf32> to vector<16xf32>
      %add3A_352 = arith.addf %add3A_345, %get3A_351 : vector<16xf32>
      %mul3A_353 = arith.constant 2.500000e-01 : f32
      %mul3A_354 = vector.broadcast %mul3A_353 : f32 to vector<16xf32>
      %mul3A_355 = arith.mulf %add3A_352, %mul3A_354 : vector<16xf32>
      %swap3A_356 = arith.index_cast %scan3A_228 : i32 to index
      %swap3A_357 = arith.constant 48 : index
      %swap3A_358 = tpu.vector_load %arg9[%swap3A_356, %swap3A_357] {strides = array<i32>} : memref<96x128xf32, #tpu.memory_space<vmem>>, vector<1x16xf32>,
      %swap3A_359 = vector.shape_cast %swap3A_358 : vector<1x16xf32> to vector<16xf32>
      %swap3A_360 = vector.shape_cast %mul3A_355 : vector<16xf32> to vector<1x16xf32>
      tpu.vector_store %arg9[%swap3A_356, %swap3A_357], %swap3A_360 {strides = array<i32>} : memref<96x128xf32, #tpu.memory_space<vmem>>, vector<1x16xf32>,
      %get3A_361 = arith.index_cast %mul3A_230 : i32 to index
      %get3A_362 = arith.constant 64 : index
      %get3A_363 = tpu.vector_load %arg8[%get3A_361, %get3A_362] {strides = array<i32>} : memref<384x128xf32, #tpu.memory_space<vmem>>, vector<1x16xf32>,
      %get3A_364 = vector.shape_cast %get3A_363 : vector<1x16xf32> to vector<16xf32>
      %add3A_365 = arith.constant 1 : i32
      %add3A_366 = arith.addi %mul3A_230, %add3A_365 : i32
      %get3A_367 = arith.index_cast %add3A_366 : i32 to index
      %get3A_368 = arith.constant 64 : index
      %get3A_369 = tpu.vector_load %arg8[%get3A_367, %get3A_368] {strides = array<i32>} : memref<384x128xf32, #tpu.memory_space<vmem>>, vector<1x16xf32>,
      %get3A_370 = vector.shape_cast %get3A_369 : vector<1x16xf32> to vector<16xf32>
      %add3A_371 = arith.addf %get3A_364, %get3A_370 : vector<16xf32>
      %add3A_372 = arith.constant 2 : i32
      %add3A_373 = arith.addi %mul3A_230, %add3A_372 : i32
      %get3A_374 = arith.index_cast %add3A_373 : i32 to index
      %get3A_375 = arith.constant 64 : index
      %get3A_376 = tpu.vector_load %arg8[%get3A_374, %get3A_375] {strides = array<i32>} : memref<384x128xf32, #tpu.memory_space<vmem>>, vector<1x16xf32>,
      %get3A_377 = vector.shape_cast %get3A_376 : vector<1x16xf32> to vector<16xf32>
      %add3A_378 = arith.addf %add3A_371, %get3A_377 : vector<16xf32>
      %add3A_379 = arith.constant 3 : i32
      %add3A_380 = arith.addi %mul3A_230, %add3A_379 : i32
      %get3A_381 = arith.index_cast %add3A_380 : i32 to index
      %get3A_382 = arith.constant 64 : index
      %get3A_383 = tpu.vector_load %arg8[%get3A_381, %get3A_382] {strides = array<i32>} : memref<384x128xf32, #tpu.memory_space<vmem>>, vector<1x16xf32>,
      %get3A_384 = vector.shape_cast %get3A_383 : vector<1x16xf32> to vector<16xf32>
      %add3A_385 = arith.addf %add3A_378, %get3A_384 : vector<16xf32>
      %mul3A_386 = arith.constant 2.500000e-01 : f32
      %mul3A_387 = vector.broadcast %mul3A_386 : f32 to vector<16xf32>
      %mul3A_388 = arith.mulf %add3A_385, %mul3A_387 : vector<16xf32>
      %swap3A_389 = arith.index_cast %scan3A_228 : i32 to index
      %swap3A_390 = arith.constant 64 : index
      %swap3A_391 = tpu.vector_load %arg9[%swap3A_389, %swap3A_390] {strides = array<i32>} : memref<96x128xf32, #tpu.memory_space<vmem>>, vector<1x16xf32>,
      %swap3A_392 = vector.shape_cast %swap3A_391 : vector<1x16xf32> to vector<16xf32>
      %swap3A_393 = vector.shape_cast %mul3A_388 : vector<16xf32> to vector<1x16xf32>
      tpu.vector_store %arg9[%swap3A_389, %swap3A_390], %swap3A_393 {strides = array<i32>} : memref<96x128xf32, #tpu.memory_space<vmem>>, vector<1x16xf32>,
      %get3A_394 = arith.index_cast %mul3A_230 : i32 to index
      %get3A_395 = arith.constant 80 : index
      %get3A_396 = tpu.vector_load %arg8[%get3A_394, %get3A_395] {strides = array<i32>} : memref<384x128xf32, #tpu.memory_space<vmem>>, vector<1x16xf32>,
      %get3A_397 = vector.shape_cast %get3A_396 : vector<1x16xf32> to vector<16xf32>
      %add3A_398 = arith.constant 1 : i32
      %add3A_399 = arith.addi %mul3A_230, %add3A_398 : i32
      %get3A_400 = arith.index_cast %add3A_399 : i32 to index
      %get3A_401 = arith.constant 80 : index
      %get3A_402 = tpu.vector_load %arg8[%get3A_400, %get3A_401] {strides = array<i32>} : memref<384x128xf32, #tpu.memory_space<vmem>>, vector<1x16xf32>,
      %get3A_403 = vector.shape_cast %get3A_402 : vector<1x16xf32> to vector<16xf32>
      %add3A_404 = arith.addf %get3A_397, %get3A_403 : vector<16xf32>
      %add3A_405 = arith.constant 2 : i32
      %add3A_406 = arith.addi %mul3A_230, %add3A_405 : i32
      %get3A_407 = arith.index_cast %add3A_406 : i32 to index
      %get3A_408 = arith.constant 80 : index
      %get3A_409 = tpu.vector_load %arg8[%get3A_407, %get3A_408] {strides = array<i32>} : memref<384x128xf32, #tpu.memory_space<vmem>>, vector<1x16xf32>,
      %get3A_410 = vector.shape_cast %get3A_409 : vector<1x16xf32> to vector<16xf32>
      %add3A_411 = arith.addf %add3A_404, %get3A_410 : vector<16xf32>
      %add3A_412 = arith.constant 3 : i32
      %add3A_413 = arith.addi %mul3A_230, %add3A_412 : i32
      %get3A_414 = arith.index_cast %add3A_413 : i32 to index
      %get3A_415 = arith.constant 80 : index
      %get3A_416 = tpu.vector_load %arg8[%get3A_414, %get3A_415] {strides = array<i32>} : memref<384x128xf32, #tpu.memory_space<vmem>>, vector<1x16xf32>,
      %get3A_417 = vector.shape_cast %get3A_416 : vector<1x16xf32> to vector<16xf32>
      %add3A_418 = arith.addf %add3A_411, %get3A_417 : vector<16xf32>
      %mul3A_419 = arith.constant 2.500000e-01 : f32
      %mul3A_420 = vector.broadcast %mul3A_419 : f32 to vector<16xf32>
      %mul3A_421 = arith.mulf %add3A_418, %mul3A_420 : vector<16xf32>
      %swap3A_422 = arith.index_cast %scan3A_228 : i32 to index
      %swap3A_423 = arith.constant 80 : index
      %swap3A_424 = tpu.vector_load %arg9[%swap3A_422, %swap3A_423] {strides = array<i32>} : memref<96x128xf32, #tpu.memory_space<vmem>>, vector<1x16xf32>,
      %swap3A_425 = vector.shape_cast %swap3A_424 : vector<1x16xf32> to vector<16xf32>
      %swap3A_426 = vector.shape_cast %mul3A_421 : vector<16xf32> to vector<1x16xf32>
      tpu.vector_store %arg9[%swap3A_422, %swap3A_423], %swap3A_426 {strides = array<i32>} : memref<96x128xf32, #tpu.memory_space<vmem>>, vector<1x16xf32>,
      %get3A_427 = arith.index_cast %mul3A_230 : i32 to index
      %get3A_428 = arith.constant 96 : index
      %get3A_429 = tpu.vector_load %arg8[%get3A_427, %get3A_428] {strides = array<i32>} : memref<384x128xf32, #tpu.memory_space<vmem>>, vector<1x16xf32>,
      %get3A_430 = vector.shape_cast %get3A_429 : vector<1x16xf32> to vector<16xf32>
      %add3A_431 = arith.constant 1 : i32
      %add3A_432 = arith.addi %mul3A_230, %add3A_431 : i32
      %get3A_433 = arith.index_cast %add3A_432 : i32 to index
      %get3A_434 = arith.constant 96 : index
      %get3A_435 = tpu.vector_load %arg8[%get3A_433, %get3A_434] {strides = array<i32>} : memref<384x128xf32, #tpu.memory_space<vmem>>, vector<1x16xf32>,
      %get3A_436 = vector.shape_cast %get3A_435 : vector<1x16xf32> to vector<16xf32>
      %add3A_437 = arith.addf %get3A_430, %get3A_436 : vector<16xf32>
      %add3A_438 = arith.constant 2 : i32
      %add3A_439 = arith.addi %mul3A_230, %add3A_438 : i32
      %get3A_440 = arith.index_cast %add3A_439 : i32 to index
      %get3A_441 = arith.constant 96 : index
      %get3A_442 = tpu.vector_load %arg8[%get3A_440, %get3A_441] {strides = array<i32>} : memref<384x128xf32, #tpu.memory_space<vmem>>, vector<1x16xf32>,
      %get3A_443 = vector.shape_cast %get3A_442 : vector<1x16xf32> to vector<16xf32>
      %add3A_444 = arith.addf %add3A_437, %get3A_443 : vector<16xf32>
      %add3A_445 = arith.constant 3 : i32
      %add3A_446 = arith.addi %mul3A_230, %add3A_445 : i32
      %get3A_447 = arith.index_cast %add3A_446 : i32 to index
      %get3A_448 = arith.constant 96 : index
      %get3A_449 = tpu.vector_load %arg8[%get3A_447, %get3A_448] {strides = array<i32>} : memref<384x128xf32, #tpu.memory_space<vmem>>, vector<1x16xf32>,
      %get3A_450 = vector.shape_cast %get3A_449 : vector<1x16xf32> to vector<16xf32>
      %add3A_451 = arith.addf %add3A_444, %get3A_450 : vector<16xf32>
      %mul3A_452 = arith.constant 2.500000e-01 : f32
      %mul3A_453 = vector.broadcast %mul3A_452 : f32 to vector<16xf32>
      %mul3A_454 = arith.mulf %add3A_451, %mul3A_453 : vector<16xf32>
      %swap3A_455 = arith.index_cast %scan3A_228 : i32 to index
      %swap3A_456 = arith.constant 96 : index
      %swap3A_457 = tpu.vector_load %arg9[%swap3A_455, %swap3A_456] {strides = array<i32>} : memref<96x128xf32, #tpu.memory_space<vmem>>, vector<1x16xf32>,
      %swap3A_458 = vector.shape_cast %swap3A_457 : vector<1x16xf32> to vector<16xf32>
      %swap3A_459 = vector.shape_cast %mul3A_454 : vector<16xf32> to vector<1x16xf32>
      tpu.vector_store %arg9[%swap3A_455, %swap3A_456], %swap3A_459 {strides = array<i32>} : memref<96x128xf32, #tpu.memory_space<vmem>>, vector<1x16xf32>,
      %get3A_460 = arith.index_cast %mul3A_230 : i32 to index
      %get3A_461 = arith.constant 112 : index
      %get3A_462 = tpu.vector_load %arg8[%get3A_460, %get3A_461] {strides = array<i32>} : memref<384x128xf32, #tpu.memory_space<vmem>>, vector<1x16xf32>,
      %get3A_463 = vector.shape_cast %get3A_462 : vector<1x16xf32> to vector<16xf32>
      %add3A_464 = arith.constant 1 : i32
      %add3A_465 = arith.addi %mul3A_230, %add3A_464 : i32
      %get3A_466 = arith.index_cast %add3A_465 : i32 to index
      %get3A_467 = arith.constant 112 : index
      %get3A_468 = tpu.vector_load %arg8[%get3A_466, %get3A_467] {strides = array<i32>} : memref<384x128xf32, #tpu.memory_space<vmem>>, vector<1x16xf32>,
      %get3A_469 = vector.shape_cast %get3A_468 : vector<1x16xf32> to vector<16xf32>
      %add3A_470 = arith.addf %get3A_463, %get3A_469 : vector<16xf32>
      %add3A_471 = arith.constant 2 : i32
      %add3A_472 = arith.addi %mul3A_230, %add3A_471 : i32
      %get3A_473 = arith.index_cast %add3A_472 : i32 to index
      %get3A_474 = arith.constant 112 : index
      %get3A_475 = tpu.vector_load %arg8[%get3A_473, %get3A_474] {strides = array<i32>} : memref<384x128xf32, #tpu.memory_space<vmem>>, vector<1x16xf32>,
      %get3A_476 = vector.shape_cast %get3A_475 : vector<1x16xf32> to vector<16xf32>
      %add3A_477 = arith.addf %add3A_470, %get3A_476 : vector<16xf32>
      %add3A_478 = arith.constant 3 : i32
      %add3A_479 = arith.addi %mul3A_230, %add3A_478 : i32
      %get3A_480 = arith.index_cast %add3A_479 : i32 to index
      %get3A_481 = arith.constant 112 : index
      %get3A_482 = tpu.vector_load %arg8[%get3A_480, %get3A_481] {strides = array<i32>} : memref<384x128xf32, #tpu.memory_space<vmem>>, vector<1x16xf32>,
      %get3A_483 = vector.shape_cast %get3A_482 : vector<1x16xf32> to vector<16xf32>
      %add3A_484 = arith.addf %add3A_477, %get3A_483 : vector<16xf32>
      %mul3A_485 = arith.constant 2.500000e-01 : f32
      %mul3A_486 = vector.broadcast %mul3A_485 : f32 to vector<16xf32>
      %mul3A_487 = arith.mulf %add3A_484, %mul3A_486 : vector<16xf32>
      %swap3A_488 = arith.index_cast %scan3A_228 : i32 to index
      %swap3A_489 = arith.constant 112 : index
      %swap3A_490 = tpu.vector_load %arg9[%swap3A_488, %swap3A_489] {strides = array<i32>} : memref<96x128xf32, #tpu.memory_space<vmem>>, vector<1x16xf32>,
      %swap3A_491 = vector.shape_cast %swap3A_490 : vector<1x16xf32> to vector<16xf32>
      %swap3A_492 = vector.shape_cast %mul3A_487 : vector<16xf32> to vector<1x16xf32>
      tpu.vector_store %arg9[%swap3A_488, %swap3A_489], %swap3A_492 {strides = array<i32>} : memref<96x128xf32, #tpu.memory_space<vmem>>, vector<1x16xf32>,
      %scan3A_493 = arith.constant 1 : i32
      %scan3A_494 = arith.addi %scan3A_228, %scan3A_493 : i32
      %mul3A_495 = arith.constant 4 : i32
      %mul3A_496 = arith.muli %scan3A_494, %mul3A_495 : i32
      %get3A_497 = arith.index_cast %mul3A_496 : i32 to index
      %get3A_498 = arith.constant 0 : index
      %get3A_499 = tpu.vector_load %arg8[%get3A_497, %get3A_498] {strides = array<i32>} : memref<384x128xf32, #tpu.memory_space<vmem>>, vector<1x16xf32>,
      %get3A_500 = vector.shape_cast %get3A_499 : vector<1x16xf32> to vector<16xf32>
      %add3A_501 = arith.constant 1 : i32
      %add3A_502 = arith.addi %mul3A_496, %add3A_501 : i32
      %get3A_503 = arith.index_cast %add3A_502 : i32 to index
      %get3A_504 = arith.constant 0 : index
      %get3A_505 = tpu.vector_load %arg8[%get3A_503, %get3A_504] {strides = array<i32>} : memref<384x128xf32, #tpu.memory_space<vmem>>, vector<1x16xf32>,
      %get3A_506 = vector.shape_cast %get3A_505 : vector<1x16xf32> to vector<16xf32>
      %add3A_507 = arith.addf %get3A_500, %get3A_506 : vector<16xf32>
      %add3A_508 = arith.constant 2 : i32
      %add3A_509 = arith.addi %mul3A_496, %add3A_508 : i32
      %get3A_510 = arith.index_cast %add3A_509 : i32 to index
      %get3A_511 = arith.constant 0 : index
      %get3A_512 = tpu.vector_load %arg8[%get3A_510, %get3A_511] {strides = array<i32>} : memref<384x128xf32, #tpu.memory_space<vmem>>, vector<1x16xf32>,
      %get3A_513 = vector.shape_cast %get3A_512 : vector<1x16xf32> to vector<16xf32>
      %add3A_514 = arith.addf %add3A_507, %get3A_513 : vector<16xf32>
      %add3A_515 = arith.constant 3 : i32
      %add3A_516 = arith.addi %mul3A_496, %add3A_515 : i32
      %get3A_517 = arith.index_cast %add3A_516 : i32 to index
      %get3A_518 = arith.constant 0 : index
      %get3A_519 = tpu.vector_load %arg8[%get3A_517, %get3A_518] {strides = array<i32>} : memref<384x128xf32, #tpu.memory_space<vmem>>, vector<1x16xf32>,
      %get3A_520 = vector.shape_cast %get3A_519 : vector<1x16xf32> to vector<16xf32>
      %add3A_521 = arith.addf %add3A_514, %get3A_520 : vector<16xf32>
      %mul3A_522 = arith.constant 2.500000e-01 : f32
      %mul3A_523 = vector.broadcast %mul3A_522 : f32 to vector<16xf32>
      %mul3A_524 = arith.mulf %add3A_521, %mul3A_523 : vector<16xf32>
      %swap3A_525 = arith.index_cast %scan3A_494 : i32 to index
      %swap3A_526 = arith.constant 0 : index
      %swap3A_527 = tpu.vector_load %arg9[%swap3A_525, %swap3A_526] {strides = array<i32>} : memref<96x128xf32, #tpu.memory_space<vmem>>, vector<1x16xf32>,
      %swap3A_528 = vector.shape_cast %swap3A_527 : vector<1x16xf32> to vector<16xf32>
      %swap3A_529 = vector.shape_cast %mul3A_524 : vector<16xf32> to vector<1x16xf32>
      tpu.vector_store %arg9[%swap3A_525, %swap3A_526], %swap3A_529 {strides = array<i32>} : memref<96x128xf32, #tpu.memory_space<vmem>>, vector<1x16xf32>,
      %get3A_530 = arith.index_cast %mul3A_496 : i32 to index
      %get3A_531 = arith.constant 16 : index
      %get3A_532 = tpu.vector_load %arg8[%get3A_530, %get3A_531] {strides = array<i32>} : memref<384x128xf32, #tpu.memory_space<vmem>>, vector<1x16xf32>,
      %get3A_533 = vector.shape_cast %get3A_532 : vector<1x16xf32> to vector<16xf32>
      %add3A_534 = arith.constant 1 : i32
      %add3A_535 = arith.addi %mul3A_496, %add3A_534 : i32
      %get3A_536 = arith.index_cast %add3A_535 : i32 to index
      %get3A_537 = arith.constant 16 : index
      %get3A_538 = tpu.vector_load %arg8[%get3A_536, %get3A_537] {strides = array<i32>} : memref<384x128xf32, #tpu.memory_space<vmem>>, vector<1x16xf32>,
      %get3A_539 = vector.shape_cast %get3A_538 : vector<1x16xf32> to vector<16xf32>
      %add3A_540 = arith.addf %get3A_533, %get3A_539 : vector<16xf32>
      %add3A_541 = arith.constant 2 : i32
      %add3A_542 = arith.addi %mul3A_496, %add3A_541 : i32
      %get3A_543 = arith.index_cast %add3A_542 : i32 to index
      %get3A_544 = arith.constant 16 : index
      %get3A_545 = tpu.vector_load %arg8[%get3A_543, %get3A_544] {strides = array<i32>} : memref<384x128xf32, #tpu.memory_space<vmem>>, vector<1x16xf32>,
      %get3A_546 = vector.shape_cast %get3A_545 : vector<1x16xf32> to vector<16xf32>
      %add3A_547 = arith.addf %add3A_540, %get3A_546 : vector<16xf32>
      %add3A_548 = arith.constant 3 : i32
      %add3A_549 = arith.addi %mul3A_496, %add3A_548 : i32
      %get3A_550 = arith.index_cast %add3A_549 : i32 to index
      %get3A_551 = arith.constant 16 : index
      %get3A_552 = tpu.vector_load %arg8[%get3A_550, %get3A_551] {strides = array<i32>} : memref<384x128xf32, #tpu.memory_space<vmem>>, vector<1x16xf32>,
      %get3A_553 = vector.shape_cast %get3A_552 : vector<1x16xf32> to vector<16xf32>
      %add3A_554 = arith.addf %add3A_547, %get3A_553 : vector<16xf32>
      %mul3A_555 = arith.constant 2.500000e-01 : f32
      %mul3A_556 = vector.broadcast %mul3A_555 : f32 to vector<16xf32>
      %mul3A_557 = arith.mulf %add3A_554, %mul3A_556 : vector<16xf32>
      %swap3A_558 = arith.index_cast %scan3A_494 : i32 to index
      %swap3A_559 = arith.constant 16 : index
      %swap3A_560 = tpu.vector_load %arg9[%swap3A_558, %swap3A_559] {strides = array<i32>} : memref<96x128xf32, #tpu.memory_space<vmem>>, vector<1x16xf32>,
      %swap3A_561 = vector.shape_cast %swap3A_560 : vector<1x16xf32> to vector<16xf32>
      %swap3A_562 = vector.shape_cast %mul3A_557 : vector<16xf32> to vector<1x16xf32>
      tpu.vector_store %arg9[%swap3A_558, %swap3A_559], %swap3A_562 {strides = array<i32>} : memref<96x128xf32, #tpu.memory_space<vmem>>, vector<1x16xf32>,
      %get3A_563 = arith.index_cast %mul3A_496 : i32 to index
      %get3A_564 = arith.constant 32 : index
      %get3A_565 = tpu.vector_load %arg8[%get3A_563, %get3A_564] {strides = array<i32>} : memref<384x128xf32, #tpu.memory_space<vmem>>, vector<1x16xf32>,
      %get3A_566 = vector.shape_cast %get3A_565 : vector<1x16xf32> to vector<16xf32>
      %add3A_567 = arith.constant 1 : i32
      %add3A_568 = arith.addi %mul3A_496, %add3A_567 : i32
      %get3A_569 = arith.index_cast %add3A_568 : i32 to index
      %get3A_570 = arith.constant 32 : index
      %get3A_571 = tpu.vector_load %arg8[%get3A_569, %get3A_570] {strides = array<i32>} : memref<384x128xf32, #tpu.memory_space<vmem>>, vector<1x16xf32>,
      %get3A_572 = vector.shape_cast %get3A_571 : vector<1x16xf32> to vector<16xf32>
      %add3A_573 = arith.addf %get3A_566, %get3A_572 : vector<16xf32>
      %add3A_574 = arith.constant 2 : i32
      %add3A_575 = arith.addi %mul3A_496, %add3A_574 : i32
      %get3A_576 = arith.index_cast %add3A_575 : i32 to index
      %get3A_577 = arith.constant 32 : index
      %get3A_578 = tpu.vector_load %arg8[%get3A_576, %get3A_577] {strides = array<i32>} : memref<384x128xf32, #tpu.memory_space<vmem>>, vector<1x16xf32>,
      %get3A_579 = vector.shape_cast %get3A_578 : vector<1x16xf32> to vector<16xf32>
      %add3A_580 = arith.addf %add3A_573, %get3A_579 : vector<16xf32>
      %add3A_581 = arith.constant 3 : i32
      %add3A_582 = arith.addi %mul3A_496, %add3A_581 : i32
      %get3A_583 = arith.index_cast %add3A_582 : i32 to index
      %get3A_584 = arith.constant 32 : index
      %get3A_585 = tpu.vector_load %arg8[%get3A_583, %get3A_584] {strides = array<i32>} : memref<384x128xf32, #tpu.memory_space<vmem>>, vector<1x16xf32>,
      %get3A_586 = vector.shape_cast %get3A_585 : vector<1x16xf32> to vector<16xf32>
      %add3A_587 = arith.addf %add3A_580, %get3A_586 : vector<16xf32>
      %mul3A_588 = arith.constant 2.500000e-01 : f32
      %mul3A_589 = vector.broadcast %mul3A_588 : f32 to vector<16xf32>
      %mul3A_590 = arith.mulf %add3A_587, %mul3A_589 : vector<16xf32>
      %swap3A_591 = arith.index_cast %scan3A_494 : i32 to index
      %swap3A_592 = arith.constant 32 : index
      %swap3A_593 = tpu.vector_load %arg9[%swap3A_591, %swap3A_592] {strides = array<i32>} : memref<96x128xf32, #tpu.memory_space<vmem>>, vector<1x16xf32>,
      %swap3A_594 = vector.shape_cast %swap3A_593 : vector<1x16xf32> to vector<16xf32>
      %swap3A_595 = vector.shape_cast %mul3A_590 : vector<16xf32> to vector<1x16xf32>
      tpu.vector_store %arg9[%swap3A_591, %swap3A_592], %swap3A_595 {strides = array<i32>} : memref<96x128xf32, #tpu.memory_space<vmem>>, vector<1x16xf32>,
      %get3A_596 = arith.index_cast %mul3A_496 : i32 to index
      %get3A_597 = arith.constant 48 : index
      %get3A_598 = tpu.vector_load %arg8[%get3A_596, %get3A_597] {strides = array<i32>} : memref<384x128xf32, #tpu.memory_space<vmem>>, vector<1x16xf32>,
      %get3A_599 = vector.shape_cast %get3A_598 : vector<1x16xf32> to vector<16xf32>
      %add3A_600 = arith.constant 1 : i32
      %add3A_601 = arith.addi %mul3A_496, %add3A_600 : i32
      %get3A_602 = arith.index_cast %add3A_601 : i32 to index
      %get3A_603 = arith.constant 48 : index
      %get3A_604 = tpu.vector_load %arg8[%get3A_602, %get3A_603] {strides = array<i32>} : memref<384x128xf32, #tpu.memory_space<vmem>>, vector<1x16xf32>,
      %get3A_605 = vector.shape_cast %get3A_604 : vector<1x16xf32> to vector<16xf32>
      %add3A_606 = arith.addf %get3A_599, %get3A_605 : vector<16xf32>
      %add3A_607 = arith.constant 2 : i32
      %add3A_608 = arith.addi %mul3A_496, %add3A_607 : i32
      %get3A_609 = arith.index_cast %add3A_608 : i32 to index
      %get3A_610 = arith.constant 48 : index
      %get3A_611 = tpu.vector_load %arg8[%get3A_609, %get3A_610] {strides = array<i32>} : memref<384x128xf32, #tpu.memory_space<vmem>>, vector<1x16xf32>,
      %get3A_612 = vector.shape_cast %get3A_611 : vector<1x16xf32> to vector<16xf32>
      %add3A_613 = arith.addf %add3A_606, %get3A_612 : vector<16xf32>
      %add3A_614 = arith.constant 3 : i32
      %add3A_615 = arith.addi %mul3A_496, %add3A_614 : i32
      %get3A_616 = arith.index_cast %add3A_615 : i32 to index
      %get3A_617 = arith.constant 48 : index
      %get3A_618 = tpu.vector_load %arg8[%get3A_616, %get3A_617] {strides = array<i32>} : memref<384x128xf32, #tpu.memory_space<vmem>>, vector<1x16xf32>,
      %get3A_619 = vector.shape_cast %get3A_618 : vector<1x16xf32> to vector<16xf32>
      %add3A_620 = arith.addf %add3A_613, %get3A_619 : vector<16xf32>
      %mul3A_621 = arith.constant 2.500000e-01 : f32
      %mul3A_622 = vector.broadcast %mul3A_621 : f32 to vector<16xf32>
      %mul3A_623 = arith.mulf %add3A_620, %mul3A_622 : vector<16xf32>
      %swap3A_624 = arith.index_cast %scan3A_494 : i32 to index
      %swap3A_625 = arith.constant 48 : index
      %swap3A_626 = tpu.vector_load %arg9[%swap3A_624, %swap3A_625] {strides = array<i32>} : memref<96x128xf32, #tpu.memory_space<vmem>>, vector<1x16xf32>,
      %swap3A_627 = vector.shape_cast %swap3A_626 : vector<1x16xf32> to vector<16xf32>
      %swap3A_628 = vector.shape_cast %mul3A_623 : vector<16xf32> to vector<1x16xf32>
      tpu.vector_store %arg9[%swap3A_624, %swap3A_625], %swap3A_628 {strides = array<i32>} : memref<96x128xf32, #tpu.memory_space<vmem>>, vector<1x16xf32>,
      %get3A_629 = arith.index_cast %mul3A_496 : i32 to index
      %get3A_630 = arith.constant 64 : index
      %get3A_631 = tpu.vector_load %arg8[%get3A_629, %get3A_630] {strides = array<i32>} : memref<384x128xf32, #tpu.memory_space<vmem>>, vector<1x16xf32>,
      %get3A_632 = vector.shape_cast %get3A_631 : vector<1x16xf32> to vector<16xf32>
      %add3A_633 = arith.constant 1 : i32
      %add3A_634 = arith.addi %mul3A_496, %add3A_633 : i32
      %get3A_635 = arith.index_cast %add3A_634 : i32 to index
      %get3A_636 = arith.constant 64 : index
      %get3A_637 = tpu.vector_load %arg8[%get3A_635, %get3A_636] {strides = array<i32>} : memref<384x128xf32, #tpu.memory_space<vmem>>, vector<1x16xf32>,
      %get3A_638 = vector.shape_cast %get3A_637 : vector<1x16xf32> to vector<16xf32>
      %add3A_639 = arith.addf %get3A_632, %get3A_638 : vector<16xf32>
      %add3A_640 = arith.constant 2 : i32
      %add3A_641 = arith.addi %mul3A_496, %add3A_640 : i32
      %get3A_642 = arith.index_cast %add3A_641 : i32 to index
      %get3A_643 = arith.constant 64 : index
      %get3A_644 = tpu.vector_load %arg8[%get3A_642, %get3A_643] {strides = array<i32>} : memref<384x128xf32, #tpu.memory_space<vmem>>, vector<1x16xf32>,
      %get3A_645 = vector.shape_cast %get3A_644 : vector<1x16xf32> to vector<16xf32>
      %add3A_646 = arith.addf %add3A_639, %get3A_645 : vector<16xf32>
      %add3A_647 = arith.constant 3 : i32
      %add3A_648 = arith.addi %mul3A_496, %add3A_647 : i32
      %get3A_649 = arith.index_cast %add3A_648 : i32 to index
      %get3A_650 = arith.constant 64 : index
      %get3A_651 = tpu.vector_load %arg8[%get3A_649, %get3A_650] {strides = array<i32>} : memref<384x128xf32, #tpu.memory_space<vmem>>, vector<1x16xf32>,
      %get3A_652 = vector.shape_cast %get3A_651 : vector<1x16xf32> to vector<16xf32>
      %add3A_653 = arith.addf %add3A_646, %get3A_652 : vector<16xf32>
      %mul3A_654 = arith.constant 2.500000e-01 : f32
      %mul3A_655 = vector.broadcast %mul3A_654 : f32 to vector<16xf32>
      %mul3A_656 = arith.mulf %add3A_653, %mul3A_655 : vector<16xf32>
      %swap3A_657 = arith.index_cast %scan3A_494 : i32 to index
      %swap3A_658 = arith.constant 64 : index
      %swap3A_659 = tpu.vector_load %arg9[%swap3A_657, %swap3A_658] {strides = array<i32>} : memref<96x128xf32, #tpu.memory_space<vmem>>, vector<1x16xf32>,
      %swap3A_660 = vector.shape_cast %swap3A_659 : vector<1x16xf32> to vector<16xf32>
      %swap3A_661 = vector.shape_cast %mul3A_656 : vector<16xf32> to vector<1x16xf32>
      tpu.vector_store %arg9[%swap3A_657, %swap3A_658], %swap3A_661 {strides = array<i32>} : memref<96x128xf32, #tpu.memory_space<vmem>>, vector<1x16xf32>,
      %get3A_662 = arith.index_cast %mul3A_496 : i32 to index
      %get3A_663 = arith.constant 80 : index
      %get3A_664 = tpu.vector_load %arg8[%get3A_662, %get3A_663] {strides = array<i32>} : memref<384x128xf32, #tpu.memory_space<vmem>>, vector<1x16xf32>,
      %get3A_665 = vector.shape_cast %get3A_664 : vector<1x16xf32> to vector<16xf32>
      %add3A_666 = arith.constant 1 : i32
      %add3A_667 = arith.addi %mul3A_496, %add3A_666 : i32
      %get3A_668 = arith.index_cast %add3A_667 : i32 to index
      %get3A_669 = arith.constant 80 : index
      %get3A_670 = tpu.vector_load %arg8[%get3A_668, %get3A_669] {strides = array<i32>} : memref<384x128xf32, #tpu.memory_space<vmem>>, vector<1x16xf32>,
      %get3A_671 = vector.shape_cast %get3A_670 : vector<1x16xf32> to vector<16xf32>
      %add3A_672 = arith.addf %get3A_665, %get3A_671 : vector<16xf32>
      %add3A_673 = arith.constant 2 : i32
      %add3A_674 = arith.addi %mul3A_496, %add3A_673 : i32
      %get3A_675 = arith.index_cast %add3A_674 : i32 to index
      %get3A_676 = arith.constant 80 : index
      %get3A_677 = tpu.vector_load %arg8[%get3A_675, %get3A_676] {strides = array<i32>} : memref<384x128xf32, #tpu.memory_space<vmem>>, vector<1x16xf32>,
      %get3A_678 = vector.shape_cast %get3A_677 : vector<1x16xf32> to vector<16xf32>
      %add3A_679 = arith.addf %add3A_672, %get3A_678 : vector<16xf32>
      %add3A_680 = arith.constant 3 : i32
      %add3A_681 = arith.addi %mul3A_496, %add3A_680 : i32
      %get3A_682 = arith.index_cast %add3A_681 : i32 to index
      %get3A_683 = arith.constant 80 : index
      %get3A_684 = tpu.vector_load %arg8[%get3A_682, %get3A_683] {strides = array<i32>} : memref<384x128xf32, #tpu.memory_space<vmem>>, vector<1x16xf32>,
      %get3A_685 = vector.shape_cast %get3A_684 : vector<1x16xf32> to vector<16xf32>
      %add3A_686 = arith.addf %add3A_679, %get3A_685 : vector<16xf32>
      %mul3A_687 = arith.constant 2.500000e-01 : f32
      %mul3A_688 = vector.broadcast %mul3A_687 : f32 to vector<16xf32>
      %mul3A_689 = arith.mulf %add3A_686, %mul3A_688 : vector<16xf32>
      %swap3A_690 = arith.index_cast %scan3A_494 : i32 to index
      %swap3A_691 = arith.constant 80 : index
      %swap3A_692 = tpu.vector_load %arg9[%swap3A_690, %swap3A_691] {strides = array<i32>} : memref<96x128xf32, #tpu.memory_space<vmem>>, vector<1x16xf32>,
      %swap3A_693 = vector.shape_cast %swap3A_692 : vector<1x16xf32> to vector<16xf32>
      %swap3A_694 = vector.shape_cast %mul3A_689 : vector<16xf32> to vector<1x16xf32>
      tpu.vector_store %arg9[%swap3A_690, %swap3A_691], %swap3A_694 {strides = array<i32>} : memref<96x128xf32, #tpu.memory_space<vmem>>, vector<1x16xf32>,
      %get3A_695 = arith.index_cast %mul3A_496 : i32 to index
      %get3A_696 = arith.constant 96 : index
      %get3A_697 = tpu.vector_load %arg8[%get3A_695, %get3A_696] {strides = array<i32>} : memref<384x128xf32, #tpu.memory_space<vmem>>, vector<1x16xf32>,
      %get3A_698 = vector.shape_cast %get3A_697 : vector<1x16xf32> to vector<16xf32>
      %add3A_699 = arith.constant 1 : i32
      %add3A_700 = arith.addi %mul3A_496, %add3A_699 : i32
      %get3A_701 = arith.index_cast %add3A_700 : i32 to index
      %get3A_702 = arith.constant 96 : index
      %get3A_703 = tpu.vector_load %arg8[%get3A_701, %get3A_702] {strides = array<i32>} : memref<384x128xf32, #tpu.memory_space<vmem>>, vector<1x16xf32>,
      %get3A_704 = vector.shape_cast %get3A_703 : vector<1x16xf32> to vector<16xf32>
      %add3A_705 = arith.addf %get3A_698, %get3A_704 : vector<16xf32>
      %add3A_706 = arith.constant 2 : i32
      %add3A_707 = arith.addi %mul3A_496, %add3A_706 : i32
      %get3A_708 = arith.index_cast %add3A_707 : i32 to index
      %get3A_709 = arith.constant 96 : index
      %get3A_710 = tpu.vector_load %arg8[%get3A_708, %get3A_709] {strides = array<i32>} : memref<384x128xf32, #tpu.memory_space<vmem>>, vector<1x16xf32>,
      %get3A_711 = vector.shape_cast %get3A_710 : vector<1x16xf32> to vector<16xf32>
      %add3A_712 = arith.addf %add3A_705, %get3A_711 : vector<16xf32>
      %add3A_713 = arith.constant 3 : i32
      %add3A_714 = arith.addi %mul3A_496, %add3A_713 : i32
      %get3A_715 = arith.index_cast %add3A_714 : i32 to index
      %get3A_716 = arith.constant 96 : index
      %get3A_717 = tpu.vector_load %arg8[%get3A_715, %get3A_716] {strides = array<i32>} : memref<384x128xf32, #tpu.memory_space<vmem>>, vector<1x16xf32>,
      %get3A_718 = vector.shape_cast %get3A_717 : vector<1x16xf32> to vector<16xf32>
      %add3A_719 = arith.addf %add3A_712, %get3A_718 : vector<16xf32>
      %mul3A_720 = arith.constant 2.500000e-01 : f32
      %mul3A_721 = vector.broadcast %mul3A_720 : f32 to vector<16xf32>
      %mul3A_722 = arith.mulf %add3A_719, %mul3A_721 : vector<16xf32>
      %swap3A_723 = arith.index_cast %scan3A_494 : i32 to index
      %swap3A_724 = arith.constant 96 : index
      %swap3A_725 = tpu.vector_load %arg9[%swap3A_723, %swap3A_724] {strides = array<i32>} : memref<96x128xf32, #tpu.memory_space<vmem>>, vector<1x16xf32>,
      %swap3A_726 = vector.shape_cast %swap3A_725 : vector<1x16xf32> to vector<16xf32>
      %swap3A_727 = vector.shape_cast %mul3A_722 : vector<16xf32> to vector<1x16xf32>
      tpu.vector_store %arg9[%swap3A_723, %swap3A_724], %swap3A_727 {strides = array<i32>} : memref<96x128xf32, #tpu.memory_space<vmem>>, vector<1x16xf32>,
      %get3A_728 = arith.index_cast %mul3A_496 : i32 to index
      %get3A_729 = arith.constant 112 : index
      %get3A_730 = tpu.vector_load %arg8[%get3A_728, %get3A_729] {strides = array<i32>} : memref<384x128xf32, #tpu.memory_space<vmem>>, vector<1x16xf32>,
      %get3A_731 = vector.shape_cast %get3A_730 : vector<1x16xf32> to vector<16xf32>
      %add3A_732 = arith.constant 1 : i32
      %add3A_733 = arith.addi %mul3A_496, %add3A_732 : i32
      %get3A_734 = arith.index_cast %add3A_733 : i32 to index
      %get3A_735 = arith.constant 112 : index
      %get3A_736 = tpu.vector_load %arg8[%get3A_734, %get3A_735] {strides = array<i32>} : memref<384x128xf32, #tpu.memory_space<vmem>>, vector<1x16xf32>,
      %get3A_737 = vector.shape_cast %get3A_736 : vector<1x16xf32> to vector<16xf32>
      %add3A_738 = arith.addf %get3A_731, %get3A_737 : vector<16xf32>
      %add3A_739 = arith.constant 2 : i32
      %add3A_740 = arith.addi %mul3A_496, %add3A_739 : i32
      %get3A_741 = arith.index_cast %add3A_740 : i32 to index
      %get3A_742 = arith.constant 112 : index
      %get3A_743 = tpu.vector_load %arg8[%get3A_741, %get3A_742] {strides = array<i32>} : memref<384x128xf32, #tpu.memory_space<vmem>>, vector<1x16xf32>,
      %get3A_744 = vector.shape_cast %get3A_743 : vector<1x16xf32> to vector<16xf32>
      %add3A_745 = arith.addf %add3A_738, %get3A_744 : vector<16xf32>
      %add3A_746 = arith.constant 3 : i32
      %add3A_747 = arith.addi %mul3A_496, %add3A_746 : i32
      %get3A_748 = arith.index_cast %add3A_747 : i32 to index
      %get3A_749 = arith.constant 112 : index
      %get3A_750 = tpu.vector_load %arg8[%get3A_748, %get3A_749] {strides = array<i32>} : memref<384x128xf32, #tpu.memory_space<vmem>>, vector<1x16xf32>,
      %get3A_751 = vector.shape_cast %get3A_750 : vector<1x16xf32> to vector<16xf32>
      %add3A_752 = arith.addf %add3A_745, %get3A_751 : vector<16xf32>
      %mul3A_753 = arith.constant 2.500000e-01 : f32
      %mul3A_754 = vector.broadcast %mul3A_753 : f32 to vector<16xf32>
      %mul3A_755 = arith.mulf %add3A_752, %mul3A_754 : vector<16xf32>
      %swap3A_756 = arith.index_cast %scan3A_494 : i32 to index
      %swap3A_757 = arith.constant 112 : index
      %swap3A_758 = tpu.vector_load %arg9[%swap3A_756, %swap3A_757] {strides = array<i32>} : memref<96x128xf32, #tpu.memory_space<vmem>>, vector<1x16xf32>,
      %swap3A_759 = vector.shape_cast %swap3A_758 : vector<1x16xf32> to vector<16xf32>
      %swap3A_760 = vector.shape_cast %mul3A_755 : vector<16xf32> to vector<1x16xf32>
      tpu.vector_store %arg9[%swap3A_756, %swap3A_757], %swap3A_760 {strides = array<i32>} : memref<96x128xf32, #tpu.memory_space<vmem>>, vector<1x16xf32>,
    }
    %scan3A_190 = arith.constant 32 : i32
    %dma_wait3A_191 = arith.constant 2 : i32
    %dma_wait3A_192 = arith.constant 256 : i32
    %dma_wait3A_193 = arith.constant 0 : i32
    %dma_wait3A_194 = tpu.memref_slice %arg8[%dma_wait3A_192, %dma_wait3A_193] : memref<384x128xf32, #tpu.memory_space<vmem>> -> memref<128x128xf32, #tpu.memory_space<vmem>>
    %dma_wait3A_195 = arith.constant 0 : i32
    %dma_wait3A_196 = tpu.memref_slice %arg6[%dma_wait3A_191, %dma_wait3A_195] : memref<3x128xi32, #tpu.memory_space<vmem>> -> memref<1x128xi32, #tpu.memory_space<vmem>>
    %dma_wait3A_197 = tpu.memref_squeeze %dma_wait3A_196 : memref<1x128xi32, #tpu.memory_space<vmem>> -> memref<128xi32, #tpu.memory_space<vmem>>
    %dma_wait3A_198 = arith.constant 0 : i32
    %dma_wait3A_199 = arith.constant 0 : i32
    %dma_wait3A_200 = tpu.memref_slice %arg3[%dma_wait3A_198, %dma_wait3A_199] : memref<100000x128xf32, #tpu.memory_space<hbm>> -> memref<100000x128xf32, #tpu.memory_space<hbm>>
    tpu.wait_indirect_dma semaphore(%arg12 : memref<!tpu.dma_semaphore, #tpu.memory_space<semaphore_mem>>) src(%dma_wait3A_200 : memref<100000x128xf32, #tpu.memory_space<hbm>>) dst(%dma_wait3A_194 : memref<128x128xf32, #tpu.memory_space<vmem>>)
    %scan3A_201 = arith.constant 0 : i32
    %scan3A_202 = arith.constant 64 : i32
    %scan3A_203 = arith.constant 32 : i32
    %scan3A_204 = arith.addi %scan3A_202, %scan3A_203 : i32
    %scan3A_205 = arith.constant 2 : i32
    scf.for %scan3A_228 = %scan3A_202 to %scan3A_204 step %scan3A_205  : i32 {
      %mul3A_229 = arith.constant 4 : i32
      %mul3A_230 = arith.muli %scan3A_228, %mul3A_229 : i32
      %get3A = arith.index_cast %mul3A_230 : i32 to index
      %get3A_231 = arith.constant 0 : index
      %get3A_232 = tpu.vector_load %arg8[%get3A, %get3A_231] {strides = array<i32>} : memref<384x128xf32, #tpu.memory_space<vmem>>, vector<1x16xf32>,
      %get3A_233 = vector.shape_cast %get3A_232 : vector<1x16xf32> to vector<16xf32>
      %add3A_234 = arith.constant 1 : i32
      %add3A_235 = arith.addi %mul3A_230, %add3A_234 : i32
      %get3A_236 = arith.index_cast %add3A_235 : i32 to index
      %get3A_237 = arith.constant 0 : index
      %get3A_238 = tpu.vector_load %arg8[%get3A_236, %get3A_237] {strides = array<i32>} : memref<384x128xf32, #tpu.memory_space<vmem>>, vector<1x16xf32>,
      %get3A_239 = vector.shape_cast %get3A_238 : vector<1x16xf32> to vector<16xf32>
      %add3A_240 = arith.addf %get3A_233, %get3A_239 : vector<16xf32>
      %add3A_241 = arith.constant 2 : i32
      %add3A_242 = arith.addi %mul3A_230, %add3A_241 : i32
      %get3A_243 = arith.index_cast %add3A_242 : i32 to index
      %get3A_244 = arith.constant 0 : index
      %get3A_245 = tpu.vector_load %arg8[%get3A_243, %get3A_244] {strides = array<i32>} : memref<384x128xf32, #tpu.memory_space<vmem>>, vector<1x16xf32>,
      %get3A_246 = vector.shape_cast %get3A_245 : vector<1x16xf32> to vector<16xf32>
      %add3A_247 = arith.addf %add3A_240, %get3A_246 : vector<16xf32>
      %add3A_248 = arith.constant 3 : i32
      %add3A_249 = arith.addi %mul3A_230, %add3A_248 : i32
      %get3A_250 = arith.index_cast %add3A_249 : i32 to index
      %get3A_251 = arith.constant 0 : index
      %get3A_252 = tpu.vector_load %arg8[%get3A_250, %get3A_251] {strides = array<i32>} : memref<384x128xf32, #tpu.memory_space<vmem>>, vector<1x16xf32>,
      %get3A_253 = vector.shape_cast %get3A_252 : vector<1x16xf32> to vector<16xf32>
      %add3A_254 = arith.addf %add3A_247, %get3A_253 : vector<16xf32>
      %mul3A_255 = arith.constant 2.500000e-01 : f32
      %mul3A_256 = vector.broadcast %mul3A_255 : f32 to vector<16xf32>
      %mul3A_257 = arith.mulf %add3A_254, %mul3A_256 : vector<16xf32>
      %swap3A = arith.index_cast %scan3A_228 : i32 to index
      %swap3A_258 = arith.constant 0 : index
      %swap3A_259 = tpu.vector_load %arg9[%swap3A, %swap3A_258] {strides = array<i32>} : memref<96x128xf32, #tpu.memory_space<vmem>>, vector<1x16xf32>,
      %swap3A_260 = vector.shape_cast %swap3A_259 : vector<1x16xf32> to vector<16xf32>
      %swap3A_261 = vector.shape_cast %mul3A_257 : vector<16xf32> to vector<1x16xf32>
      tpu.vector_store %arg9[%swap3A, %swap3A_258], %swap3A_261 {strides = array<i32>} : memref<96x128xf32, #tpu.memory_space<vmem>>, vector<1x16xf32>,
      %get3A_262 = arith.index_cast %mul3A_230 : i32 to index
      %get3A_263 = arith.constant 16 : index
      %get3A_264 = tpu.vector_load %arg8[%get3A_262, %get3A_263] {strides = array<i32>} : memref<384x128xf32, #tpu.memory_space<vmem>>, vector<1x16xf32>,
      %get3A_265 = vector.shape_cast %get3A_264 : vector<1x16xf32> to vector<16xf32>
      %add3A_266 = arith.constant 1 : i32
      %add3A_267 = arith.addi %mul3A_230, %add3A_266 : i32
      %get3A_268 = arith.index_cast %add3A_267 : i32 to index
      %get3A_269 = arith.constant 16 : index
      %get3A_270 = tpu.vector_load %arg8[%get3A_268, %get3A_269] {strides = array<i32>} : memref<384x128xf32, #tpu.memory_space<vmem>>, vector<1x16xf32>,
      %get3A_271 = vector.shape_cast %get3A_270 : vector<1x16xf32> to vector<16xf32>
      %add3A_272 = arith.addf %get3A_265, %get3A_271 : vector<16xf32>
      %add3A_273 = arith.constant 2 : i32
      %add3A_274 = arith.addi %mul3A_230, %add3A_273 : i32
      %get3A_275 = arith.index_cast %add3A_274 : i32 to index
      %get3A_276 = arith.constant 16 : index
      %get3A_277 = tpu.vector_load %arg8[%get3A_275, %get3A_276] {strides = array<i32>} : memref<384x128xf32, #tpu.memory_space<vmem>>, vector<1x16xf32>,
      %get3A_278 = vector.shape_cast %get3A_277 : vector<1x16xf32> to vector<16xf32>
      %add3A_279 = arith.addf %add3A_272, %get3A_278 : vector<16xf32>
      %add3A_280 = arith.constant 3 : i32
      %add3A_281 = arith.addi %mul3A_230, %add3A_280 : i32
      %get3A_282 = arith.index_cast %add3A_281 : i32 to index
      %get3A_283 = arith.constant 16 : index
      %get3A_284 = tpu.vector_load %arg8[%get3A_282, %get3A_283] {strides = array<i32>} : memref<384x128xf32, #tpu.memory_space<vmem>>, vector<1x16xf32>,
      %get3A_285 = vector.shape_cast %get3A_284 : vector<1x16xf32> to vector<16xf32>
      %add3A_286 = arith.addf %add3A_279, %get3A_285 : vector<16xf32>
      %mul3A_287 = arith.constant 2.500000e-01 : f32
      %mul3A_288 = vector.broadcast %mul3A_287 : f32 to vector<16xf32>
      %mul3A_289 = arith.mulf %add3A_286, %mul3A_288 : vector<16xf32>
      %swap3A_290 = arith.index_cast %scan3A_228 : i32 to index
      %swap3A_291 = arith.constant 16 : index
      %swap3A_292 = tpu.vector_load %arg9[%swap3A_290, %swap3A_291] {strides = array<i32>} : memref<96x128xf32, #tpu.memory_space<vmem>>, vector<1x16xf32>,
      %swap3A_293 = vector.shape_cast %swap3A_292 : vector<1x16xf32> to vector<16xf32>
      %swap3A_294 = vector.shape_cast %mul3A_289 : vector<16xf32> to vector<1x16xf32>
      tpu.vector_store %arg9[%swap3A_290, %swap3A_291], %swap3A_294 {strides = array<i32>} : memref<96x128xf32, #tpu.memory_space<vmem>>, vector<1x16xf32>,
      %get3A_295 = arith.index_cast %mul3A_230 : i32 to index
      %get3A_296 = arith.constant 32 : index
      %get3A_297 = tpu.vector_load %arg8[%get3A_295, %get3A_296] {strides = array<i32>} : memref<384x128xf32, #tpu.memory_space<vmem>>, vector<1x16xf32>,
      %get3A_298 = vector.shape_cast %get3A_297 : vector<1x16xf32> to vector<16xf32>
      %add3A_299 = arith.constant 1 : i32
      %add3A_300 = arith.addi %mul3A_230, %add3A_299 : i32
      %get3A_301 = arith.index_cast %add3A_300 : i32 to index
      %get3A_302 = arith.constant 32 : index
      %get3A_303 = tpu.vector_load %arg8[%get3A_301, %get3A_302] {strides = array<i32>} : memref<384x128xf32, #tpu.memory_space<vmem>>, vector<1x16xf32>,
      %get3A_304 = vector.shape_cast %get3A_303 : vector<1x16xf32> to vector<16xf32>
      %add3A_305 = arith.addf %get3A_298, %get3A_304 : vector<16xf32>
      %add3A_306 = arith.constant 2 : i32
      %add3A_307 = arith.addi %mul3A_230, %add3A_306 : i32
      %get3A_308 = arith.index_cast %add3A_307 : i32 to index
      %get3A_309 = arith.constant 32 : index
      %get3A_310 = tpu.vector_load %arg8[%get3A_308, %get3A_309] {strides = array<i32>} : memref<384x128xf32, #tpu.memory_space<vmem>>, vector<1x16xf32>,
      %get3A_311 = vector.shape_cast %get3A_310 : vector<1x16xf32> to vector<16xf32>
      %add3A_312 = arith.addf %add3A_305, %get3A_311 : vector<16xf32>
      %add3A_313 = arith.constant 3 : i32
      %add3A_314 = arith.addi %mul3A_230, %add3A_313 : i32
      %get3A_315 = arith.index_cast %add3A_314 : i32 to index
      %get3A_316 = arith.constant 32 : index
      %get3A_317 = tpu.vector_load %arg8[%get3A_315, %get3A_316] {strides = array<i32>} : memref<384x128xf32, #tpu.memory_space<vmem>>, vector<1x16xf32>,
      %get3A_318 = vector.shape_cast %get3A_317 : vector<1x16xf32> to vector<16xf32>
      %add3A_319 = arith.addf %add3A_312, %get3A_318 : vector<16xf32>
      %mul3A_320 = arith.constant 2.500000e-01 : f32
      %mul3A_321 = vector.broadcast %mul3A_320 : f32 to vector<16xf32>
      %mul3A_322 = arith.mulf %add3A_319, %mul3A_321 : vector<16xf32>
      %swap3A_323 = arith.index_cast %scan3A_228 : i32 to index
      %swap3A_324 = arith.constant 32 : index
      %swap3A_325 = tpu.vector_load %arg9[%swap3A_323, %swap3A_324] {strides = array<i32>} : memref<96x128xf32, #tpu.memory_space<vmem>>, vector<1x16xf32>,
      %swap3A_326 = vector.shape_cast %swap3A_325 : vector<1x16xf32> to vector<16xf32>
      %swap3A_327 = vector.shape_cast %mul3A_322 : vector<16xf32> to vector<1x16xf32>
      tpu.vector_store %arg9[%swap3A_323, %swap3A_324], %swap3A_327 {strides = array<i32>} : memref<96x128xf32, #tpu.memory_space<vmem>>, vector<1x16xf32>,
      %get3A_328 = arith.index_cast %mul3A_230 : i32 to index
      %get3A_329 = arith.constant 48 : index
      %get3A_330 = tpu.vector_load %arg8[%get3A_328, %get3A_329] {strides = array<i32>} : memref<384x128xf32, #tpu.memory_space<vmem>>, vector<1x16xf32>,
      %get3A_331 = vector.shape_cast %get3A_330 : vector<1x16xf32> to vector<16xf32>
      %add3A_332 = arith.constant 1 : i32
      %add3A_333 = arith.addi %mul3A_230, %add3A_332 : i32
      %get3A_334 = arith.index_cast %add3A_333 : i32 to index
      %get3A_335 = arith.constant 48 : index
      %get3A_336 = tpu.vector_load %arg8[%get3A_334, %get3A_335] {strides = array<i32>} : memref<384x128xf32, #tpu.memory_space<vmem>>, vector<1x16xf32>,
      %get3A_337 = vector.shape_cast %get3A_336 : vector<1x16xf32> to vector<16xf32>
      %add3A_338 = arith.addf %get3A_331, %get3A_337 : vector<16xf32>
      %add3A_339 = arith.constant 2 : i32
      %add3A_340 = arith.addi %mul3A_230, %add3A_339 : i32
      %get3A_341 = arith.index_cast %add3A_340 : i32 to index
      %get3A_342 = arith.constant 48 : index
      %get3A_343 = tpu.vector_load %arg8[%get3A_341, %get3A_342] {strides = array<i32>} : memref<384x128xf32, #tpu.memory_space<vmem>>, vector<1x16xf32>,
      %get3A_344 = vector.shape_cast %get3A_343 : vector<1x16xf32> to vector<16xf32>
      %add3A_345 = arith.addf %add3A_338, %get3A_344 : vector<16xf32>
      %add3A_346 = arith.constant 3 : i32
      %add3A_347 = arith.addi %mul3A_230, %add3A_346 : i32
      %get3A_348 = arith.index_cast %add3A_347 : i32 to index
      %get3A_349 = arith.constant 48 : index
      %get3A_350 = tpu.vector_load %arg8[%get3A_348, %get3A_349] {strides = array<i32>} : memref<384x128xf32, #tpu.memory_space<vmem>>, vector<1x16xf32>,
      %get3A_351 = vector.shape_cast %get3A_350 : vector<1x16xf32> to vector<16xf32>
      %add3A_352 = arith.addf %add3A_345, %get3A_351 : vector<16xf32>
      %mul3A_353 = arith.constant 2.500000e-01 : f32
      %mul3A_354 = vector.broadcast %mul3A_353 : f32 to vector<16xf32>
      %mul3A_355 = arith.mulf %add3A_352, %mul3A_354 : vector<16xf32>
      %swap3A_356 = arith.index_cast %scan3A_228 : i32 to index
      %swap3A_357 = arith.constant 48 : index
      %swap3A_358 = tpu.vector_load %arg9[%swap3A_356, %swap3A_357] {strides = array<i32>} : memref<96x128xf32, #tpu.memory_space<vmem>>, vector<1x16xf32>,
      %swap3A_359 = vector.shape_cast %swap3A_358 : vector<1x16xf32> to vector<16xf32>
      %swap3A_360 = vector.shape_cast %mul3A_355 : vector<16xf32> to vector<1x16xf32>
      tpu.vector_store %arg9[%swap3A_356, %swap3A_357], %swap3A_360 {strides = array<i32>} : memref<96x128xf32, #tpu.memory_space<vmem>>, vector<1x16xf32>,
      %get3A_361 = arith.index_cast %mul3A_230 : i32 to index
      %get3A_362 = arith.constant 64 : index
      %get3A_363 = tpu.vector_load %arg8[%get3A_361, %get3A_362] {strides = array<i32>} : memref<384x128xf32, #tpu.memory_space<vmem>>, vector<1x16xf32>,
      %get3A_364 = vector.shape_cast %get3A_363 : vector<1x16xf32> to vector<16xf32>
      %add3A_365 = arith.constant 1 : i32
      %add3A_366 = arith.addi %mul3A_230, %add3A_365 : i32
      %get3A_367 = arith.index_cast %add3A_366 : i32 to index
      %get3A_368 = arith.constant 64 : index
      %get3A_369 = tpu.vector_load %arg8[%get3A_367, %get3A_368] {strides = array<i32>} : memref<384x128xf32, #tpu.memory_space<vmem>>, vector<1x16xf32>,
      %get3A_370 = vector.shape_cast %get3A_369 : vector<1x16xf32> to vector<16xf32>
      %add3A_371 = arith.addf %get3A_364, %get3A_370 : vector<16xf32>
      %add3A_372 = arith.constant 2 : i32
      %add3A_373 = arith.addi %mul3A_230, %add3A_372 : i32
      %get3A_374 = arith.index_cast %add3A_373 : i32 to index
      %get3A_375 = arith.constant 64 : index
      %get3A_376 = tpu.vector_load %arg8[%get3A_374, %get3A_375] {strides = array<i32>} : memref<384x128xf32, #tpu.memory_space<vmem>>, vector<1x16xf32>,
      %get3A_377 = vector.shape_cast %get3A_376 : vector<1x16xf32> to vector<16xf32>
      %add3A_378 = arith.addf %add3A_371, %get3A_377 : vector<16xf32>
      %add3A_379 = arith.constant 3 : i32
      %add3A_380 = arith.addi %mul3A_230, %add3A_379 : i32
      %get3A_381 = arith.index_cast %add3A_380 : i32 to index
      %get3A_382 = arith.constant 64 : index
      %get3A_383 = tpu.vector_load %arg8[%get3A_381, %get3A_382] {strides = array<i32>} : memref<384x128xf32, #tpu.memory_space<vmem>>, vector<1x16xf32>,
      %get3A_384 = vector.shape_cast %get3A_383 : vector<1x16xf32> to vector<16xf32>
      %add3A_385 = arith.addf %add3A_378, %get3A_384 : vector<16xf32>
      %mul3A_386 = arith.constant 2.500000e-01 : f32
      %mul3A_387 = vector.broadcast %mul3A_386 : f32 to vector<16xf32>
      %mul3A_388 = arith.mulf %add3A_385, %mul3A_387 : vector<16xf32>
      %swap3A_389 = arith.index_cast %scan3A_228 : i32 to index
      %swap3A_390 = arith.constant 64 : index
      %swap3A_391 = tpu.vector_load %arg9[%swap3A_389, %swap3A_390] {strides = array<i32>} : memref<96x128xf32, #tpu.memory_space<vmem>>, vector<1x16xf32>,
      %swap3A_392 = vector.shape_cast %swap3A_391 : vector<1x16xf32> to vector<16xf32>
      %swap3A_393 = vector.shape_cast %mul3A_388 : vector<16xf32> to vector<1x16xf32>
      tpu.vector_store %arg9[%swap3A_389, %swap3A_390], %swap3A_393 {strides = array<i32>} : memref<96x128xf32, #tpu.memory_space<vmem>>, vector<1x16xf32>,
      %get3A_394 = arith.index_cast %mul3A_230 : i32 to index
      %get3A_395 = arith.constant 80 : index
      %get3A_396 = tpu.vector_load %arg8[%get3A_394, %get3A_395] {strides = array<i32>} : memref<384x128xf32, #tpu.memory_space<vmem>>, vector<1x16xf32>,
      %get3A_397 = vector.shape_cast %get3A_396 : vector<1x16xf32> to vector<16xf32>
      %add3A_398 = arith.constant 1 : i32
      %add3A_399 = arith.addi %mul3A_230, %add3A_398 : i32
      %get3A_400 = arith.index_cast %add3A_399 : i32 to index
      %get3A_401 = arith.constant 80 : index
      %get3A_402 = tpu.vector_load %arg8[%get3A_400, %get3A_401] {strides = array<i32>} : memref<384x128xf32, #tpu.memory_space<vmem>>, vector<1x16xf32>,
      %get3A_403 = vector.shape_cast %get3A_402 : vector<1x16xf32> to vector<16xf32>
      %add3A_404 = arith.addf %get3A_397, %get3A_403 : vector<16xf32>
      %add3A_405 = arith.constant 2 : i32
      %add3A_406 = arith.addi %mul3A_230, %add3A_405 : i32
      %get3A_407 = arith.index_cast %add3A_406 : i32 to index
      %get3A_408 = arith.constant 80 : index
      %get3A_409 = tpu.vector_load %arg8[%get3A_407, %get3A_408] {strides = array<i32>} : memref<384x128xf32, #tpu.memory_space<vmem>>, vector<1x16xf32>,
      %get3A_410 = vector.shape_cast %get3A_409 : vector<1x16xf32> to vector<16xf32>
      %add3A_411 = arith.addf %add3A_404, %get3A_410 : vector<16xf32>
      %add3A_412 = arith.constant 3 : i32
      %add3A_413 = arith.addi %mul3A_230, %add3A_412 : i32
      %get3A_414 = arith.index_cast %add3A_413 : i32 to index
      %get3A_415 = arith.constant 80 : index
      %get3A_416 = tpu.vector_load %arg8[%get3A_414, %get3A_415] {strides = array<i32>} : memref<384x128xf32, #tpu.memory_space<vmem>>, vector<1x16xf32>,
      %get3A_417 = vector.shape_cast %get3A_416 : vector<1x16xf32> to vector<16xf32>
      %add3A_418 = arith.addf %add3A_411, %get3A_417 : vector<16xf32>
      %mul3A_419 = arith.constant 2.500000e-01 : f32
      %mul3A_420 = vector.broadcast %mul3A_419 : f32 to vector<16xf32>
      %mul3A_421 = arith.mulf %add3A_418, %mul3A_420 : vector<16xf32>
      %swap3A_422 = arith.index_cast %scan3A_228 : i32 to index
      %swap3A_423 = arith.constant 80 : index
      %swap3A_424 = tpu.vector_load %arg9[%swap3A_422, %swap3A_423] {strides = array<i32>} : memref<96x128xf32, #tpu.memory_space<vmem>>, vector<1x16xf32>,
      %swap3A_425 = vector.shape_cast %swap3A_424 : vector<1x16xf32> to vector<16xf32>
      %swap3A_426 = vector.shape_cast %mul3A_421 : vector<16xf32> to vector<1x16xf32>
      tpu.vector_store %arg9[%swap3A_422, %swap3A_423], %swap3A_426 {strides = array<i32>} : memref<96x128xf32, #tpu.memory_space<vmem>>, vector<1x16xf32>,
      %get3A_427 = arith.index_cast %mul3A_230 : i32 to index
      %get3A_428 = arith.constant 96 : index
      %get3A_429 = tpu.vector_load %arg8[%get3A_427, %get3A_428] {strides = array<i32>} : memref<384x128xf32, #tpu.memory_space<vmem>>, vector<1x16xf32>,
      %get3A_430 = vector.shape_cast %get3A_429 : vector<1x16xf32> to vector<16xf32>
      %add3A_431 = arith.constant 1 : i32
      %add3A_432 = arith.addi %mul3A_230, %add3A_431 : i32
      %get3A_433 = arith.index_cast %add3A_432 : i32 to index
      %get3A_434 = arith.constant 96 : index
      %get3A_435 = tpu.vector_load %arg8[%get3A_433, %get3A_434] {strides = array<i32>} : memref<384x128xf32, #tpu.memory_space<vmem>>, vector<1x16xf32>,
      %get3A_436 = vector.shape_cast %get3A_435 : vector<1x16xf32> to vector<16xf32>
      %add3A_437 = arith.addf %get3A_430, %get3A_436 : vector<16xf32>
      %add3A_438 = arith.constant 2 : i32
      %add3A_439 = arith.addi %mul3A_230, %add3A_438 : i32
      %get3A_440 = arith.index_cast %add3A_439 : i32 to index
      %get3A_441 = arith.constant 96 : index
      %get3A_442 = tpu.vector_load %arg8[%get3A_440, %get3A_441] {strides = array<i32>} : memref<384x128xf32, #tpu.memory_space<vmem>>, vector<1x16xf32>,
      %get3A_443 = vector.shape_cast %get3A_442 : vector<1x16xf32> to vector<16xf32>
      %add3A_444 = arith.addf %add3A_437, %get3A_443 : vector<16xf32>
      %add3A_445 = arith.constant 3 : i32
      %add3A_446 = arith.addi %mul3A_230, %add3A_445 : i32
      %get3A_447 = arith.index_cast %add3A_446 : i32 to index
      %get3A_448 = arith.constant 96 : index
      %get3A_449 = tpu.vector_load %arg8[%get3A_447, %get3A_448] {strides = array<i32>} : memref<384x128xf32, #tpu.memory_space<vmem>>, vector<1x16xf32>,
      %get3A_450 = vector.shape_cast %get3A_449 : vector<1x16xf32> to vector<16xf32>
      %add3A_451 = arith.addf %add3A_444, %get3A_450 : vector<16xf32>
      %mul3A_452 = arith.constant 2.500000e-01 : f32
      %mul3A_453 = vector.broadcast %mul3A_452 : f32 to vector<16xf32>
      %mul3A_454 = arith.mulf %add3A_451, %mul3A_453 : vector<16xf32>
      %swap3A_455 = arith.index_cast %scan3A_228 : i32 to index
      %swap3A_456 = arith.constant 96 : index
      %swap3A_457 = tpu.vector_load %arg9[%swap3A_455, %swap3A_456] {strides = array<i32>} : memref<96x128xf32, #tpu.memory_space<vmem>>, vector<1x16xf32>,
      %swap3A_458 = vector.shape_cast %swap3A_457 : vector<1x16xf32> to vector<16xf32>
      %swap3A_459 = vector.shape_cast %mul3A_454 : vector<16xf32> to vector<1x16xf32>
      tpu.vector_store %arg9[%swap3A_455, %swap3A_456], %swap3A_459 {strides = array<i32>} : memref<96x128xf32, #tpu.memory_space<vmem>>, vector<1x16xf32>,
      %get3A_460 = arith.index_cast %mul3A_230 : i32 to index
      %get3A_461 = arith.constant 112 : index
      %get3A_462 = tpu.vector_load %arg8[%get3A_460, %get3A_461] {strides = array<i32>} : memref<384x128xf32, #tpu.memory_space<vmem>>, vector<1x16xf32>,
      %get3A_463 = vector.shape_cast %get3A_462 : vector<1x16xf32> to vector<16xf32>
      %add3A_464 = arith.constant 1 : i32
      %add3A_465 = arith.addi %mul3A_230, %add3A_464 : i32
      %get3A_466 = arith.index_cast %add3A_465 : i32 to index
      %get3A_467 = arith.constant 112 : index
      %get3A_468 = tpu.vector_load %arg8[%get3A_466, %get3A_467] {strides = array<i32>} : memref<384x128xf32, #tpu.memory_space<vmem>>, vector<1x16xf32>,
      %get3A_469 = vector.shape_cast %get3A_468 : vector<1x16xf32> to vector<16xf32>
      %add3A_470 = arith.addf %get3A_463, %get3A_469 : vector<16xf32>
      %add3A_471 = arith.constant 2 : i32
      %add3A_472 = arith.addi %mul3A_230, %add3A_471 : i32
      %get3A_473 = arith.index_cast %add3A_472 : i32 to index
      %get3A_474 = arith.constant 112 : index
      %get3A_475 = tpu.vector_load %arg8[%get3A_473, %get3A_474] {strides = array<i32>} : memref<384x128xf32, #tpu.memory_space<vmem>>, vector<1x16xf32>,
      %get3A_476 = vector.shape_cast %get3A_475 : vector<1x16xf32> to vector<16xf32>
      %add3A_477 = arith.addf %add3A_470, %get3A_476 : vector<16xf32>
      %add3A_478 = arith.constant 3 : i32
      %add3A_479 = arith.addi %mul3A_230, %add3A_478 : i32
      %get3A_480 = arith.index_cast %add3A_479 : i32 to index
      %get3A_481 = arith.constant 112 : index
      %get3A_482 = tpu.vector_load %arg8[%get3A_480, %get3A_481] {strides = array<i32>} : memref<384x128xf32, #tpu.memory_space<vmem>>, vector<1x16xf32>,
      %get3A_483 = vector.shape_cast %get3A_482 : vector<1x16xf32> to vector<16xf32>
      %add3A_484 = arith.addf %add3A_477, %get3A_483 : vector<16xf32>
      %mul3A_485 = arith.constant 2.500000e-01 : f32
      %mul3A_486 = vector.broadcast %mul3A_485 : f32 to vector<16xf32>
      %mul3A_487 = arith.mulf %add3A_484, %mul3A_486 : vector<16xf32>
      %swap3A_488 = arith.index_cast %scan3A_228 : i32 to index
      %swap3A_489 = arith.constant 112 : index
      %swap3A_490 = tpu.vector_load %arg9[%swap3A_488, %swap3A_489] {strides = array<i32>} : memref<96x128xf32, #tpu.memory_space<vmem>>, vector<1x16xf32>,
      %swap3A_491 = vector.shape_cast %swap3A_490 : vector<1x16xf32> to vector<16xf32>
      %swap3A_492 = vector.shape_cast %mul3A_487 : vector<16xf32> to vector<1x16xf32>
      tpu.vector_store %arg9[%swap3A_488, %swap3A_489], %swap3A_492 {strides = array<i32>} : memref<96x128xf32, #tpu.memory_space<vmem>>, vector<1x16xf32>,
      %scan3A_493 = arith.constant 1 : i32
      %scan3A_494 = arith.addi %scan3A_228, %scan3A_493 : i32
      %mul3A_495 = arith.constant 4 : i32
      %mul3A_496 = arith.muli %scan3A_494, %mul3A_495 : i32
      %get3A_497 = arith.index_cast %mul3A_496 : i32 to index
      %get3A_498 = arith.constant 0 : index
      %get3A_499 = tpu.vector_load %arg8[%get3A_497, %get3A_498] {strides = array<i32>} : memref<384x128xf32, #tpu.memory_space<vmem>>, vector<1x16xf32>,
      %get3A_500 = vector.shape_cast %get3A_499 : vector<1x16xf32> to vector<16xf32>
      %add3A_501 = arith.constant 1 : i32
      %add3A_502 = arith.addi %mul3A_496, %add3A_501 : i32
      %get3A_503 = arith.index_cast %add3A_502 : i32 to index
      %get3A_504 = arith.constant 0 : index
      %get3A_505 = tpu.vector_load %arg8[%get3A_503, %get3A_504] {strides = array<i32>} : memref<384x128xf32, #tpu.memory_space<vmem>>, vector<1x16xf32>,
      %get3A_506 = vector.shape_cast %get3A_505 : vector<1x16xf32> to vector<16xf32>
      %add3A_507 = arith.addf %get3A_500, %get3A_506 : vector<16xf32>
      %add3A_508 = arith.constant 2 : i32
      %add3A_509 = arith.addi %mul3A_496, %add3A_508 : i32
      %get3A_510 = arith.index_cast %add3A_509 : i32 to index
      %get3A_511 = arith.constant 0 : index
      %get3A_512 = tpu.vector_load %arg8[%get3A_510, %get3A_511] {strides = array<i32>} : memref<384x128xf32, #tpu.memory_space<vmem>>, vector<1x16xf32>,
      %get3A_513 = vector.shape_cast %get3A_512 : vector<1x16xf32> to vector<16xf32>
      %add3A_514 = arith.addf %add3A_507, %get3A_513 : vector<16xf32>
      %add3A_515 = arith.constant 3 : i32
      %add3A_516 = arith.addi %mul3A_496, %add3A_515 : i32
      %get3A_517 = arith.index_cast %add3A_516 : i32 to index
      %get3A_518 = arith.constant 0 : index
      %get3A_519 = tpu.vector_load %arg8[%get3A_517, %get3A_518] {strides = array<i32>} : memref<384x128xf32, #tpu.memory_space<vmem>>, vector<1x16xf32>,
      %get3A_520 = vector.shape_cast %get3A_519 : vector<1x16xf32> to vector<16xf32>
      %add3A_521 = arith.addf %add3A_514, %get3A_520 : vector<16xf32>
      %mul3A_522 = arith.constant 2.500000e-01 : f32
      %mul3A_523 = vector.broadcast %mul3A_522 : f32 to vector<16xf32>
      %mul3A_524 = arith.mulf %add3A_521, %mul3A_523 : vector<16xf32>
      %swap3A_525 = arith.index_cast %scan3A_494 : i32 to index
      %swap3A_526 = arith.constant 0 : index
      %swap3A_527 = tpu.vector_load %arg9[%swap3A_525, %swap3A_526] {strides = array<i32>} : memref<96x128xf32, #tpu.memory_space<vmem>>, vector<1x16xf32>,
      %swap3A_528 = vector.shape_cast %swap3A_527 : vector<1x16xf32> to vector<16xf32>
      %swap3A_529 = vector.shape_cast %mul3A_524 : vector<16xf32> to vector<1x16xf32>
      tpu.vector_store %arg9[%swap3A_525, %swap3A_526], %swap3A_529 {strides = array<i32>} : memref<96x128xf32, #tpu.memory_space<vmem>>, vector<1x16xf32>,
      %get3A_530 = arith.index_cast %mul3A_496 : i32 to index
      %get3A_531 = arith.constant 16 : index
      %get3A_532 = tpu.vector_load %arg8[%get3A_530, %get3A_531] {strides = array<i32>} : memref<384x128xf32, #tpu.memory_space<vmem>>, vector<1x16xf32>,
      %get3A_533 = vector.shape_cast %get3A_532 : vector<1x16xf32> to vector<16xf32>
      %add3A_534 = arith.constant 1 : i32
      %add3A_535 = arith.addi %mul3A_496, %add3A_534 : i32
      %get3A_536 = arith.index_cast %add3A_535 : i32 to index
      %get3A_537 = arith.constant 16 : index
      %get3A_538 = tpu.vector_load %arg8[%get3A_536, %get3A_537] {strides = array<i32>} : memref<384x128xf32, #tpu.memory_space<vmem>>, vector<1x16xf32>,
      %get3A_539 = vector.shape_cast %get3A_538 : vector<1x16xf32> to vector<16xf32>
      %add3A_540 = arith.addf %get3A_533, %get3A_539 : vector<16xf32>
      %add3A_541 = arith.constant 2 : i32
      %add3A_542 = arith.addi %mul3A_496, %add3A_541 : i32
      %get3A_543 = arith.index_cast %add3A_542 : i32 to index
      %get3A_544 = arith.constant 16 : index
      %get3A_545 = tpu.vector_load %arg8[%get3A_543, %get3A_544] {strides = array<i32>} : memref<384x128xf32, #tpu.memory_space<vmem>>, vector<1x16xf32>,
      %get3A_546 = vector.shape_cast %get3A_545 : vector<1x16xf32> to vector<16xf32>
      %add3A_547 = arith.addf %add3A_540, %get3A_546 : vector<16xf32>
      %add3A_548 = arith.constant 3 : i32
      %add3A_549 = arith.addi %mul3A_496, %add3A_548 : i32
      %get3A_550 = arith.index_cast %add3A_549 : i32 to index
      %get3A_551 = arith.constant 16 : index
      %get3A_552 = tpu.vector_load %arg8[%get3A_550, %get3A_551] {strides = array<i32>} : memref<384x128xf32, #tpu.memory_space<vmem>>, vector<1x16xf32>,
      %get3A_553 = vector.shape_cast %get3A_552 : vector<1x16xf32> to vector<16xf32>
      %add3A_554 = arith.addf %add3A_547, %get3A_553 : vector<16xf32>
      %mul3A_555 = arith.constant 2.500000e-01 : f32
      %mul3A_556 = vector.broadcast %mul3A_555 : f32 to vector<16xf32>
      %mul3A_557 = arith.mulf %add3A_554, %mul3A_556 : vector<16xf32>
      %swap3A_558 = arith.index_cast %scan3A_494 : i32 to index
      %swap3A_559 = arith.constant 16 : index
      %swap3A_560 = tpu.vector_load %arg9[%swap3A_558, %swap3A_559] {strides = array<i32>} : memref<96x128xf32, #tpu.memory_space<vmem>>, vector<1x16xf32>,
      %swap3A_561 = vector.shape_cast %swap3A_560 : vector<1x16xf32> to vector<16xf32>
      %swap3A_562 = vector.shape_cast %mul3A_557 : vector<16xf32> to vector<1x16xf32>
      tpu.vector_store %arg9[%swap3A_558, %swap3A_559], %swap3A_562 {strides = array<i32>} : memref<96x128xf32, #tpu.memory_space<vmem>>, vector<1x16xf32>,
      %get3A_563 = arith.index_cast %mul3A_496 : i32 to index
      %get3A_564 = arith.constant 32 : index
      %get3A_565 = tpu.vector_load %arg8[%get3A_563, %get3A_564] {strides = array<i32>} : memref<384x128xf32, #tpu.memory_space<vmem>>, vector<1x16xf32>,
      %get3A_566 = vector.shape_cast %get3A_565 : vector<1x16xf32> to vector<16xf32>
      %add3A_567 = arith.constant 1 : i32
      %add3A_568 = arith.addi %mul3A_496, %add3A_567 : i32
      %get3A_569 = arith.index_cast %add3A_568 : i32 to index
      %get3A_570 = arith.constant 32 : index
      %get3A_571 = tpu.vector_load %arg8[%get3A_569, %get3A_570] {strides = array<i32>} : memref<384x128xf32, #tpu.memory_space<vmem>>, vector<1x16xf32>,
      %get3A_572 = vector.shape_cast %get3A_571 : vector<1x16xf32> to vector<16xf32>
      %add3A_573 = arith.addf %get3A_566, %get3A_572 : vector<16xf32>
      %add3A_574 = arith.constant 2 : i32
      %add3A_575 = arith.addi %mul3A_496, %add3A_574 : i32
      %get3A_576 = arith.index_cast %add3A_575 : i32 to index
      %get3A_577 = arith.constant 32 : index
      %get3A_578 = tpu.vector_load %arg8[%get3A_576, %get3A_577] {strides = array<i32>} : memref<384x128xf32, #tpu.memory_space<vmem>>, vector<1x16xf32>,
      %get3A_579 = vector.shape_cast %get3A_578 : vector<1x16xf32> to vector<16xf32>
      %add3A_580 = arith.addf %add3A_573, %get3A_579 : vector<16xf32>
      %add3A_581 = arith.constant 3 : i32
      %add3A_582 = arith.addi %mul3A_496, %add3A_581 : i32
      %get3A_583 = arith.index_cast %add3A_582 : i32 to index
      %get3A_584 = arith.constant 32 : index
      %get3A_585 = tpu.vector_load %arg8[%get3A_583, %get3A_584] {strides = array<i32>} : memref<384x128xf32, #tpu.memory_space<vmem>>, vector<1x16xf32>,
      %get3A_586 = vector.shape_cast %get3A_585 : vector<1x16xf32> to vector<16xf32>
      %add3A_587 = arith.addf %add3A_580, %get3A_586 : vector<16xf32>
      %mul3A_588 = arith.constant 2.500000e-01 : f32
      %mul3A_589 = vector.broadcast %mul3A_588 : f32 to vector<16xf32>
      %mul3A_590 = arith.mulf %add3A_587, %mul3A_589 : vector<16xf32>
      %swap3A_591 = arith.index_cast %scan3A_494 : i32 to index
      %swap3A_592 = arith.constant 32 : index
      %swap3A_593 = tpu.vector_load %arg9[%swap3A_591, %swap3A_592] {strides = array<i32>} : memref<96x128xf32, #tpu.memory_space<vmem>>, vector<1x16xf32>,
      %swap3A_594 = vector.shape_cast %swap3A_593 : vector<1x16xf32> to vector<16xf32>
      %swap3A_595 = vector.shape_cast %mul3A_590 : vector<16xf32> to vector<1x16xf32>
      tpu.vector_store %arg9[%swap3A_591, %swap3A_592], %swap3A_595 {strides = array<i32>} : memref<96x128xf32, #tpu.memory_space<vmem>>, vector<1x16xf32>,
      %get3A_596 = arith.index_cast %mul3A_496 : i32 to index
      %get3A_597 = arith.constant 48 : index
      %get3A_598 = tpu.vector_load %arg8[%get3A_596, %get3A_597] {strides = array<i32>} : memref<384x128xf32, #tpu.memory_space<vmem>>, vector<1x16xf32>,
      %get3A_599 = vector.shape_cast %get3A_598 : vector<1x16xf32> to vector<16xf32>
      %add3A_600 = arith.constant 1 : i32
      %add3A_601 = arith.addi %mul3A_496, %add3A_600 : i32
      %get3A_602 = arith.index_cast %add3A_601 : i32 to index
      %get3A_603 = arith.constant 48 : index
      %get3A_604 = tpu.vector_load %arg8[%get3A_602, %get3A_603] {strides = array<i32>} : memref<384x128xf32, #tpu.memory_space<vmem>>, vector<1x16xf32>,
      %get3A_605 = vector.shape_cast %get3A_604 : vector<1x16xf32> to vector<16xf32>
      %add3A_606 = arith.addf %get3A_599, %get3A_605 : vector<16xf32>
      %add3A_607 = arith.constant 2 : i32
      %add3A_608 = arith.addi %mul3A_496, %add3A_607 : i32
      %get3A_609 = arith.index_cast %add3A_608 : i32 to index
      %get3A_610 = arith.constant 48 : index
      %get3A_611 = tpu.vector_load %arg8[%get3A_609, %get3A_610] {strides = array<i32>} : memref<384x128xf32, #tpu.memory_space<vmem>>, vector<1x16xf32>,
      %get3A_612 = vector.shape_cast %get3A_611 : vector<1x16xf32> to vector<16xf32>
      %add3A_613 = arith.addf %add3A_606, %get3A_612 : vector<16xf32>
      %add3A_614 = arith.constant 3 : i32
      %add3A_615 = arith.addi %mul3A_496, %add3A_614 : i32
      %get3A_616 = arith.index_cast %add3A_615 : i32 to index
      %get3A_617 = arith.constant 48 : index
      %get3A_618 = tpu.vector_load %arg8[%get3A_616, %get3A_617] {strides = array<i32>} : memref<384x128xf32, #tpu.memory_space<vmem>>, vector<1x16xf32>,
      %get3A_619 = vector.shape_cast %get3A_618 : vector<1x16xf32> to vector<16xf32>
      %add3A_620 = arith.addf %add3A_613, %get3A_619 : vector<16xf32>
      %mul3A_621 = arith.constant 2.500000e-01 : f32
      %mul3A_622 = vector.broadcast %mul3A_621 : f32 to vector<16xf32>
      %mul3A_623 = arith.mulf %add3A_620, %mul3A_622 : vector<16xf32>
      %swap3A_624 = arith.index_cast %scan3A_494 : i32 to index
      %swap3A_625 = arith.constant 48 : index
      %swap3A_626 = tpu.vector_load %arg9[%swap3A_624, %swap3A_625] {strides = array<i32>} : memref<96x128xf32, #tpu.memory_space<vmem>>, vector<1x16xf32>,
      %swap3A_627 = vector.shape_cast %swap3A_626 : vector<1x16xf32> to vector<16xf32>
      %swap3A_628 = vector.shape_cast %mul3A_623 : vector<16xf32> to vector<1x16xf32>
      tpu.vector_store %arg9[%swap3A_624, %swap3A_625], %swap3A_628 {strides = array<i32>} : memref<96x128xf32, #tpu.memory_space<vmem>>, vector<1x16xf32>,
      %get3A_629 = arith.index_cast %mul3A_496 : i32 to index
      %get3A_630 = arith.constant 64 : index
      %get3A_631 = tpu.vector_load %arg8[%get3A_629, %get3A_630] {strides = array<i32>} : memref<384x128xf32, #tpu.memory_space<vmem>>, vector<1x16xf32>,
      %get3A_632 = vector.shape_cast %get3A_631 : vector<1x16xf32> to vector<16xf32>
      %add3A_633 = arith.constant 1 : i32
      %add3A_634 = arith.addi %mul3A_496, %add3A_633 : i32
      %get3A_635 = arith.index_cast %add3A_634 : i32 to index
      %get3A_636 = arith.constant 64 : index
      %get3A_637 = tpu.vector_load %arg8[%get3A_635, %get3A_636] {strides = array<i32>} : memref<384x128xf32, #tpu.memory_space<vmem>>, vector<1x16xf32>,
      %get3A_638 = vector.shape_cast %get3A_637 : vector<1x16xf32> to vector<16xf32>
      %add3A_639 = arith.addf %get3A_632, %get3A_638 : vector<16xf32>
      %add3A_640 = arith.constant 2 : i32
      %add3A_641 = arith.addi %mul3A_496, %add3A_640 : i32
      %get3A_642 = arith.index_cast %add3A_641 : i32 to index
      %get3A_643 = arith.constant 64 : index
      %get3A_644 = tpu.vector_load %arg8[%get3A_642, %get3A_643] {strides = array<i32>} : memref<384x128xf32, #tpu.memory_space<vmem>>, vector<1x16xf32>,
      %get3A_645 = vector.shape_cast %get3A_644 : vector<1x16xf32> to vector<16xf32>
      %add3A_646 = arith.addf %add3A_639, %get3A_645 : vector<16xf32>
      %add3A_647 = arith.constant 3 : i32
      %add3A_648 = arith.addi %mul3A_496, %add3A_647 : i32
      %get3A_649 = arith.index_cast %add3A_648 : i32 to index
      %get3A_650 = arith.constant 64 : index
      %get3A_651 = tpu.vector_load %arg8[%get3A_649, %get3A_650] {strides = array<i32>} : memref<384x128xf32, #tpu.memory_space<vmem>>, vector<1x16xf32>,
      %get3A_652 = vector.shape_cast %get3A_651 : vector<1x16xf32> to vector<16xf32>
      %add3A_653 = arith.addf %add3A_646, %get3A_652 : vector<16xf32>
      %mul3A_654 = arith.constant 2.500000e-01 : f32
      %mul3A_655 = vector.broadcast %mul3A_654 : f32 to vector<16xf32>
      %mul3A_656 = arith.mulf %add3A_653, %mul3A_655 : vector<16xf32>
      %swap3A_657 = arith.index_cast %scan3A_494 : i32 to index
      %swap3A_658 = arith.constant 64 : index
      %swap3A_659 = tpu.vector_load %arg9[%swap3A_657, %swap3A_658] {strides = array<i32>} : memref<96x128xf32, #tpu.memory_space<vmem>>, vector<1x16xf32>,
      %swap3A_660 = vector.shape_cast %swap3A_659 : vector<1x16xf32> to vector<16xf32>
      %swap3A_661 = vector.shape_cast %mul3A_656 : vector<16xf32> to vector<1x16xf32>
      tpu.vector_store %arg9[%swap3A_657, %swap3A_658], %swap3A_661 {strides = array<i32>} : memref<96x128xf32, #tpu.memory_space<vmem>>, vector<1x16xf32>,
      %get3A_662 = arith.index_cast %mul3A_496 : i32 to index
      %get3A_663 = arith.constant 80 : index
      %get3A_664 = tpu.vector_load %arg8[%get3A_662, %get3A_663] {strides = array<i32>} : memref<384x128xf32, #tpu.memory_space<vmem>>, vector<1x16xf32>,
      %get3A_665 = vector.shape_cast %get3A_664 : vector<1x16xf32> to vector<16xf32>
      %add3A_666 = arith.constant 1 : i32
      %add3A_667 = arith.addi %mul3A_496, %add3A_666 : i32
      %get3A_668 = arith.index_cast %add3A_667 : i32 to index
      %get3A_669 = arith.constant 80 : index
      %get3A_670 = tpu.vector_load %arg8[%get3A_668, %get3A_669] {strides = array<i32>} : memref<384x128xf32, #tpu.memory_space<vmem>>, vector<1x16xf32>,
      %get3A_671 = vector.shape_cast %get3A_670 : vector<1x16xf32> to vector<16xf32>
      %add3A_672 = arith.addf %get3A_665, %get3A_671 : vector<16xf32>
      %add3A_673 = arith.constant 2 : i32
      %add3A_674 = arith.addi %mul3A_496, %add3A_673 : i32
      %get3A_675 = arith.index_cast %add3A_674 : i32 to index
      %get3A_676 = arith.constant 80 : index
      %get3A_677 = tpu.vector_load %arg8[%get3A_675, %get3A_676] {strides = array<i32>} : memref<384x128xf32, #tpu.memory_space<vmem>>, vector<1x16xf32>,
      %get3A_678 = vector.shape_cast %get3A_677 : vector<1x16xf32> to vector<16xf32>
      %add3A_679 = arith.addf %add3A_672, %get3A_678 : vector<16xf32>
      %add3A_680 = arith.constant 3 : i32
      %add3A_681 = arith.addi %mul3A_496, %add3A_680 : i32
      %get3A_682 = arith.index_cast %add3A_681 : i32 to index
      %get3A_683 = arith.constant 80 : index
      %get3A_684 = tpu.vector_load %arg8[%get3A_682, %get3A_683] {strides = array<i32>} : memref<384x128xf32, #tpu.memory_space<vmem>>, vector<1x16xf32>,
      %get3A_685 = vector.shape_cast %get3A_684 : vector<1x16xf32> to vector<16xf32>
      %add3A_686 = arith.addf %add3A_679, %get3A_685 : vector<16xf32>
      %mul3A_687 = arith.constant 2.500000e-01 : f32
      %mul3A_688 = vector.broadcast %mul3A_687 : f32 to vector<16xf32>
      %mul3A_689 = arith.mulf %add3A_686, %mul3A_688 : vector<16xf32>
      %swap3A_690 = arith.index_cast %scan3A_494 : i32 to index
      %swap3A_691 = arith.constant 80 : index
      %swap3A_692 = tpu.vector_load %arg9[%swap3A_690, %swap3A_691] {strides = array<i32>} : memref<96x128xf32, #tpu.memory_space<vmem>>, vector<1x16xf32>,
      %swap3A_693 = vector.shape_cast %swap3A_692 : vector<1x16xf32> to vector<16xf32>
      %swap3A_694 = vector.shape_cast %mul3A_689 : vector<16xf32> to vector<1x16xf32>
      tpu.vector_store %arg9[%swap3A_690, %swap3A_691], %swap3A_694 {strides = array<i32>} : memref<96x128xf32, #tpu.memory_space<vmem>>, vector<1x16xf32>,
      %get3A_695 = arith.index_cast %mul3A_496 : i32 to index
      %get3A_696 = arith.constant 96 : index
      %get3A_697 = tpu.vector_load %arg8[%get3A_695, %get3A_696] {strides = array<i32>} : memref<384x128xf32, #tpu.memory_space<vmem>>, vector<1x16xf32>,
      %get3A_698 = vector.shape_cast %get3A_697 : vector<1x16xf32> to vector<16xf32>
      %add3A_699 = arith.constant 1 : i32
      %add3A_700 = arith.addi %mul3A_496, %add3A_699 : i32
      %get3A_701 = arith.index_cast %add3A_700 : i32 to index
      %get3A_702 = arith.constant 96 : index
      %get3A_703 = tpu.vector_load %arg8[%get3A_701, %get3A_702] {strides = array<i32>} : memref<384x128xf32, #tpu.memory_space<vmem>>, vector<1x16xf32>,
      %get3A_704 = vector.shape_cast %get3A_703 : vector<1x16xf32> to vector<16xf32>
      %add3A_705 = arith.addf %get3A_698, %get3A_704 : vector<16xf32>
      %add3A_706 = arith.constant 2 : i32
      %add3A_707 = arith.addi %mul3A_496, %add3A_706 : i32
      %get3A_708 = arith.index_cast %add3A_707 : i32 to index
      %get3A_709 = arith.constant 96 : index
      %get3A_710 = tpu.vector_load %arg8[%get3A_708, %get3A_709] {strides = array<i32>} : memref<384x128xf32, #tpu.memory_space<vmem>>, vector<1x16xf32>,
      %get3A_711 = vector.shape_cast %get3A_710 : vector<1x16xf32> to vector<16xf32>
      %add3A_712 = arith.addf %add3A_705, %get3A_711 : vector<16xf32>
      %add3A_713 = arith.constant 3 : i32
      %add3A_714 = arith.addi %mul3A_496, %add3A_713 : i32
      %get3A_715 = arith.index_cast %add3A_714 : i32 to index
      %get3A_716 = arith.constant 96 : index
      %get3A_717 = tpu.vector_load %arg8[%get3A_715, %get3A_716] {strides = array<i32>} : memref<384x128xf32, #tpu.memory_space<vmem>>, vector<1x16xf32>,
      %get3A_718 = vector.shape_cast %get3A_717 : vector<1x16xf32> to vector<16xf32>
      %add3A_719 = arith.addf %add3A_712, %get3A_718 : vector<16xf32>
      %mul3A_720 = arith.constant 2.500000e-01 : f32
      %mul3A_721 = vector.broadcast %mul3A_720 : f32 to vector<16xf32>
      %mul3A_722 = arith.mulf %add3A_719, %mul3A_721 : vector<16xf32>
      %swap3A_723 = arith.index_cast %scan3A_494 : i32 to index
      %swap3A_724 = arith.constant 96 : index
      %swap3A_725 = tpu.vector_load %arg9[%swap3A_723, %swap3A_724] {strides = array<i32>} : memref<96x128xf32, #tpu.memory_space<vmem>>, vector<1x16xf32>,
      %swap3A_726 = vector.shape_cast %swap3A_725 : vector<1x16xf32> to vector<16xf32>
      %swap3A_727 = vector.shape_cast %mul3A_722 : vector<16xf32> to vector<1x16xf32>
      tpu.vector_store %arg9[%swap3A_723, %swap3A_724], %swap3A_727 {strides = array<i32>} : memref<96x128xf32, #tpu.memory_space<vmem>>, vector<1x16xf32>,
      %get3A_728 = arith.index_cast %mul3A_496 : i32 to index
      %get3A_729 = arith.constant 112 : index
      %get3A_730 = tpu.vector_load %arg8[%get3A_728, %get3A_729] {strides = array<i32>} : memref<384x128xf32, #tpu.memory_space<vmem>>, vector<1x16xf32>,
      %get3A_731 = vector.shape_cast %get3A_730 : vector<1x16xf32> to vector<16xf32>
      %add3A_732 = arith.constant 1 : i32
      %add3A_733 = arith.addi %mul3A_496, %add3A_732 : i32
      %get3A_734 = arith.index_cast %add3A_733 : i32 to index
      %get3A_735 = arith.constant 112 : index
      %get3A_736 = tpu.vector_load %arg8[%get3A_734, %get3A_735] {strides = array<i32>} : memref<384x128xf32, #tpu.memory_space<vmem>>, vector<1x16xf32>,
      %get3A_737 = vector.shape_cast %get3A_736 : vector<1x16xf32> to vector<16xf32>
      %add3A_738 = arith.addf %get3A_731, %get3A_737 : vector<16xf32>
      %add3A_739 = arith.constant 2 : i32
      %add3A_740 = arith.addi %mul3A_496, %add3A_739 : i32
      %get3A_741 = arith.index_cast %add3A_740 : i32 to index
      %get3A_742 = arith.constant 112 : index
      %get3A_743 = tpu.vector_load %arg8[%get3A_741, %get3A_742] {strides = array<i32>} : memref<384x128xf32, #tpu.memory_space<vmem>>, vector<1x16xf32>,
      %get3A_744 = vector.shape_cast %get3A_743 : vector<1x16xf32> to vector<16xf32>
      %add3A_745 = arith.addf %add3A_738, %get3A_744 : vector<16xf32>
      %add3A_746 = arith.constant 3 : i32
      %add3A_747 = arith.addi %mul3A_496, %add3A_746 : i32
      %get3A_748 = arith.index_cast %add3A_747 : i32 to index
      %get3A_749 = arith.constant 112 : index
      %get3A_750 = tpu.vector_load %arg8[%get3A_748, %get3A_749] {strides = array<i32>} : memref<384x128xf32, #tpu.memory_space<vmem>>, vector<1x16xf32>,
      %get3A_751 = vector.shape_cast %get3A_750 : vector<1x16xf32> to vector<16xf32>
      %add3A_752 = arith.addf %add3A_745, %get3A_751 : vector<16xf32>
      %mul3A_753 = arith.constant 2.500000e-01 : f32
      %mul3A_754 = vector.broadcast %mul3A_753 : f32 to vector<16xf32>
      %mul3A_755 = arith.mulf %add3A_752, %mul3A_754 : vector<16xf32>
      %swap3A_756 = arith.index_cast %scan3A_494 : i32 to index
      %swap3A_757 = arith.constant 112 : index
      %swap3A_758 = tpu.vector_load %arg9[%swap3A_756, %swap3A_757] {strides = array<i32>} : memref<96x128xf32, #tpu.memory_space<vmem>>, vector<1x16xf32>,
      %swap3A_759 = vector.shape_cast %swap3A_758 : vector<1x16xf32> to vector<16xf32>
      %swap3A_760 = vector.shape_cast %mul3A_755 : vector<16xf32> to vector<1x16xf32>
      tpu.vector_store %arg9[%swap3A_756, %swap3A_757], %swap3A_760 {strides = array<i32>} : memref<96x128xf32, #tpu.memory_space<vmem>>, vector<1x16xf32>,
    }
    %scan3A_206 = arith.constant 32 : i32
    %dma_start3A_207 = arith.constant 0 : i32
    %dma_start3A_208 = arith.constant 0 : i32
    %dma_start3A_209 = tpu.memref_slice %arg4[%dma_start3A_207, %add3A_54, %dma_start3A_208] : memref<1x7168x128xf32, #tpu.memory_space<hbm>> -> memref<1x96x128xf32, #tpu.memory_space<hbm>>
    %dma_start3A_210 = tpu.memref_squeeze %dma_start3A_209 : memref<1x96x128xf32, #tpu.memory_space<hbm>> -> memref<96x128xf32, #tpu.memory_space<hbm>>
    %dma_start3A_211 = arith.constant 0 : i32
    %dma_start3A_212 = tpu.memref_slice %arg4[%dma_start3A_207, %add3A_54, %dma_start3A_211] : memref<1x7168x128xf32, #tpu.memory_space<hbm>> -> memref<1x96x128xf32, #tpu.memory_space<hbm>>
    %dma_start3A_213 = tpu.memref_squeeze %dma_start3A_212 : memref<1x96x128xf32, #tpu.memory_space<hbm>> -> memref<96x128xf32, #tpu.memory_space<hbm>>
    tpu.enqueue_dma source(%arg9 : memref<96x128xf32, #tpu.memory_space<vmem>>) target(%dma_start3A_213 : memref<96x128xf32, #tpu.memory_space<hbm>>) target_semaphore(%arg13 : memref<!tpu.dma_semaphore, #tpu.memory_space<semaphore_mem>>)
    %dma_wait3A_214 = arith.constant 0 : i32
    %dma_wait3A_215 = arith.constant 0 : i32
    %dma_wait3A_216 = tpu.memref_slice %arg4[%dma_wait3A_214, %add3A_47, %dma_wait3A_215] : memref<1x7168x128xf32, #tpu.memory_space<hbm>> -> memref<1x128x128xf32, #tpu.memory_space<hbm>>
    %dma_wait3A_217 = tpu.memref_squeeze %dma_wait3A_216 : memref<1x128x128xf32, #tpu.memory_space<hbm>> -> memref<128x128xf32, #tpu.memory_space<hbm>>
    %dma_wait3A_218 = arith.constant 0 : i32
    %dma_wait3A_219 = tpu.memref_slice %arg4[%dma_wait3A_214, %add3A_47, %dma_wait3A_218] : memref<1x7168x128xf32, #tpu.memory_space<hbm>> -> memref<1x128x128xf32, #tpu.memory_space<hbm>>
    %dma_wait3A_220 = tpu.memref_squeeze %dma_wait3A_219 : memref<1x128x128xf32, #tpu.memory_space<hbm>> -> memref<128x128xf32, #tpu.memory_space<hbm>>
    tpu.wait_dma2 semaphore(%arg13 : memref<!tpu.dma_semaphore, #tpu.memory_space<semaphore_mem>>) src(%arg7 : memref<128x128xf32, #tpu.memory_space<vmem>>) dst(%dma_wait3A_220 : memref<128x128xf32, #tpu.memory_space<hbm>>)
    %dma_wait3A_221 = arith.constant 0 : i32
    %dma_wait3A_222 = arith.constant 0 : i32
    %dma_wait3A_223 = tpu.memref_slice %arg4[%dma_wait3A_221, %add3A_54, %dma_wait3A_222] : memref<1x7168x128xf32, #tpu.memory_space<hbm>> -> memref<1x96x128xf32, #tpu.memory_space<hbm>>
    %dma_wait3A_224 = tpu.memref_squeeze %dma_wait3A_223 : memref<1x96x128xf32, #tpu.memory_space<hbm>> -> memref<96x128xf32, #tpu.memory_space<hbm>>
    %dma_wait3A_225 = arith.constant 0 : i32
    %dma_wait3A_226 = tpu.memref_slice %arg4[%dma_wait3A_221, %add3A_54, %dma_wait3A_225] : memref<1x7168x128xf32, #tpu.memory_space<hbm>> -> memref<1x96x128xf32, #tpu.memory_space<hbm>>
    %dma_wait3A_227 = tpu.memref_squeeze %dma_wait3A_226 : memref<1x96x128xf32, #tpu.memory_space<hbm>> -> memref<96x128xf32, #tpu.memory_space<hbm>>
    tpu.wait_dma2 semaphore(%arg13 : memref<!tpu.dma_semaphore, #tpu.memory_space<semaphore_mem>>) src(%arg9 : memref<96x128xf32, #tpu.memory_space<vmem>>) dst(%dma_wait3A_227 : memref<96x128xf32, #tpu.memory_space<hbm>>)
    return
  }
}

</mosaic_0001>

<sc_bundles>
// kernel: _compose.3.cloned.1.call-start
scs
__scs_entry_jumppad:
0x0: {  	(pc) =	sbr.rel $0x88, $3  }
0x1: {  	(tag) =	ssettag $0x0;
	lr =	simm.s32 $0x1  }
0x2: {  	[smem:$0x3F9F] =	sst lr;
	_ =	strace $0xD0000000  }
0x3: {  	_ = 	snop  }
0x4: {  	_ = 	snop  }
0x5: {  	_ = 	snop  }
0x6: {  	_ = 	snop  }
0x7: {  	_ = 	snop  }
__scs_overlays_trampoline_lowered:
0x8: {  	[smem:$0x3FAE] =	sst s0  }
0x9: {  	[smem:$0x3FAF] =	sst s1  }
0xa: {  	[smem:$0x3FB0] =	sst s2  }
0xb: {  	[smem:$0x3FB1] =	sst s3  }
0xc: {  	[smem:$0x3FB2] =	sst s4  }
0xd: {  	[smem:$0x3FB3] =	sst s5  }
0xe: {  	[smem:$0x3FB4] =	sst s6  }
0xf: {  	[smem:$0x3FB5] =	sst s7  }
0x10: {  	[smem:$0x3FB6] =	sst s8  }
0x11: {  	[smem:$0x3FB7] =	sst s9;
	s0 =	simm.s32 @!p0 $0x0  }
0x12: {  	s1 =	sld [smem:$0x3F9D];
	s0 =	simm.s32 @p0 $0x1  }
0x13: {  	[smem:$0x3FB8] =	sst s0;
	s0 =	simm.s32 @!p1 $0x0  }
0x14: {  	s2 =	sld [smem:$0x3F9C];
	s0 =	simm.s32 @p1 $0x1  }
0x15: {  	[smem:$0x3FB9] =	sst s0;
	s0 =	simm.s32 @!p2 $0x0  }
0x16: {  	s3 =	sld [smem:$0x3FDB];
	s0 =	simm.s32 @p2 $0x1  }
0x17: {  	s4 =	simm.s32 $0x1BF5;
	[smem:$0x3FBB] =	sst s0  }
0x18: {  	s0 =	sld [smem:$0x3F9E];
	_ =	swait.ge [sflag:s4], $0x0  }
0x19: {  	s7 =	sld [smem:$0x3F9F]  }
0x1a: {  	s8 =	sadd.s32 $0xFFFFE003, lr  }
0x1b: {  	s9 =	sadd.s32 $0xFFFFFEF7, lr;
	s5 =	simm.s32 $0xFFFFFFFF;
	p2 =	slt.u32 s8, $0xFFFFF086  }
0x1c: {  	p1 =	slt.u32 s9, $0xF7A;
	s5 =	simm.s32 @!p2 $0x0  }
0x1d: {  	s5 =	simm.s32 @p1 $0x1;
	p0 =	seq.s32 s7, s2  }
0x1e: {  	s7 =	smul.u32 @!p0 $0xF7A, s2;
	p2 =	seq.s32 @!p0 s5, $0x0  }
0x1f: {  	s9 =	smul.u32 $0xF7A, s1;
	s8 =	simm.s32 @!p0 $0x1BF5;
	p2 =	por !p2, p0  }
0x20: {  	[sflag:s8] =	ssyncset.s32 @!p0 $0xFFFFF086;
	s6 =	sadd.s32 @!p0 s3, s7;
	s7 =	simm.s32 @!p0 $0x108  }
0x21: {  	s3 =	sadd.s32 s3, s9;
	s6 =	sadd.s32 @!p0 $0x88, s6;
	s7 =	simm.s32 @p2 $0x1082  }
0x22: {  	[simem:s7], [sflag:s8] =	dma.local @!p0 [hbm:s6], $0xF7A  }
0x23: {  	s9 =	sor.u32 $0xD0000000, s2;
	s6 =	simm.s32 $0x108;
	_ =	swait.ge @!p0 [sflag:s8], $0x0  }
0x24: {  	s3 =	sadd.s32 $0x88, s3;
	s6 =	simm.s32 @!p1 $0x1082;
	[sflag:s4] =	ssyncset.s32 $0xFFFFF086  }
0x25: {  	[simem:s6], [sflag:s4] =	dma.local [hbm:s3], $0xF7A  }
0x26: {  	[smem:$0x3F9F] =	sst s1;
	(tag) =	ssettag s2;
	_ =	strace s9  }
0x27: {  	s1 =	sld [smem:$0x3FAF]  }
0x28: {  	s2 =	sld [smem:$0x3FB0]  }
0x29: {  	s4 =	sld [smem:$0x3FB2]  }
0x2a: {  	p0 =	seq.s32 s5, $0x0;
	s5 =	sld [smem:$0x3FB3]  }
0x2b: {  	s6 =	sld [smem:$0x3FB4]  }
0x2c: {  	s7 =	sld [smem:$0x3FB5]  }
0x2d: {  	s3 =	simm.s32 $0x108;
	s8 =	sld [smem:$0x3FB6]  }
0x2e: {  	s3 =	simm.s32 @!p0 $0x1082;
	s9 =	sld [smem:$0x3FB7]  }
0x2f: {  	lr =	sadd.s32 s0, s3;
	s0 =	sld [smem:$0x3FAE]  }
0x30: {  	s3 =	sld [smem:$0x3FB1]  }
0x31: {  	[smem:$0x3FBA] =	sst s10  }
0x32: {  	s10 =	sld [smem:$0x3FB8];
	_ =	sdelay $0x3  }
0x33: {  	p0 =	seq.s32 s10, $0x1;
	s10 =	sld [smem:$0x3FBA];
	_ =	sdelay $0x3  }
0x34: {  	[smem:$0x3FBA] =	sst s10  }
0x35: {  	s10 =	sld [smem:$0x3FB9];
	_ =	sdelay $0x3  }
0x36: {  	p1 =	seq.s32 s10, $0x1;
	s10 =	sld [smem:$0x3FBA];
	_ =	sdelay $0x3  }
0x37: {  	[smem:$0x3FBA] =	sst s10  }
0x38: {  	s10 =	sld [smem:$0x3FBB]  }
0x39: {  	_ = 	snop;
	(pc) =	sbr.ind lr, $3  }
0x3a: {  	_ = 	snop  }
0x3b: {  	_ = 	snop  }
0x3c: {  	p2 =	seq.s32 s10, $0x1;
	s10 =	sld [smem:$0x3FBA]  }
0x3d: {  	_ =	shalt  }
0x3e: {  	_ =	shalt  }
0x3f: {  	_ =	shalt  }
0x40: {  	_ =	shalt  }
0x41: {  	_ =	shalt  }
0x42: {  	_ =	shalt  }
0x43: {  	_ =	shalt  }
0x44: {  	_ =	shalt  }
0x45: {  	_ =	shalt  }
0x46: {  	_ =	shalt  }
0x47: {  	_ =	shalt  }
0x48: {  	_ =	shalt  }
0x49: {  	_ =	shalt  }
0x4a: {  	_ =	shalt  }
0x4b: {  	_ =	shalt  }
0x4c: {  	_ =	shalt  }
0x4d: {  	_ =	shalt  }
0x4e: {  	_ =	shalt  }
0x4f: {  	_ =	shalt  }
0x50: {  	_ =	shalt  }
0x51: {  	_ =	shalt  }
0x52: {  	_ =	shalt  }
0x53: {  	_ =	shalt  }
0x54: {  	_ =	shalt  }
0x55: {  	_ =	shalt  }
0x56: {  	_ =	shalt  }
0x57: {  	_ =	shalt  }
0x58: {  	_ =	shalt  }
0x59: {  	_ =	shalt  }
0x5a: {  	_ =	shalt  }
0x5b: {  	_ =	shalt  }
0x5c: {  	_ =	shalt  }
0x5d: {  	_ =	shalt  }
0x5e: {  	_ =	shalt  }
0x5f: {  	_ =	shalt  }
0x60: {  	_ =	shalt  }
0x61: {  	_ =	shalt  }
0x62: {  	_ =	shalt  }
0x63: {  	_ =	shalt  }
0x64: {  	_ =	shalt  }
0x65: {  	_ =	shalt  }
0x66: {  	_ =	shalt  }
0x67: {  	_ =	shalt  }
0x68: {  	_ =	shalt  }
0x69: {  	_ =	shalt  }
0x6a: {  	_ =	shalt  }
0x6b: {  	_ =	shalt  }
0x6c: {  	_ =	shalt  }
0x6d: {  	_ =	shalt  }
0x6e: {  	_ =	shalt  }
0x6f: {  	_ =	shalt  }
0x70: {  	_ =	shalt  }
0x71: {  	_ =	shalt  }
0x72: {  	_ =	shalt  }
0x73: {  	_ =	shalt  }
0x74: {  	_ =	shalt  }
0x75: {  	_ =	shalt  }
0x76: {  	_ =	shalt  }
0x77: {  	_ =	shalt  }
0x78: {  	_ =	shalt  }
0x79: {  	_ =	shalt  }
0x7a: {  	_ =	shalt  }
0x7b: {  	_ =	shalt  }
0x7c: {  	_ =	shalt  }
0x7d: {  	_ =	shalt  }
0x7e: {  	_ =	shalt  }
0x7f: {  	_ =	shalt  }
0x80: {  	_ =	shalt  }
0x81: {  	_ =	shalt  }
0x82: {  	_ =	shalt  }
0x83: {  	_ =	shalt  }
0x84: {  	_ =	shalt  }
0x85: {  	_ =	shalt  }
0x86: {  	_ =	shalt  }
0x87: {  	_ =	shalt  }
.Lfunc_end0:
.L_simem_size_0:
called_computation_lowered:
.L_overlay_start_0:
0x88: {  	s2 =	sld [smem:$0x3FD9]  }
0x89: {  	s3 =	sld [smem:$0x3FFE];
	_ =	sdelay $0x1  }
0x8a: {  	s1 =	srdreg.scid  }
0x8b: {  	s0 =	sand.u32 $0x1, s1  }
0x8c: {  	s18 =	sshll.u32 s0, $0xA;
	s2 =	sadd.s32 s3, s2  }
0x8d: {  	s2 =	sadd.s32 s2, s18  }
0x8e: {  	[smem:$0x3FC6] =	sst s2  }
0x8f: {  	_ = 	snop  }
0x90: {  	s2 =	sld [smem:$0x3FC9]  }
0x91: {  	s19 =	sld [smem:$0x3FC8]  }
0x92: {  	s4 =	sld [smem:$0x3FD0];
	(tm) =	ssettm $0x1  }
0x93: {  	s5 =	sld [smem:$0x3FFB];
	_ =	sdelay $0x3  }
0x94: {  	_ =	strace s5  }
0x95: {  	s5 =	sld [smem:$0x3FFC];
	_ =	sdelay $0x3  }
0x96: {  	_ =	strace s5  }
0x97: {  	s5 =	sld [smem:$0x3FFD];
	_ =	sdelay $0x3  }
0x98: {  	_ =	strace s5  }
0x99: {  	_ =	strace $0x8FFFFFFF  }
0x9a: {  	s20 =	sld [smem:$0x3FDB];
	_ =	sdelay $0x1  }
0x9b: {  	s6 =	simm.s32 $_scs_section_size  }
0x9c: {  	s7 =	simm.s32 $_size__tile_overlayer_lowered;
	s8 =	simm.s32 $_tile_overlayer_lowered  }
0x9d: {  	s23 =	simm.s32 $0x1BFF;
	s22 =	sshll.u32 s8, $0x1;
	s5 =	sadd.s32 s6, s20  }
0x9e: {  	s9 =	simm.s32 $0x0;
	s21 =	sshll.u32 s7, $0x1;
	s7 =	sadd.s32 s22, s5  }
0x9f: {  	[timem:s9], [sflag:s23] =	dma.local [hbm:s7], s21  }
0xa0: {  	_ =	swait.ge [sflag:s23], s21  }
0xa1: {  	s6 =	ssub.s32 $0x0, s21;
	[sflag:s23] =	ssyncset.done $0x0  }
0xa2: {  	[sflag:s23] =	ssyncadd.s32 s6;
	_ =	sdelay $0x1  }
0xa3: {  	s24 =	simm.s32 $0x1B8B  }
0xa4: {  	_ =	swait.ge [sflag:s24], $0x1  }
0xa5: {  	[sflag:s24] =	ssyncset.done $0x0  }
0xa6: {  	s25 =	simm.s32 $0x1B8E;
	[sflag:s24] =	ssyncadd.s32 $0xFFFFFFFF  }
0xa7: {  	s26 =	simm.s32 $execute0_lowered;
	[smem:$0x3FD2] =	sst s25  }
0xa8: {  	s6 =	sshll.u32 s26, $0x1;
	_ =	strace $0x80000046;
	[dreg:$0x1] =	wrdreg $0xFFFFFFFF  }
0xa9: {  	s28 =	simm.s32 $_size_execute0_lowered;
	s5 =	sadd.s32 s5, s6;
	[dreg:$0x0] =	wrdreg $0x0  }
0xaa: {  	s6 =	sshll.u32 s28, $0x1;
	[dreg:$0x2] =	wrdreg s5  }
0xab: {  	[dreg:$0x3] =	wrdreg s6  }
0xac: {  	[dreg:$0x4] =	wrdreg $0xC0  }
0xad: {  	_ =	task [dreg:s9], $0x5FFFF  }
0xae: {  	[dreg:$0x1] =	wrdreg $0xFFFFFFFF  }
0xaf: {  	[dreg:$0x0] =	wrdreg $0x60  }
0xb0: {  	[dreg:$0x2] =	wrdreg s2  }
0xb1: {  	[dreg:$0x3] =	wrdreg s19  }
0xb2: {  	[dreg:$0x4] =	wrdreg s4  }
0xb3: {  	[dreg:$0x5] =	wrdreg $0x9  }
0xb4: {  	_ =	task.clear_ibuf [dreg:s9], $0x6FFFF;
	_ =	strace $0x90000046  }
0xb5: {  	s29 =	simm.s32 $0x9;
	_ =	strace $0x80000048  }
0xb6: {  	_ =	swait.ge [sflag:s29], $0x1  }
0xb7: {  	[sflag:s29] =	ssyncadd.s32 $0xFFFFFFFF  }
0xb8: {  	_ =	strace $0x90000048  }
0xb9: {  	_ =	sfence  }
0xba: {  	s30 =	sld [smem:$0x0];
	_ =	sdelay $0x2  }
0xbb: {  	s31 =	sshll.u32 s1, $0xD;
	s1 =	sshrl.u32 s1, $0x2  }
0xbc: {  	s3 =	sand.u32 $0x4000, s31;
	s1 =	sadd.s32 s1, s30  }
0xbd: {  	s0 =	sor.u32 s3, s0;
	s1 =	sshll.u32 s1, $0x11  }
0xbe: {  	s0 =	sor.u32 s1, s0  }
0xbf: {  	s0 =	sadd.s32 $0x8F2B, s0  }
0xc0: {  	[sflag:s0] =	ssyncadd.remote.s32 $0x1  }
0xc1: {  	_ =	sfence.sel $0xFFFF  }
0xc2: {  	[dreg:$0x0] =	wrdreg $0xFFFFFFFF;
	(pc) =	sbr.abs _section_cstart, $3  }
0xc3: {  	[dreg:$0x1] =	wrdreg $0xFFFFFFFF  }
0xc4: {  	_ =	task.clear_ibuf [dreg:s9], $0x2FFFF;
	_ =	strace $0x9FFFFFFF  }
0xc5: {  	(tm) =	ssettm $0x7FFFFFFF  }
tec
execute0_lowered:
.L_overlay_start_1:
0x0: {  	(tag) =	ssettag $0x1  }
0x1: {  	s5 =	rddreg [dreg:$0x0]  }
0x2: {  	s0 =	stileid.u32;
	s2 =	rddreg [dreg:$0x1]  }
0x3: {  	s1 =	srdreg.scid;
	s9 =	rddreg [dreg:$0x2];
	s14 =	simm.s32 $0x1  }
0x4: {  	s15 =	simm.s32 $0x280;
	s16 =	simm.s32 $0x4280;
	s17 =	simm.s32 $0x8280  }
0x5: {  	s18 =	simm.s32 $0xC280;
	s19 =	simm.s32 $0x2;
	s20 =	simm.s32 $0x3  }
0x6: {  	s21 =	simm.s32 $0x10280;
	s22 =	simm.s32 $0x4;
	s23 =	simm.s32 $0x0  }
0x7: {  	s3 =	sshll.u32 s0, $0x1;
	s4 =	sand.u32 $0x1, s1;
	s7 =	sshrl.u32 s0, $0x1  }
0x8: {  	s1 =	rddreg [dreg:$0x3];
	s3 =	sand.u32 $0x2, s3;
	s10 =	smul.u32 $0x380, s7  }
0x9: {  	s11 =	sshll.u32 s7, $0xB;
	s7 =	smul.u32 $0x1C000, s7;
	s6 =	sor.u32 s4, s3  }
0xa: {  	s3 =	simm.s32 $0x0;
	s4 =	ssub.s32 $0x2, s4;
	s8 =	smul.u32 $0x180, s6  }
0xb: {  	[smem:$0x7FF] =	sst s3;
	s12 =	smul.u32 $0x60, s6;
	s13 =	sshrl.u32 s4, $0x1  }
0xc: {  	s30 =	sshll.u32 s6, $0x7;
	s6 =	sshll.u32 s6, $0xE;
	_ =	strace $0x80000047  }
0xd: {  	s13 =	ssub.s32 s4, s13;
	s7 =	sadd.s32 s7, s6;
	s8 =	sor.u32 s11, s8  }
0xe: {  	s29 =	sadd.s32 s12, s10;
	s31 =	sshrl.u32 s7, $0x3;
	s12 =	simm.s32 $0x100  }
0xf: {  	s28 =	sadd.s32 $0x200, s8;
	s10 =	sshll.u32 s29, $0x4;
	s8 =	sor.u32 s11, s30  }
0x10: {  	s11 =	simm.s32 $0x80;
	s4 =	sshrl.u32 s28, $0x3;
	s8 =	sshrl.u32 s8, $0x3  }
0x11: {  	s4 =	sadd.s32 s5, s4;
	s5 =	sadd.s32 s5, s8;
	s8 =	sadd.s32 s9, s31  }
0x12: {  	s9 =	sadd.s32 s9, s10;
	s10 =	smax.u32 s13, $0x1;
	s13 =	simm.s32 $0x180  }
0x13: {  	s6 =	sadd.s32 $0x10, s4;
	s7 =	sadd.s32 $0x20, s4;
	s9 =	sadd.s32 $0x2000, s9  }
.LBB2_1:
0x14: {  	[tilespmem:s3], [sflag:$0x1] =	stream.linear.gather [hbm4b:s5+s3], $0x80, $0x38;
	[tilespmem:$0x13280] =	vst v63  }
0x15: {  	_ = 	snop  }
0x16: {  	[tilespmem:s11], [sflag:$0x1] =	stream.linear.gather [hbm4b:s4+s3], $0x80, $0x38;
	[tilespmem:$0x13280] =	vst v63  }
0x17: {  	_ = 	snop  }
0x18: {  	[tilespmem:s12], [sflag:$0x1] =	stream.linear.gather [hbm4b:s6+s3], $0x80, $0x38;
	[tilespmem:$0x13280] =	vst v63  }
0x19: {  	_ = 	snop  }
0x1a: {  	[tilespmem:s13], [sflag:$0x1] =	stream.linear.gather [hbm4b:s7+s3], $0x80, $0x38;
	[tilespmem:$0x13280] =	vst v63  }
0x1b: {  	_ =	swait.ge [sflag:s14], $0x80  }
0x1c: {  	[sflag:s14] =	ssyncset.done $0x0  }
0x1d: {  	[sflag:s14] =	ssyncadd.s32 $0xFFFFFF80  }
0x1e: {  	[tilespmem:s15], [sflag:$0x2] =	stream.indirect.gather [hbm4b:s2+s11], $0x80, s3, s11, $0xb8;
	[tilespmem:$0x13280] =	vst v63  }
0x1f: {  	_ =	swait.ge [sflag:s14], $0x80  }
0x20: {  	[sflag:s14] =	ssyncset.done $0x0  }
0x21: {  	[sflag:s14] =	ssyncadd.s32 $0xFFFFFF80  }
0x22: {  	[tilespmem:s16], [sflag:$0x3] =	stream.indirect.gather [hbm4b:s2+s11], $0x80, s11, s11, $0xb8;
	[tilespmem:$0x13280] =	vst v63  }
0x23: {  	_ =	swait.ge [sflag:s14], $0x80  }
0x24: {  	[sflag:s14] =	ssyncset.done $0x0  }
0x25: {  	[sflag:s14] =	ssyncadd.s32 $0xFFFFFF80  }
0x26: {  	[tilespmem:s17], [sflag:$0x3] =	stream.indirect.gather [hbm4b:s2+s11], $0x80, s12, s11, $0xb8;
	[tilespmem:$0x13280] =	vst v63  }
0x27: {  	_ =	swait.ge [sflag:s14], $0x80  }
0x28: {  	[sflag:s14] =	ssyncset.done $0x0  }
0x29: {  	[sflag:s14] =	ssyncadd.s32 $0xFFFFFF80  }
0x2a: {  	[tilespmem:s18], [sflag:$0x3] =	stream.indirect.gather [hbm4b:s2+s11], $0x80, s13, s11, $0xb8;
	[tilespmem:$0x13280] =	vst v63  }
0x2b: {  	_ =	swait.ge [sflag:s19], $0x4000  }
0x2c: {  	[sflag:s19] =	ssyncset.done $0x0  }
0x2d: {  	[sflag:s19] =	ssyncadd.s32 $0xFFFFC000  }
0x2e: {  	[hbm4b:s8+s3] =	stream.linear.scatter [tilespmem:s15], [sflag:$0x4], $0x4000, $0x38;
	[tilespmem:$0x13280] =	vst v63  }
0x2f: {  	_ =	swait.ge [sflag:s20], $0x4000  }
0x30: {  	[sflag:s20] =	ssyncset.done $0x0  }
0x31: {  	s24 =	simm.s32 $0x4480;
	[sflag:s20] =	ssyncadd.s32 $0xFFFFC000  }
0x32: {  	v0 =	vld [tilespmem:s24+$0xFFFFFE80]  }
0x33: {  	v1 =	vld [tilespmem:s24+$0xFFFFFE00];
	_ =	sdelay $0x1  }
0x34: {  	v2 =	vld [tilespmem:s24+$0xFFFFFF00];
	_ =	sdelay $0x1  }
0x35: {  	v3 =	vld [tilespmem:s24+$0xFFFFFF80]  }
0x36: {  	v0 =	vadd.f32 v0, v1;
	_ =	sdelay $0x1  }
0x37: {  	v0 =	vadd.f32 v2, v0;
	_ =	sdelay $0x1  }
0x38: {  	v0 =	vadd.f32 v3, v0;
	_ =	sdelay $0x1  }
0x39: {  	v0 =	vmul.f32 $2.500000000e-01, v0  }
0x3a: {  	s25 =	simm.s32 $0x10300  }
0x3b: {  	[tilespmem:s25+$0xFFFFFF80] =	vst v0  }
0x3c: {  	v0 =	vld [tilespmem:s24+$0xFFFFFE10]  }
0x3d: {  	v1 =	vld [tilespmem:s24+$0xFFFFFE90];
	_ =	sdelay $0x1  }
0x3e: {  	v2 =	vld [tilespmem:s24+$0xFFFFFF10];
	_ =	sdelay $0x1  }
0x3f: {  	v3 =	vld [tilespmem:s24+$0xFFFFFF90]  }
0x40: {  	v0 =	vadd.f32 v1, v0;
	_ =	sdelay $0x1  }
0x41: {  	v0 =	vadd.f32 v2, v0;
	_ =	sdelay $0x1  }
0x42: {  	v0 =	vadd.f32 v3, v0;
	_ =	sdelay $0x1  }
0x43: {  	v0 =	vmul.f32 $2.500000000e-01, v0;
	_ =	sdelay $0x1  }
0x44: {  	[tilespmem:s25+$0xFFFFFF90] =	vst v0  }
0x45: {  	v0 =	vld [tilespmem:s24+$0xFFFFFE20]  }
0x46: {  	v1 =	vld [tilespmem:s24+$0xFFFFFEA0];
	_ =	sdelay $0x1  }
0x47: {  	v2 =	vld [tilespmem:s24+$0xFFFFFF20];
	_ =	sdelay $0x1  }
0x48: {  	v3 =	vld [tilespmem:s24+$0xFFFFFFA0]  }
0x49: {  	v0 =	vadd.f32 v1, v0;
	_ =	sdelay $0x1  }
0x4a: {  	v0 =	vadd.f32 v2, v0;
	_ =	sdelay $0x1  }
0x4b: {  	v0 =	vadd.f32 v3, v0;
	_ =	sdelay $0x1  }
0x4c: {  	v0 =	vmul.f32 $2.500000000e-01, v0;
	_ =	sdelay $0x1  }
0x4d: {  	[tilespmem:s25+$0xFFFFFFA0] =	vst v0  }
0x4e: {  	v0 =	vld [tilespmem:s24+$0xFFFFFE30]  }
0x4f: {  	v1 =	vld [tilespmem:s24+$0xFFFFFEB0];
	_ =	sdelay $0x1  }
0x50: {  	v2 =	vld [tilespmem:s24+$0xFFFFFF30];
	_ =	sdelay $0x1  }
0x51: {  	v3 =	vld [tilespmem:s24+$0xFFFFFFB0]  }
0x52: {  	v0 =	vadd.f32 v1, v0;
	_ =	sdelay $0x1  }
0x53: {  	v0 =	vadd.f32 v2, v0;
	_ =	sdelay $0x1  }
0x54: {  	v0 =	vadd.f32 v3, v0;
	_ =	sdelay $0x1  }
0x55: {  	v0 =	vmul.f32 $2.500000000e-01, v0;
	_ =	sdelay $0x1  }
0x56: {  	[tilespmem:s25+$0xFFFFFFB0] =	vst v0  }
0x57: {  	v0 =	vld [tilespmem:s24+$0xFFFFFE40]  }
0x58: {  	v1 =	vld [tilespmem:s24+$0xFFFFFEC0];
	_ =	sdelay $0x1  }
0x59: {  	v2 =	vld [tilespmem:s24+$0xFFFFFF40];
	_ =	sdelay $0x1  }
0x5a: {  	v3 =	vld [tilespmem:s24+$0xFFFFFFC0]  }
0x5b: {  	v0 =	vadd.f32 v1, v0;
	_ =	sdelay $0x1  }
0x5c: {  	v0 =	vadd.f32 v2, v0;
	_ =	sdelay $0x1  }
0x5d: {  	v0 =	vadd.f32 v3, v0;
	_ =	sdelay $0x1  }
0x5e: {  	v0 =	vmul.f32 $2.500000000e-01, v0;
	_ =	sdelay $0x1  }
0x5f: {  	[tilespmem:s25+$0xFFFFFFC0] =	vst v0  }
0x60: {  	v0 =	vld [tilespmem:s24+$0xFFFFFE50]  }
0x61: {  	v1 =	vld [tilespmem:s24+$0xFFFFFED0];
	_ =	sdelay $0x1  }
0x62: {  	v2 =	vld [tilespmem:s24+$0xFFFFFF50];
	_ =	sdelay $0x1  }
0x63: {  	v3 =	vld [tilespmem:s24+$0xFFFFFFD0]  }
0x64: {  	v0 =	vadd.f32 v1, v0;
	_ =	sdelay $0x1  }
0x65: {  	v0 =	vadd.f32 v2, v0;
	_ =	sdelay $0x1  }
0x66: {  	v0 =	vadd.f32 v3, v0;
	_ =	sdelay $0x1  }
0x67: {  	v0 =	vmul.f32 $2.500000000e-01, v0;
	_ =	sdelay $0x1  }
0x68: {  	[tilespmem:s25+$0xFFFFFFD0] =	vst v0  }
0x69: {  	v0 =	vld [tilespmem:s24+$0xFFFFFE60]  }
0x6a: {  	v1 =	vld [tilespmem:s24+$0xFFFFFEE0];
	_ =	sdelay $0x1  }
0x6b: {  	v2 =	vld [tilespmem:s24+$0xFFFFFF60];
	_ =	sdelay $0x1  }
0x6c: {  	v3 =	vld [tilespmem:s24+$0xFFFFFFE0]  }
0x6d: {  	v0 =	vadd.f32 v1, v0;
	_ =	sdelay $0x1  }
0x6e: {  	v0 =	vadd.f32 v2, v0;
	_ =	sdelay $0x1  }
0x6f: {  	v0 =	vadd.f32 v3, v0;
	_ =	sdelay $0x1  }
0x70: {  	v0 =	vmul.f32 $2.500000000e-01, v0;
	_ =	sdelay $0x1  }
0x71: {  	[tilespmem:s25+$0xFFFFFFE0] =	vst v0  }
0x72: {  	v0 =	vld [tilespmem:s24+$0xFFFFFE70]  }
0x73: {  	v1 =	vld [tilespmem:s24+$0xFFFFFEF0];
	_ =	sdelay $0x1  }
0x74: {  	v2 =	vld [tilespmem:s24+$0xFFFFFF70];
	_ =	sdelay $0x1  }
0x75: {  	v3 =	vld [tilespmem:s24+$0xFFFFFFF0]  }
0x76: {  	v0 =	vadd.f32 v1, v0;
	_ =	sdelay $0x1  }
0x77: {  	v0 =	vadd.f32 v2, v0;
	_ =	sdelay $0x1  }
0x78: {  	v0 =	vadd.f32 v3, v0;
	_ =	sdelay $0x1  }
0x79: {  	v0 =	vmul.f32 $2.500000000e-01, v0;
	_ =	sdelay $0x1  }
0x7a: {  	[tilespmem:s25+$0xFFFFFFF0] =	vst v0  }
0x7b: {  	v0 =	vld [tilespmem:s24+$0x0]  }
0x7c: {  	v1 =	vld [tilespmem:s24+$0x80];
	_ =	sdelay $0x1  }
0x7d: {  	v2 =	vld [tilespmem:s24+$0x100];
	_ =	sdelay $0x1  }
0x7e: {  	v3 =	vld [tilespmem:s24+$0x180]  }
0x7f: {  	v0 =	vadd.f32 v1, v0;
	_ =	sdelay $0x1  }
0x80: {  	v0 =	vadd.f32 v2, v0;
	_ =	sdelay $0x1  }
0x81: {  	v0 =	vadd.f32 v3, v0;
	_ =	sdelay $0x1  }
0x82: {  	v0 =	vmul.f32 $2.500000000e-01, v0;
	_ =	sdelay $0x1  }
0x83: {  	[tilespmem:s25+$0x0] =	vst v0  }
0x84: {  	v0 =	vld [tilespmem:s24+$0x10]  }
0x85: {  	v1 =	vld [tilespmem:s24+$0x90];
	_ =	sdelay $0x1  }
0x86: {  	v2 =	vld [tilespmem:s24+$0x110];
	_ =	sdelay $0x1  }
0x87: {  	v3 =	vld [tilespmem:s24+$0x190]  }
0x88: {  	v0 =	vadd.f32 v1, v0;
	_ =	sdelay $0x1  }
0x89: {  	v0 =	vadd.f32 v2, v0;
	_ =	sdelay $0x1  }
0x8a: {  	v0 =	vadd.f32 v3, v0;
	_ =	sdelay $0x1  }
0x8b: {  	v0 =	vmul.f32 $2.500000000e-01, v0;
	_ =	sdelay $0x1  }
0x8c: {  	[tilespmem:s25+$0x10] =	vst v0  }
0x8d: {  	v0 =	vld [tilespmem:s24+$0x20]  }
0x8e: {  	v1 =	vld [tilespmem:s24+$0xA0];
	_ =	sdelay $0x1  }
0x8f: {  	v2 =	vld [tilespmem:s24+$0x120];
	_ =	sdelay $0x1  }
0x90: {  	v3 =	vld [tilespmem:s24+$0x1A0]  }
0x91: {  	v0 =	vadd.f32 v1, v0;
	_ =	sdelay $0x1  }
0x92: {  	v0 =	vadd.f32 v2, v0;
	_ =	sdelay $0x1  }
0x93: {  	v0 =	vadd.f32 v3, v0;
	_ =	sdelay $0x1  }
0x94: {  	v0 =	vmul.f32 $2.500000000e-01, v0;
	_ =	sdelay $0x1  }
0x95: {  	[tilespmem:s25+$0x20] =	vst v0  }
0x96: {  	v0 =	vld [tilespmem:s24+$0x30]  }
0x97: {  	v1 =	vld [tilespmem:s24+$0xB0];
	_ =	sdelay $0x1  }
0x98: {  	v2 =	vld [tilespmem:s24+$0x130];
	_ =	sdelay $0x1  }
0x99: {  	v3 =	vld [tilespmem:s24+$0x1B0]  }
0x9a: {  	v0 =	vadd.f32 v1, v0;
	_ =	sdelay $0x1  }
0x9b: {  	v0 =	vadd.f32 v2, v0;
	_ =	sdelay $0x1  }
0x9c: {  	v0 =	vadd.f32 v3, v0;
	_ =	sdelay $0x1  }
0x9d: {  	v0 =	vmul.f32 $2.500000000e-01, v0;
	_ =	sdelay $0x1  }
0x9e: {  	[tilespmem:s25+$0x30] =	vst v0  }
0x9f: {  	v0 =	vld [tilespmem:s24+$0x40]  }
0xa0: {  	v1 =	vld [tilespmem:s24+$0xC0];
	_ =	sdelay $0x1  }
0xa1: {  	v2 =	vld [tilespmem:s24+$0x140];
	_ =	sdelay $0x1  }
0xa2: {  	v3 =	vld [tilespmem:s24+$0x1C0]  }
0xa3: {  	v0 =	vadd.f32 v1, v0;
	_ =	sdelay $0x1  }
0xa4: {  	v0 =	vadd.f32 v2, v0;
	_ =	sdelay $0x1  }
0xa5: {  	v0 =	vadd.f32 v3, v0;
	_ =	sdelay $0x1  }
0xa6: {  	v0 =	vmul.f32 $2.500000000e-01, v0;
	_ =	sdelay $0x1  }
0xa7: {  	[tilespmem:s25+$0x40] =	vst v0  }
0xa8: {  	v0 =	vld [tilespmem:s24+$0x50]  }
0xa9: {  	v1 =	vld [tilespmem:s24+$0xD0];
	_ =	sdelay $0x1  }
0xaa: {  	v2 =	vld [tilespmem:s24+$0x150];
	_ =	sdelay $0x1  }
0xab: {  	v3 =	vld [tilespmem:s24+$0x1D0]  }
0xac: {  	v0 =	vadd.f32 v1, v0;
	_ =	sdelay $0x1  }
0xad: {  	v0 =	vadd.f32 v2, v0;
	_ =	sdelay $0x1  }
0xae: {  	v0 =	vadd.f32 v3, v0;
	_ =	sdelay $0x1  }
0xaf: {  	v0 =	vmul.f32 $2.500000000e-01, v0;
	_ =	sdelay $0x1  }
0xb0: {  	[tilespmem:s25+$0x50] =	vst v0  }
0xb1: {  	v0 =	vld [tilespmem:s24+$0x60]  }
0xb2: {  	v1 =	vld [tilespmem:s24+$0xE0];
	_ =	sdelay $0x1  }
0xb3: {  	v2 =	vld [tilespmem:s24+$0x160];
	_ =	sdelay $0x1  }
0xb4: {  	v3 =	vld [tilespmem:s24+$0x1E0]  }
0xb5: {  	v0 =	vadd.f32 v1, v0;
	_ =	sdelay $0x1  }
0xb6: {  	v0 =	vadd.f32 v2, v0;
	_ =	sdelay $0x1  }
0xb7: {  	v0 =	vadd.f32 v3, v0;
	_ =	sdelay $0x1  }
0xb8: {  	s29 =	simm.s32 $0x0;
	s26 =	simm.s32 $0x10300;
	s28 =	simm.s32 $0x4480;
	v0 =	vmul.f32 $2.500000000e-01, v0  }
.LBB2_2:
0xb9: {  	s29 =	sadd.s32 $0x2, s29;
	s24 =	sadd.s32 $0x400, s24;
	s25 =	sadd.s32 $0x100, s25  }
0xba: {  	p0 =	slt.u32 s29, $0x1E;
	[tilespmem:s26+$0x60] =	vst v0  }
0xbb: {  	v0 =	vld [tilespmem:s28+$0x70]  }
0xbc: {  	v1 =	vld [tilespmem:s28+$0xF0]  }
0xbd: {  	v2 =	vld [tilespmem:s28+$0x170]  }
0xbe: {  	v3 =	vld [tilespmem:s28+$0x1F0];
	s28 =	smov.u32 s24;
	_ =	sdelay $0x2  }
0xbf: {  	v0 =	vadd.f32 v1, v0;
	_ =	sdelay $0x1  }
0xc0: {  	v0 =	vadd.f32 v2, v0;
	_ =	sdelay $0x1  }
0xc1: {  	v0 =	vadd.f32 v3, v0;
	_ =	sdelay $0x1  }
0xc2: {  	v0 =	vmul.f32 $2.500000000e-01, v0;
	_ =	sdelay $0x1  }
0xc3: {  	[tilespmem:s26+$0x70] =	vst v0;
	s26 =	smov.u32 s25  }
0xc4: {  	v0 =	vld [tilespmem:s24+$0xFFFFFE80]  }
0xc5: {  	v1 =	vld [tilespmem:s24+$0xFFFFFE00]  }
0xc6: {  	v2 =	vld [tilespmem:s24+$0xFFFFFF00];
	_ =	sdelay $0x1  }
0xc7: {  	v3 =	vld [tilespmem:s24+$0xFFFFFF80];
	_ =	sdelay $0x1  }
0xc8: {  	v0 =	vadd.f32 v0, v1;
	_ =	sdelay $0x1  }
0xc9: {  	v0 =	vadd.f32 v2, v0;
	_ =	sdelay $0x1  }
0xca: {  	v0 =	vadd.f32 v3, v0;
	_ =	sdelay $0x1  }
0xcb: {  	v0 =	vmul.f32 $2.500000000e-01, v0;
	_ =	sdelay $0x1  }
0xcc: {  	[tilespmem:s25+$0xFFFFFF80] =	vst v0  }
0xcd: {  	v0 =	vld [tilespmem:s24+$0xFFFFFE10]  }
0xce: {  	v1 =	vld [tilespmem:s24+$0xFFFFFE90];
	_ =	sdelay $0x1  }
0xcf: {  	v2 =	vld [tilespmem:s24+$0xFFFFFF10];
	_ =	sdelay $0x1  }
0xd0: {  	v3 =	vld [tilespmem:s24+$0xFFFFFF90]  }
0xd1: {  	v0 =	vadd.f32 v1, v0;
	_ =	sdelay $0x1  }
0xd2: {  	v0 =	vadd.f32 v2, v0;
	_ =	sdelay $0x1  }
0xd3: {  	v0 =	vadd.f32 v3, v0;
	_ =	sdelay $0x1  }
0xd4: {  	v0 =	vmul.f32 $2.500000000e-01, v0;
	_ =	sdelay $0x1  }
0xd5: {  	[tilespmem:s25+$0xFFFFFF90] =	vst v0  }
0xd6: {  	v0 =	vld [tilespmem:s24+$0xFFFFFE20]  }
0xd7: {  	v1 =	vld [tilespmem:s24+$0xFFFFFEA0];
	_ =	sdelay $0x1  }
0xd8: {  	v2 =	vld [tilespmem:s24+$0xFFFFFF20];
	_ =	sdelay $0x1  }
0xd9: {  	v3 =	vld [tilespmem:s24+$0xFFFFFFA0]  }
0xda: {  	v0 =	vadd.f32 v1, v0;
	_ =	sdelay $0x1  }
0xdb: {  	v0 =	vadd.f32 v2, v0;
	_ =	sdelay $0x1  }
0xdc: {  	v0 =	vadd.f32 v3, v0;
	_ =	sdelay $0x1  }
0xdd: {  	v0 =	vmul.f32 $2.500000000e-01, v0;
	_ =	sdelay $0x1  }
0xde: {  	[tilespmem:s25+$0xFFFFFFA0] =	vst v0  }
0xdf: {  	v0 =	vld [tilespmem:s24+$0xFFFFFE30]  }
0xe0: {  	v1 =	vld [tilespmem:s24+$0xFFFFFEB0]  }
0xe1: {  	v2 =	vld [tilespmem:s24+$0xFFFFFFB0]  }
0xe2: {  	v3 =	vld [tilespmem:s24+$0xFFFFFF30];
	_ =	sdelay $0x2  }
0xe3: {  	v0 =	vadd.f32 v1, v0;
	_ =	sdelay $0x1  }
0xe4: {  	v0 =	vadd.f32 v3, v0;
	_ =	sdelay $0x1  }
0xe5: {  	v0 =	vadd.f32 v2, v0;
	_ =	sdelay $0x1  }
0xe6: {  	v0 =	vmul.f32 $2.500000000e-01, v0;
	_ =	sdelay $0x1  }
0xe7: {  	[tilespmem:s25+$0xFFFFFFB0] =	vst v0  }
0xe8: {  	v0 =	vld [tilespmem:s24+$0xFFFFFE40]  }
0xe9: {  	v1 =	vld [tilespmem:s24+$0xFFFFFEC0];
	_ =	sdelay $0x1  }
0xea: {  	v2 =	vld [tilespmem:s24+$0xFFFFFF40];
	_ =	sdelay $0x1  }
0xeb: {  	v3 =	vld [tilespmem:s24+$0xFFFFFFC0]  }
0xec: {  	v0 =	vadd.f32 v1, v0;
	_ =	sdelay $0x1  }
0xed: {  	v0 =	vadd.f32 v2, v0;
	_ =	sdelay $0x1  }
0xee: {  	v0 =	vadd.f32 v3, v0;
	_ =	sdelay $0x1  }
0xef: {  	v0 =	vmul.f32 $2.500000000e-01, v0;
	_ =	sdelay $0x1  }
0xf0: {  	[tilespmem:s25+$0xFFFFFFC0] =	vst v0  }
0xf1: {  	v0 =	vld [tilespmem:s24+$0xFFFFFE50]  }
0xf2: {  	v1 =	vld [tilespmem:s24+$0xFFFFFED0]  }
0xf3: {  	v2 =	vld [tilespmem:s24+$0xFFFFFFD0]  }
0xf4: {  	v3 =	vld [tilespmem:s24+$0xFFFFFF50];
	_ =	sdelay $0x2  }
0xf5: {  	v0 =	vadd.f32 v1, v0;
	_ =	sdelay $0x1  }
0xf6: {  	v0 =	vadd.f32 v3, v0;
	_ =	sdelay $0x1  }
0xf7: {  	v0 =	vadd.f32 v2, v0;
	_ =	sdelay $0x1  }
0xf8: {  	v0 =	vmul.f32 $2.500000000e-01, v0;
	_ =	sdelay $0x1  }
0xf9: {  	[tilespmem:s25+$0xFFFFFFD0] =	vst v0  }
0xfa: {  	v0 =	vld [tilespmem:s24+$0xFFFFFE60]  }
0xfb: {  	v1 =	vld [tilespmem:s24+$0xFFFFFEE0]  }
0xfc: {  	v2 =	vld [tilespmem:s24+$0xFFFFFF60]  }
0xfd: {  	v3 =	vld [tilespmem:s24+$0xFFFFFFE0];
	_ =	sdelay $0x2  }
0xfe: {  	v0 =	vadd.f32 v1, v0;
	_ =	sdelay $0x1  }
0xff: {  	v0 =	vadd.f32 v2, v0;
	_ =	sdelay $0x1  }
0x100: {  	v0 =	vadd.f32 v3, v0;
	_ =	sdelay $0x1  }
0x101: {  	v0 =	vmul.f32 $2.500000000e-01, v0;
	_ =	sdelay $0x1  }
0x102: {  	[tilespmem:s25+$0xFFFFFFE0] =	vst v0  }
0x103: {  	v0 =	vld [tilespmem:s24+$0xFFFFFE70]  }
0x104: {  	v1 =	vld [tilespmem:s24+$0xFFFFFEF0]  }
0x105: {  	v2 =	vld [tilespmem:s24+$0xFFFFFF70]  }
0x106: {  	v3 =	vld [tilespmem:s24+$0xFFFFFFF0];
	_ =	sdelay $0x2  }
0x107: {  	v0 =	vadd.f32 v1, v0;
	_ =	sdelay $0x1  }
0x108: {  	v0 =	vadd.f32 v2, v0;
	_ =	sdelay $0x1  }
0x109: {  	v0 =	vadd.f32 v3, v0;
	_ =	sdelay $0x1  }
0x10a: {  	v0 =	vmul.f32 $2.500000000e-01, v0;
	_ =	sdelay $0x1  }
0x10b: {  	[tilespmem:s25+$0xFFFFFFF0] =	vst v0  }
0x10c: {  	v0 =	vld [tilespmem:s24+$0x0]  }
0x10d: {  	v1 =	vld [tilespmem:s24+$0x80]  }
0x10e: {  	v2 =	vld [tilespmem:s24+$0x180]  }
0x10f: {  	v3 =	vld [tilespmem:s24+$0x100];
	_ =	sdelay $0x2  }
0x110: {  	v0 =	vadd.f32 v1, v0;
	_ =	sdelay $0x1  }
0x111: {  	v0 =	vadd.f32 v3, v0;
	_ =	sdelay $0x1  }
0x112: {  	v0 =	vadd.f32 v2, v0;
	_ =	sdelay $0x1  }
0x113: {  	v0 =	vmul.f32 $2.500000000e-01, v0;
	_ =	sdelay $0x1  }
0x114: {  	[tilespmem:s25+$0x0] =	vst v0  }
0x115: {  	v0 =	vld [tilespmem:s24+$0x10]  }
0x116: {  	v1 =	vld [tilespmem:s24+$0x90]  }
0x117: {  	v2 =	vld [tilespmem:s24+$0x190]  }
0x118: {  	v3 =	vld [tilespmem:s24+$0x110];
	_ =	sdelay $0x2  }
0x119: {  	v0 =	vadd.f32 v1, v0;
	_ =	sdelay $0x1  }
0x11a: {  	v0 =	vadd.f32 v3, v0;
	_ =	sdelay $0x1  }
0x11b: {  	v0 =	vadd.f32 v2, v0;
	_ =	sdelay $0x1  }
0x11c: {  	v0 =	vmul.f32 $2.500000000e-01, v0;
	_ =	sdelay $0x1  }
0x11d: {  	[tilespmem:s25+$0x10] =	vst v0  }
0x11e: {  	v0 =	vld [tilespmem:s24+$0x20]  }
0x11f: {  	v1 =	vld [tilespmem:s24+$0xA0]  }
0x120: {  	v2 =	vld [tilespmem:s24+$0x120]  }
0x121: {  	v3 =	vld [tilespmem:s24+$0x1A0];
	_ =	sdelay $0x2  }
0x122: {  	v0 =	vadd.f32 v1, v0;
	_ =	sdelay $0x1  }
0x123: {  	v0 =	vadd.f32 v2, v0;
	_ =	sdelay $0x1  }
0x124: {  	v0 =	vadd.f32 v3, v0;
	_ =	sdelay $0x1  }
0x125: {  	v0 =	vmul.f32 $2.500000000e-01, v0;
	_ =	sdelay $0x1  }
0x126: {  	[tilespmem:s25+$0x20] =	vst v0  }
0x127: {  	v0 =	vld [tilespmem:s24+$0x30]  }
0x128: {  	v1 =	vld [tilespmem:s24+$0xB0]  }
0x129: {  	v2 =	vld [tilespmem:s24+$0x130]  }
0x12a: {  	v3 =	vld [tilespmem:s24+$0x1B0];
	_ =	sdelay $0x2  }
0x12b: {  	v0 =	vadd.f32 v1, v0;
	_ =	sdelay $0x1  }
0x12c: {  	v0 =	vadd.f32 v2, v0;
	_ =	sdelay $0x1  }
0x12d: {  	v0 =	vadd.f32 v3, v0;
	_ =	sdelay $0x1  }
0x12e: {  	v0 =	vmul.f32 $2.500000000e-01, v0;
	_ =	sdelay $0x1  }
0x12f: {  	[tilespmem:s25+$0x30] =	vst v0  }
0x130: {  	v0 =	vld [tilespmem:s24+$0x40]  }
0x131: {  	v1 =	vld [tilespmem:s24+$0xC0]  }
0x132: {  	v2 =	vld [tilespmem:s24+$0x140]  }
0x133: {  	v3 =	vld [tilespmem:s24+$0x1C0];
	_ =	sdelay $0x2  }
0x134: {  	v0 =	vadd.f32 v1, v0;
	_ =	sdelay $0x1  }
0x135: {  	v0 =	vadd.f32 v2, v0;
	_ =	sdelay $0x1  }
0x136: {  	v0 =	vadd.f32 v3, v0;
	_ =	sdelay $0x1  }
0x137: {  	v0 =	vmul.f32 $2.500000000e-01, v0;
	_ =	sdelay $0x1  }
0x138: {  	[tilespmem:s25+$0x40] =	vst v0  }
0x139: {  	v0 =	vld [tilespmem:s24+$0x50]  }
0x13a: {  	v1 =	vld [tilespmem:s24+$0xD0]  }
0x13b: {  	v2 =	vld [tilespmem:s24+$0x150]  }
0x13c: {  	v3 =	vld [tilespmem:s24+$0x1D0];
	_ =	sdelay $0x2  }
0x13d: {  	v0 =	vadd.f32 v1, v0;
	_ =	sdelay $0x1  }
0x13e: {  	v0 =	vadd.f32 v2, v0;
	_ =	sdelay $0x1  }
0x13f: {  	v0 =	vadd.f32 v3, v0;
	_ =	sdelay $0x1  }
0x140: {  	v0 =	vmul.f32 $2.500000000e-01, v0;
	_ =	sdelay $0x1  }
0x141: {  	[tilespmem:s25+$0x50] =	vst v0  }
0x142: {  	v0 =	vld [tilespmem:s24+$0x60]  }
0x143: {  	v1 =	vld [tilespmem:s24+$0xE0]  }
0x144: {  	v2 =	vld [tilespmem:s24+$0x160]  }
0x145: {  	v3 =	vld [tilespmem:s24+$0x1E0];
	_ =	sdelay $0x2  }
0x146: {  	v0 =	vadd.f32 v1, v0;
	_ =	sdelay $0x1  }
.Ltmp0:
0x147: {  	v0 =	vadd.f32 v2, v0;
	(pc) =	sbr.rel @p0 .LBB2_2-.Ltmp0, $3  }
0x148: {  	_ = 	snop  }
0x149: {  	v0 =	vadd.f32 v3, v0;
	_ =	sdelay $0x1  }
0x14a: {  	v0 =	vmul.f32 $2.500000000e-01, v0  }
0x14b: {  	_ = 	snop  }
0x14c: {  	[tilespmem:s26+$0x60] =	vst v0  }
0x14d: {  	v0 =	vld [tilespmem:s28+$0x70]  }
0x14e: {  	v1 =	vld [tilespmem:s28+$0xF0];
	_ =	sdelay $0x1  }
0x14f: {  	v2 =	vld [tilespmem:s28+$0x170];
	_ =	sdelay $0x1  }
0x150: {  	v3 =	vld [tilespmem:s28+$0x1F0]  }
0x151: {  	v0 =	vadd.f32 v1, v0;
	_ =	sdelay $0x1  }
0x152: {  	v0 =	vadd.f32 v2, v0;
	_ =	sdelay $0x1  }
0x153: {  	v0 =	vadd.f32 v3, v0;
	_ =	sdelay $0x1  }
0x154: {  	v0 =	vmul.f32 $2.500000000e-01, v0;
	_ =	sdelay $0x1  }
0x155: {  	[tilespmem:s26+$0x70] =	vst v0  }
0x156: {  	_ =	swait.ge [sflag:s20], $0x4000  }
0x157: {  	[sflag:s20] =	ssyncset.done $0x0  }
0x158: {  	s24 =	simm.s32 $0x8670;
	[sflag:s20] =	ssyncadd.s32 $0xFFFFC000  }
0x159: {  	v0 =	vld [tilespmem:s24+$0xFFFFFC90]  }
0x15a: {  	v1 =	vld [tilespmem:s24+$0xFFFFFC10];
	_ =	sdelay $0x1  }
0x15b: {  	v2 =	vld [tilespmem:s24+$0xFFFFFD10];
	_ =	sdelay $0x1  }
0x15c: {  	v3 =	vld [tilespmem:s24+$0xFFFFFD90]  }
0x15d: {  	v0 =	vadd.f32 v0, v1;
	_ =	sdelay $0x1  }
0x15e: {  	v0 =	vadd.f32 v2, v0;
	_ =	sdelay $0x1  }
0x15f: {  	v0 =	vadd.f32 v3, v0;
	_ =	sdelay $0x1  }
0x160: {  	v0 =	vmul.f32 $2.500000000e-01, v0  }
0x161: {  	s25 =	simm.s32 $0x11370  }
0x162: {  	[tilespmem:s25+$0xFFFFFF10] =	vst v0  }
0x163: {  	v0 =	vld [tilespmem:s24+$0xFFFFFC20]  }
0x164: {  	v1 =	vld [tilespmem:s24+$0xFFFFFCA0];
	_ =	sdelay $0x1  }
0x165: {  	v2 =	vld [tilespmem:s24+$0xFFFFFD20];
	_ =	sdelay $0x1  }
0x166: {  	v3 =	vld [tilespmem:s24+$0xFFFFFDA0]  }
0x167: {  	v0 =	vadd.f32 v1, v0;
	_ =	sdelay $0x1  }
0x168: {  	v0 =	vadd.f32 v2, v0;
	_ =	sdelay $0x1  }
0x169: {  	v0 =	vadd.f32 v3, v0;
	_ =	sdelay $0x1  }
0x16a: {  	v0 =	vmul.f32 $2.500000000e-01, v0;
	_ =	sdelay $0x1  }
0x16b: {  	[tilespmem:s25+$0xFFFFFF20] =	vst v0  }
0x16c: {  	v0 =	vld [tilespmem:s24+$0xFFFFFC30]  }
0x16d: {  	v1 =	vld [tilespmem:s24+$0xFFFFFCB0];
	_ =	sdelay $0x1  }
0x16e: {  	v2 =	vld [tilespmem:s24+$0xFFFFFD30];
	_ =	sdelay $0x1  }
0x16f: {  	v3 =	vld [tilespmem:s24+$0xFFFFFDB0]  }
0x170: {  	v0 =	vadd.f32 v1, v0;
	_ =	sdelay $0x1  }
0x171: {  	v0 =	vadd.f32 v2, v0;
	_ =	sdelay $0x1  }
0x172: {  	v0 =	vadd.f32 v3, v0;
	_ =	sdelay $0x1  }
0x173: {  	v0 =	vmul.f32 $2.500000000e-01, v0;
	_ =	sdelay $0x1  }
0x174: {  	[tilespmem:s25+$0xFFFFFF30] =	vst v0  }
0x175: {  	v0 =	vld [tilespmem:s24+$0xFFFFFC40]  }
0x176: {  	v1 =	vld [tilespmem:s24+$0xFFFFFCC0];
	_ =	sdelay $0x1  }
0x177: {  	v2 =	vld [tilespmem:s24+$0xFFFFFD40];
	_ =	sdelay $0x1  }
0x178: {  	v3 =	vld [tilespmem:s24+$0xFFFFFDC0]  }
0x179: {  	v0 =	vadd.f32 v1, v0;
	_ =	sdelay $0x1  }
0x17a: {  	v0 =	vadd.f32 v2, v0;
	_ =	sdelay $0x1  }
0x17b: {  	v0 =	vadd.f32 v3, v0;
	_ =	sdelay $0x1  }
0x17c: {  	v0 =	vmul.f32 $2.500000000e-01, v0;
	_ =	sdelay $0x1  }
0x17d: {  	[tilespmem:s25+$0xFFFFFF40] =	vst v0  }
0x17e: {  	v0 =	vld [tilespmem:s24+$0xFFFFFC50]  }
0x17f: {  	v1 =	vld [tilespmem:s24+$0xFFFFFCD0];
	_ =	sdelay $0x1  }
0x180: {  	v2 =	vld [tilespmem:s24+$0xFFFFFD50];
	_ =	sdelay $0x1  }
0x181: {  	v3 =	vld [tilespmem:s24+$0xFFFFFDD0]  }
0x182: {  	v0 =	vadd.f32 v1, v0;
	_ =	sdelay $0x1  }
0x183: {  	v0 =	vadd.f32 v2, v0;
	_ =	sdelay $0x1  }
0x184: {  	v0 =	vadd.f32 v3, v0;
	_ =	sdelay $0x1  }
0x185: {  	v0 =	vmul.f32 $2.500000000e-01, v0;
	_ =	sdelay $0x1  }
0x186: {  	[tilespmem:s25+$0xFFFFFF50] =	vst v0  }
0x187: {  	v0 =	vld [tilespmem:s24+$0xFFFFFC60]  }
0x188: {  	v1 =	vld [tilespmem:s24+$0xFFFFFCE0];
	_ =	sdelay $0x1  }
0x189: {  	v2 =	vld [tilespmem:s24+$0xFFFFFD60];
	_ =	sdelay $0x1  }
0x18a: {  	v3 =	vld [tilespmem:s24+$0xFFFFFDE0]  }
0x18b: {  	v0 =	vadd.f32 v1, v0;
	_ =	sdelay $0x1  }
0x18c: {  	v0 =	vadd.f32 v2, v0;
	_ =	sdelay $0x1  }
0x18d: {  	v0 =	vadd.f32 v3, v0;
	_ =	sdelay $0x1  }
0x18e: {  	v0 =	vmul.f32 $2.500000000e-01, v0;
	_ =	sdelay $0x1  }
0x18f: {  	[tilespmem:s25+$0xFFFFFF60] =	vst v0  }
0x190: {  	v0 =	vld [tilespmem:s24+$0xFFFFFC70]  }
0x191: {  	v1 =	vld [tilespmem:s24+$0xFFFFFCF0];
	_ =	sdelay $0x1  }
0x192: {  	v2 =	vld [tilespmem:s24+$0xFFFFFD70];
	_ =	sdelay $0x1  }
0x193: {  	v3 =	vld [tilespmem:s24+$0xFFFFFDF0]  }
0x194: {  	v0 =	vadd.f32 v1, v0;
	_ =	sdelay $0x1  }
0x195: {  	v0 =	vadd.f32 v2, v0;
	_ =	sdelay $0x1  }
0x196: {  	v0 =	vadd.f32 v3, v0;
	_ =	sdelay $0x1  }
0x197: {  	v0 =	vmul.f32 $2.500000000e-01, v0;
	_ =	sdelay $0x1  }
0x198: {  	[tilespmem:s25+$0xFFFFFF70] =	vst v0  }
0x199: {  	v0 =	vld [tilespmem:s24+$0xFFFFFC80]  }
0x19a: {  	v1 =	vld [tilespmem:s24+$0xFFFFFD00];
	_ =	sdelay $0x1  }
0x19b: {  	v2 =	vld [tilespmem:s24+$0xFFFFFD80];
	_ =	sdelay $0x1  }
0x19c: {  	v3 =	vld [tilespmem:s24+$0xFFFFFE00]  }
0x19d: {  	v0 =	vadd.f32 v1, v0;
	_ =	sdelay $0x1  }
0x19e: {  	v0 =	vadd.f32 v2, v0;
	_ =	sdelay $0x1  }
0x19f: {  	v0 =	vadd.f32 v3, v0;
	_ =	sdelay $0x1  }
0x1a0: {  	v0 =	vmul.f32 $2.500000000e-01, v0;
	_ =	sdelay $0x1  }
0x1a1: {  	[tilespmem:s25+$0xFFFFFF80] =	vst v0  }
0x1a2: {  	v0 =	vld [tilespmem:s24+$0xFFFFFE10]  }
0x1a3: {  	v1 =	vld [tilespmem:s24+$0xFFFFFE90];
	_ =	sdelay $0x1  }
0x1a4: {  	v2 =	vld [tilespmem:s24+$0xFFFFFF10];
	_ =	sdelay $0x1  }
0x1a5: {  	v3 =	vld [tilespmem:s24+$0xFFFFFF90]  }
0x1a6: {  	v0 =	vadd.f32 v1, v0;
	_ =	sdelay $0x1  }
0x1a7: {  	v0 =	vadd.f32 v2, v0;
	_ =	sdelay $0x1  }
0x1a8: {  	v0 =	vadd.f32 v3, v0;
	_ =	sdelay $0x1  }
0x1a9: {  	v0 =	vmul.f32 $2.500000000e-01, v0;
	_ =	sdelay $0x1  }
0x1aa: {  	[tilespmem:s25+$0xFFFFFF90] =	vst v0  }
0x1ab: {  	v0 =	vld [tilespmem:s24+$0xFFFFFE20]  }
0x1ac: {  	v1 =	vld [tilespmem:s24+$0xFFFFFEA0];
	_ =	sdelay $0x1  }
0x1ad: {  	v2 =	vld [tilespmem:s24+$0xFFFFFF20];
	_ =	sdelay $0x1  }
0x1ae: {  	v3 =	vld [tilespmem:s24+$0xFFFFFFA0]  }
0x1af: {  	v0 =	vadd.f32 v1, v0;
	_ =	sdelay $0x1  }
0x1b0: {  	v0 =	vadd.f32 v2, v0;
	_ =	sdelay $0x1  }
0x1b1: {  	v0 =	vadd.f32 v3, v0;
	_ =	sdelay $0x1  }
0x1b2: {  	v0 =	vmul.f32 $2.500000000e-01, v0;
	_ =	sdelay $0x1  }
0x1b3: {  	[tilespmem:s25+$0xFFFFFFA0] =	vst v0  }
0x1b4: {  	v0 =	vld [tilespmem:s24+$0xFFFFFE30]  }
0x1b5: {  	v1 =	vld [tilespmem:s24+$0xFFFFFEB0];
	_ =	sdelay $0x1  }
0x1b6: {  	v2 =	vld [tilespmem:s24+$0xFFFFFF30];
	_ =	sdelay $0x1  }
0x1b7: {  	v3 =	vld [tilespmem:s24+$0xFFFFFFB0]  }
0x1b8: {  	v0 =	vadd.f32 v1, v0;
	_ =	sdelay $0x1  }
0x1b9: {  	v0 =	vadd.f32 v2, v0;
	_ =	sdelay $0x1  }
0x1ba: {  	v0 =	vadd.f32 v3, v0;
	_ =	sdelay $0x1  }
0x1bb: {  	v0 =	vmul.f32 $2.500000000e-01, v0;
	_ =	sdelay $0x1  }
0x1bc: {  	[tilespmem:s25+$0xFFFFFFB0] =	vst v0  }
0x1bd: {  	v0 =	vld [tilespmem:s24+$0xFFFFFE40]  }
0x1be: {  	v1 =	vld [tilespmem:s24+$0xFFFFFEC0];
	_ =	sdelay $0x1  }
0x1bf: {  	v2 =	vld [tilespmem:s24+$0xFFFFFF40];
	_ =	sdelay $0x1  }
0x1c0: {  	v3 =	vld [tilespmem:s24+$0xFFFFFFC0]  }
0x1c1: {  	v0 =	vadd.f32 v1, v0;
	_ =	sdelay $0x1  }
0x1c2: {  	v0 =	vadd.f32 v2, v0;
	_ =	sdelay $0x1  }
0x1c3: {  	v0 =	vadd.f32 v3, v0;
	_ =	sdelay $0x1  }
0x1c4: {  	v0 =	vmul.f32 $2.500000000e-01, v0;
	_ =	sdelay $0x1  }
0x1c5: {  	[tilespmem:s25+$0xFFFFFFC0] =	vst v0  }
0x1c6: {  	v0 =	vld [tilespmem:s24+$0xFFFFFE50]  }
0x1c7: {  	v1 =	vld [tilespmem:s24+$0xFFFFFED0];
	_ =	sdelay $0x1  }
0x1c8: {  	v2 =	vld [tilespmem:s24+$0xFFFFFF50];
	_ =	sdelay $0x1  }
0x1c9: {  	v3 =	vld [tilespmem:s24+$0xFFFFFFD0]  }
0x1ca: {  	v0 =	vadd.f32 v1, v0;
	_ =	sdelay $0x1  }
0x1cb: {  	v0 =	vadd.f32 v2, v0;
	_ =	sdelay $0x1  }
0x1cc: {  	v0 =	vadd.f32 v3, v0;
	_ =	sdelay $0x1  }
0x1cd: {  	v0 =	vmul.f32 $2.500000000e-01, v0;
	_ =	sdelay $0x1  }
0x1ce: {  	[tilespmem:s25+$0xFFFFFFD0] =	vst v0  }
0x1cf: {  	v0 =	vld [tilespmem:s24+$0xFFFFFE60]  }
0x1d0: {  	v1 =	vld [tilespmem:s24+$0xFFFFFEE0];
	_ =	sdelay $0x1  }
0x1d1: {  	v2 =	vld [tilespmem:s24+$0xFFFFFF60];
	_ =	sdelay $0x1  }
0x1d2: {  	v3 =	vld [tilespmem:s24+$0xFFFFFFE0]  }
0x1d3: {  	v0 =	vadd.f32 v1, v0;
	_ =	sdelay $0x1  }
0x1d4: {  	v0 =	vadd.f32 v2, v0;
	_ =	sdelay $0x1  }
0x1d5: {  	v0 =	vadd.f32 v3, v0;
	_ =	sdelay $0x1  }
0x1d6: {  	v0 =	vmul.f32 $2.500000000e-01, v0;
	_ =	sdelay $0x1  }
0x1d7: {  	[tilespmem:s25+$0xFFFFFFE0] =	vst v0  }
0x1d8: {  	v0 =	vld [tilespmem:s24+$0xFFFFFE70]  }
0x1d9: {  	v1 =	vld [tilespmem:s24+$0xFFFFFEF0];
	_ =	sdelay $0x1  }
0x1da: {  	v2 =	vld [tilespmem:s24+$0xFFFFFF70];
	_ =	sdelay $0x1  }
0x1db: {  	v3 =	vld [tilespmem:s24+$0xFFFFFFF0]  }
0x1dc: {  	v0 =	vadd.f32 v1, v0;
	_ =	sdelay $0x1  }
0x1dd: {  	v0 =	vadd.f32 v2, v0;
	_ =	sdelay $0x1  }
0x1de: {  	v0 =	vadd.f32 v3, v0;
	_ =	sdelay $0x1  }
0x1df: {  	s29 =	simm.s32 $0x20;
	s28 =	simm.s32 $0x8670;
	s26 =	simm.s32 $0x11370;
	v0 =	vmul.f32 $2.500000000e-01, v0  }
.LBB2_4:
0x1e0: {  	s29 =	sadd.s32 $0x2, s29;
	s24 =	sadd.s32 $0x400, s24;
	s25 =	sadd.s32 $0x100, s25  }
0x1e1: {  	p0 =	slt.u32 s29, $0x3E;
	[tilespmem:s26+$0xFFFFFFF0] =	vst v0  }
0x1e2: {  	v0 =	vld [tilespmem:s28+$0xFFFFFE80]  }
0x1e3: {  	v1 =	vld [tilespmem:s28+$0xFFFFFF00]  }
0x1e4: {  	v2 =	vld [tilespmem:s28+$0xFFFFFF80]  }
0x1e5: {  	v3 =	vld [tilespmem:s28+$0x0];
	s28 =	smov.u32 s24;
	_ =	sdelay $0x2  }
0x1e6: {  	v0 =	vadd.f32 v1, v0;
	_ =	sdelay $0x1  }
0x1e7: {  	v0 =	vadd.f32 v2, v0;
	_ =	sdelay $0x1  }
0x1e8: {  	v0 =	vadd.f32 v3, v0;
	_ =	sdelay $0x1  }
0x1e9: {  	v0 =	vmul.f32 $2.500000000e-01, v0;
	_ =	sdelay $0x1  }
0x1ea: {  	[tilespmem:s26+$0x0] =	vst v0;
	s26 =	smov.u32 s25  }
0x1eb: {  	v0 =	vld [tilespmem:s24+$0xFFFFFC90]  }
0x1ec: {  	v1 =	vld [tilespmem:s24+$0xFFFFFC10]  }
0x1ed: {  	v2 =	vld [tilespmem:s24+$0xFFFFFD10];
	_ =	sdelay $0x1  }
0x1ee: {  	v3 =	vld [tilespmem:s24+$0xFFFFFD90];
	_ =	sdelay $0x1  }
0x1ef: {  	v0 =	vadd.f32 v0, v1;
	_ =	sdelay $0x1  }
0x1f0: {  	v0 =	vadd.f32 v2, v0;
	_ =	sdelay $0x1  }
0x1f1: {  	v0 =	vadd.f32 v3, v0;
	_ =	sdelay $0x1  }
0x1f2: {  	v0 =	vmul.f32 $2.500000000e-01, v0;
	_ =	sdelay $0x1  }
0x1f3: {  	[tilespmem:s25+$0xFFFFFF10] =	vst v0  }
0x1f4: {  	v0 =	vld [tilespmem:s24+$0xFFFFFC20]  }
0x1f5: {  	v1 =	vld [tilespmem:s24+$0xFFFFFCA0];
	_ =	sdelay $0x1  }
0x1f6: {  	v2 =	vld [tilespmem:s24+$0xFFFFFD20];
	_ =	sdelay $0x1  }
0x1f7: {  	v3 =	vld [tilespmem:s24+$0xFFFFFDA0]  }
0x1f8: {  	v0 =	vadd.f32 v1, v0;
	_ =	sdelay $0x1  }
0x1f9: {  	v0 =	vadd.f32 v2, v0;
	_ =	sdelay $0x1  }
0x1fa: {  	v0 =	vadd.f32 v3, v0;
	_ =	sdelay $0x1  }
0x1fb: {  	v0 =	vmul.f32 $2.500000000e-01, v0;
	_ =	sdelay $0x1  }
0x1fc: {  	[tilespmem:s25+$0xFFFFFF20] =	vst v0  }
0x1fd: {  	v0 =	vld [tilespmem:s24+$0xFFFFFC30]  }
0x1fe: {  	v1 =	vld [tilespmem:s24+$0xFFFFFCB0];
	_ =	sdelay $0x1  }
0x1ff: {  	v2 =	vld [tilespmem:s24+$0xFFFFFD30];
	_ =	sdelay $0x1  }
0x200: {  	v3 =	vld [tilespmem:s24+$0xFFFFFDB0]  }
0x201: {  	v0 =	vadd.f32 v1, v0;
	_ =	sdelay $0x1  }
0x202: {  	v0 =	vadd.f32 v2, v0;
	_ =	sdelay $0x1  }
0x203: {  	v0 =	vadd.f32 v3, v0;
	_ =	sdelay $0x1  }
0x204: {  	v0 =	vmul.f32 $2.500000000e-01, v0;
	_ =	sdelay $0x1  }
0x205: {  	[tilespmem:s25+$0xFFFFFF30] =	vst v0  }
0x206: {  	v0 =	vld [tilespmem:s24+$0xFFFFFC40]  }
0x207: {  	v1 =	vld [tilespmem:s24+$0xFFFFFCC0]  }
0x208: {  	v2 =	vld [tilespmem:s24+$0xFFFFFDC0]  }
0x209: {  	v3 =	vld [tilespmem:s24+$0xFFFFFD40];
	_ =	sdelay $0x2  }
0x20a: {  	v0 =	vadd.f32 v1, v0;
	_ =	sdelay $0x1  }
0x20b: {  	v0 =	vadd.f32 v3, v0;
	_ =	sdelay $0x1  }
0x20c: {  	v0 =	vadd.f32 v2, v0;
	_ =	sdelay $0x1  }
0x20d: {  	v0 =	vmul.f32 $2.500000000e-01, v0;
	_ =	sdelay $0x1  }
0x20e: {  	[tilespmem:s25+$0xFFFFFF40] =	vst v0  }
0x20f: {  	v0 =	vld [tilespmem:s24+$0xFFFFFC50]  }
0x210: {  	v1 =	vld [tilespmem:s24+$0xFFFFFCD0];
	_ =	sdelay $0x1  }
0x211: {  	v2 =	vld [tilespmem:s24+$0xFFFFFD50];
	_ =	sdelay $0x1  }
0x212: {  	v3 =	vld [tilespmem:s24+$0xFFFFFDD0]  }
0x213: {  	v0 =	vadd.f32 v1, v0;
	_ =	sdelay $0x1  }
0x214: {  	v0 =	vadd.f32 v2, v0;
	_ =	sdelay $0x1  }
0x215: {  	v0 =	vadd.f32 v3, v0;
	_ =	sdelay $0x1  }
0x216: {  	v0 =	vmul.f32 $2.500000000e-01, v0;
	_ =	sdelay $0x1  }
0x217: {  	[tilespmem:s25+$0xFFFFFF50] =	vst v0  }
0x218: {  	v0 =	vld [tilespmem:s24+$0xFFFFFC60]  }
0x219: {  	v1 =	vld [tilespmem:s24+$0xFFFFFCE0]  }
0x21a: {  	v2 =	vld [tilespmem:s24+$0xFFFFFDE0]  }
0x21b: {  	v3 =	vld [tilespmem:s24+$0xFFFFFD60];
	_ =	sdelay $0x2  }
0x21c: {  	v0 =	vadd.f32 v1, v0;
	_ =	sdelay $0x1  }
0x21d: {  	v0 =	vadd.f32 v3, v0;
	_ =	sdelay $0x1  }
0x21e: {  	v0 =	vadd.f32 v2, v0;
	_ =	sdelay $0x1  }
0x21f: {  	v0 =	vmul.f32 $2.500000000e-01, v0;
	_ =	sdelay $0x1  }
0x220: {  	[tilespmem:s25+$0xFFFFFF60] =	vst v0  }
0x221: {  	v0 =	vld [tilespmem:s24+$0xFFFFFC70]  }
0x222: {  	v1 =	vld [tilespmem:s24+$0xFFFFFCF0]  }
0x223: {  	v2 =	vld [tilespmem:s24+$0xFFFFFD70]  }
0x224: {  	v3 =	vld [tilespmem:s24+$0xFFFFFDF0];
	_ =	sdelay $0x2  }
0x225: {  	v0 =	vadd.f32 v1, v0;
	_ =	sdelay $0x1  }
0x226: {  	v0 =	vadd.f32 v2, v0;
	_ =	sdelay $0x1  }
0x227: {  	v0 =	vadd.f32 v3, v0;
	_ =	sdelay $0x1  }
0x228: {  	v0 =	vmul.f32 $2.500000000e-01, v0;
	_ =	sdelay $0x1  }
0x229: {  	[tilespmem:s25+$0xFFFFFF70] =	vst v0  }
0x22a: {  	v0 =	vld [tilespmem:s24+$0xFFFFFC80]  }
0x22b: {  	v1 =	vld [tilespmem:s24+$0xFFFFFD00]  }
0x22c: {  	v2 =	vld [tilespmem:s24+$0xFFFFFD80]  }
0x22d: {  	v3 =	vld [tilespmem:s24+$0xFFFFFE00];
	_ =	sdelay $0x2  }
0x22e: {  	v0 =	vadd.f32 v1, v0;
	_ =	sdelay $0x1  }
0x22f: {  	v0 =	vadd.f32 v2, v0;
	_ =	sdelay $0x1  }
0x230: {  	v0 =	vadd.f32 v3, v0;
	_ =	sdelay $0x1  }
0x231: {  	v0 =	vmul.f32 $2.500000000e-01, v0;
	_ =	sdelay $0x1  }
0x232: {  	[tilespmem:s25+$0xFFFFFF80] =	vst v0  }
0x233: {  	v0 =	vld [tilespmem:s24+$0xFFFFFE10]  }
0x234: {  	v1 =	vld [tilespmem:s24+$0xFFFFFE90]  }
0x235: {  	v2 =	vld [tilespmem:s24+$0xFFFFFF90]  }
0x236: {  	v3 =	vld [tilespmem:s24+$0xFFFFFF10];
	_ =	sdelay $0x2  }
0x237: {  	v0 =	vadd.f32 v1, v0;
	_ =	sdelay $0x1  }
0x238: {  	v0 =	vadd.f32 v3, v0;
	_ =	sdelay $0x1  }
0x239: {  	v0 =	vadd.f32 v2, v0;
	_ =	sdelay $0x1  }
0x23a: {  	v0 =	vmul.f32 $2.500000000e-01, v0;
	_ =	sdelay $0x1  }
0x23b: {  	[tilespmem:s25+$0xFFFFFF90] =	vst v0  }
0x23c: {  	v0 =	vld [tilespmem:s24+$0xFFFFFE20]  }
0x23d: {  	v1 =	vld [tilespmem:s24+$0xFFFFFEA0]  }
0x23e: {  	v2 =	vld [tilespmem:s24+$0xFFFFFFA0]  }
0x23f: {  	v3 =	vld [tilespmem:s24+$0xFFFFFF20];
	_ =	sdelay $0x2  }
0x240: {  	v0 =	vadd.f32 v1, v0;
	_ =	sdelay $0x1  }
0x241: {  	v0 =	vadd.f32 v3, v0;
	_ =	sdelay $0x1  }
0x242: {  	v0 =	vadd.f32 v2, v0;
	_ =	sdelay $0x1  }
0x243: {  	v0 =	vmul.f32 $2.500000000e-01, v0;
	_ =	sdelay $0x1  }
0x244: {  	[tilespmem:s25+$0xFFFFFFA0] =	vst v0  }
0x245: {  	v0 =	vld [tilespmem:s24+$0xFFFFFE30]  }
0x246: {  	v1 =	vld [tilespmem:s24+$0xFFFFFEB0]  }
0x247: {  	v2 =	vld [tilespmem:s24+$0xFFFFFF30]  }
0x248: {  	v3 =	vld [tilespmem:s24+$0xFFFFFFB0];
	_ =	sdelay $0x2  }
0x249: {  	v0 =	vadd.f32 v1, v0;
	_ =	sdelay $0x1  }
0x24a: {  	v0 =	vadd.f32 v2, v0;
	_ =	sdelay $0x1  }
0x24b: {  	v0 =	vadd.f32 v3, v0;
	_ =	sdelay $0x1  }
0x24c: {  	v0 =	vmul.f32 $2.500000000e-01, v0;
	_ =	sdelay $0x1  }
0x24d: {  	[tilespmem:s25+$0xFFFFFFB0] =	vst v0  }
0x24e: {  	v0 =	vld [tilespmem:s24+$0xFFFFFE40]  }
0x24f: {  	v1 =	vld [tilespmem:s24+$0xFFFFFEC0]  }
0x250: {  	v2 =	vld [tilespmem:s24+$0xFFFFFF40]  }
0x251: {  	v3 =	vld [tilespmem:s24+$0xFFFFFFC0];
	_ =	sdelay $0x2  }
0x252: {  	v0 =	vadd.f32 v1, v0;
	_ =	sdelay $0x1  }
0x253: {  	v0 =	vadd.f32 v2, v0;
	_ =	sdelay $0x1  }
0x254: {  	v0 =	vadd.f32 v3, v0;
	_ =	sdelay $0x1  }
0x255: {  	v0 =	vmul.f32 $2.500000000e-01, v0;
	_ =	sdelay $0x1  }
0x256: {  	[tilespmem:s25+$0xFFFFFFC0] =	vst v0  }
0x257: {  	v0 =	vld [tilespmem:s24+$0xFFFFFE50]  }
0x258: {  	v1 =	vld [tilespmem:s24+$0xFFFFFED0]  }
0x259: {  	v2 =	vld [tilespmem:s24+$0xFFFFFF50]  }
0x25a: {  	v3 =	vld [tilespmem:s24+$0xFFFFFFD0];
	_ =	sdelay $0x2  }
0x25b: {  	v0 =	vadd.f32 v1, v0;
	_ =	sdelay $0x1  }
0x25c: {  	v0 =	vadd.f32 v2, v0;
	_ =	sdelay $0x1  }
0x25d: {  	v0 =	vadd.f32 v3, v0;
	_ =	sdelay $0x1  }
0x25e: {  	v0 =	vmul.f32 $2.500000000e-01, v0;
	_ =	sdelay $0x1  }
0x25f: {  	[tilespmem:s25+$0xFFFFFFD0] =	vst v0  }
0x260: {  	v0 =	vld [tilespmem:s24+$0xFFFFFE60]  }
0x261: {  	v1 =	vld [tilespmem:s24+$0xFFFFFEE0]  }
0x262: {  	v2 =	vld [tilespmem:s24+$0xFFFFFF60]  }
0x263: {  	v3 =	vld [tilespmem:s24+$0xFFFFFFE0];
	_ =	sdelay $0x2  }
0x264: {  	v0 =	vadd.f32 v1, v0;
	_ =	sdelay $0x1  }
0x265: {  	v0 =	vadd.f32 v2, v0;
	_ =	sdelay $0x1  }
0x266: {  	v0 =	vadd.f32 v3, v0;
	_ =	sdelay $0x1  }
0x267: {  	v0 =	vmul.f32 $2.500000000e-01, v0;
	_ =	sdelay $0x1  }
0x268: {  	[tilespmem:s25+$0xFFFFFFE0] =	vst v0  }
0x269: {  	v0 =	vld [tilespmem:s24+$0xFFFFFE70]  }
0x26a: {  	v1 =	vld [tilespmem:s24+$0xFFFFFEF0]  }
0x26b: {  	v2 =	vld [tilespmem:s24+$0xFFFFFF70]  }
0x26c: {  	v3 =	vld [tilespmem:s24+$0xFFFFFFF0];
	_ =	sdelay $0x2  }
0x26d: {  	v0 =	vadd.f32 v1, v0;
	_ =	sdelay $0x1  }
.Ltmp1:
0x26e: {  	v0 =	vadd.f32 v2, v0;
	(pc) =	sbr.rel @p0 .LBB2_4-.Ltmp1, $3  }
0x26f: {  	_ = 	snop  }
0x270: {  	v0 =	vadd.f32 v3, v0;
	_ =	sdelay $0x1  }
0x271: {  	v0 =	vmul.f32 $2.500000000e-01, v0  }
0x272: {  	_ = 	snop  }
0x273: {  	[tilespmem:s26+$0xFFFFFFF0] =	vst v0  }
0x274: {  	v0 =	vld [tilespmem:s28+$0xFFFFFE80]  }
0x275: {  	v1 =	vld [tilespmem:s28+$0xFFFFFF00];
	_ =	sdelay $0x1  }
0x276: {  	v2 =	vld [tilespmem:s28+$0xFFFFFF80];
	_ =	sdelay $0x1  }
0x277: {  	v3 =	vld [tilespmem:s28+$0x0]  }
0x278: {  	v0 =	vadd.f32 v1, v0;
	_ =	sdelay $0x1  }
0x279: {  	v0 =	vadd.f32 v2, v0;
	_ =	sdelay $0x1  }
0x27a: {  	v0 =	vadd.f32 v3, v0;
	_ =	sdelay $0x1  }
0x27b: {  	v0 =	vmul.f32 $2.500000000e-01, v0;
	_ =	sdelay $0x1  }
0x27c: {  	[tilespmem:s26+$0x0] =	vst v0  }
0x27d: {  	_ =	swait.ge [sflag:s20], $0x4000  }
0x27e: {  	[sflag:s20] =	ssyncset.done $0x0  }
0x27f: {  	s24 =	simm.s32 $0xC670;
	[sflag:s20] =	ssyncadd.s32 $0xFFFFC000  }
0x280: {  	v0 =	vld [tilespmem:s24+$0xFFFFFC90]  }
0x281: {  	v1 =	vld [tilespmem:s24+$0xFFFFFC10];
	_ =	sdelay $0x1  }
0x282: {  	v2 =	vld [tilespmem:s24+$0xFFFFFD10];
	_ =	sdelay $0x1  }
0x283: {  	v3 =	vld [tilespmem:s24+$0xFFFFFD90]  }
0x284: {  	v0 =	vadd.f32 v0, v1;
	_ =	sdelay $0x1  }
0x285: {  	v0 =	vadd.f32 v2, v0;
	_ =	sdelay $0x1  }
0x286: {  	v0 =	vadd.f32 v3, v0;
	_ =	sdelay $0x1  }
0x287: {  	v0 =	vmul.f32 $2.500000000e-01, v0  }
0x288: {  	s25 =	simm.s32 $0x12370  }
0x289: {  	[tilespmem:s25+$0xFFFFFF10] =	vst v0  }
0x28a: {  	v0 =	vld [tilespmem:s24+$0xFFFFFC20]  }
0x28b: {  	v1 =	vld [tilespmem:s24+$0xFFFFFCA0];
	_ =	sdelay $0x1  }
0x28c: {  	v2 =	vld [tilespmem:s24+$0xFFFFFD20];
	_ =	sdelay $0x1  }
0x28d: {  	v3 =	vld [tilespmem:s24+$0xFFFFFDA0]  }
0x28e: {  	v0 =	vadd.f32 v1, v0;
	_ =	sdelay $0x1  }
0x28f: {  	v0 =	vadd.f32 v2, v0;
	_ =	sdelay $0x1  }
0x290: {  	v0 =	vadd.f32 v3, v0;
	_ =	sdelay $0x1  }
0x291: {  	v0 =	vmul.f32 $2.500000000e-01, v0;
	_ =	sdelay $0x1  }
0x292: {  	[tilespmem:s25+$0xFFFFFF20] =	vst v0  }
0x293: {  	v0 =	vld [tilespmem:s24+$0xFFFFFC30]  }
0x294: {  	v1 =	vld [tilespmem:s24+$0xFFFFFCB0];
	_ =	sdelay $0x1  }
0x295: {  	v2 =	vld [tilespmem:s24+$0xFFFFFD30];
	_ =	sdelay $0x1  }
0x296: {  	v3 =	vld [tilespmem:s24+$0xFFFFFDB0]  }
0x297: {  	v0 =	vadd.f32 v1, v0;
	_ =	sdelay $0x1  }
0x298: {  	v0 =	vadd.f32 v2, v0;
	_ =	sdelay $0x1  }
0x299: {  	v0 =	vadd.f32 v3, v0;
	_ =	sdelay $0x1  }
0x29a: {  	v0 =	vmul.f32 $2.500000000e-01, v0;
	_ =	sdelay $0x1  }
0x29b: {  	[tilespmem:s25+$0xFFFFFF30] =	vst v0  }
0x29c: {  	v0 =	vld [tilespmem:s24+$0xFFFFFC40]  }
0x29d: {  	v1 =	vld [tilespmem:s24+$0xFFFFFCC0];
	_ =	sdelay $0x1  }
0x29e: {  	v2 =	vld [tilespmem:s24+$0xFFFFFD40];
	_ =	sdelay $0x1  }
0x29f: {  	v3 =	vld [tilespmem:s24+$0xFFFFFDC0]  }
0x2a0: {  	v0 =	vadd.f32 v1, v0;
	_ =	sdelay $0x1  }
0x2a1: {  	v0 =	vadd.f32 v2, v0;
	_ =	sdelay $0x1  }
0x2a2: {  	v0 =	vadd.f32 v3, v0;
	_ =	sdelay $0x1  }
0x2a3: {  	v0 =	vmul.f32 $2.500000000e-01, v0;
	_ =	sdelay $0x1  }
0x2a4: {  	[tilespmem:s25+$0xFFFFFF40] =	vst v0  }
0x2a5: {  	v0 =	vld [tilespmem:s24+$0xFFFFFC50]  }
0x2a6: {  	v1 =	vld [tilespmem:s24+$0xFFFFFCD0];
	_ =	sdelay $0x1  }
0x2a7: {  	v2 =	vld [tilespmem:s24+$0xFFFFFD50];
	_ =	sdelay $0x1  }
0x2a8: {  	v3 =	vld [tilespmem:s24+$0xFFFFFDD0]  }
0x2a9: {  	v0 =	vadd.f32 v1, v0;
	_ =	sdelay $0x1  }
0x2aa: {  	v0 =	vadd.f32 v2, v0;
	_ =	sdelay $0x1  }
0x2ab: {  	v0 =	vadd.f32 v3, v0;
	_ =	sdelay $0x1  }
0x2ac: {  	v0 =	vmul.f32 $2.500000000e-01, v0;
	_ =	sdelay $0x1  }
0x2ad: {  	[tilespmem:s25+$0xFFFFFF50] =	vst v0  }
0x2ae: {  	v0 =	vld [tilespmem:s24+$0xFFFFFC60]  }
0x2af: {  	v1 =	vld [tilespmem:s24+$0xFFFFFCE0];
	_ =	sdelay $0x1  }
0x2b0: {  	v2 =	vld [tilespmem:s24+$0xFFFFFD60];
	_ =	sdelay $0x1  }
0x2b1: {  	v3 =	vld [tilespmem:s24+$0xFFFFFDE0]  }
0x2b2: {  	v0 =	vadd.f32 v1, v0;
	_ =	sdelay $0x1  }
0x2b3: {  	v0 =	vadd.f32 v2, v0;
	_ =	sdelay $0x1  }
0x2b4: {  	v0 =	vadd.f32 v3, v0;
	_ =	sdelay $0x1  }
0x2b5: {  	v0 =	vmul.f32 $2.500000000e-01, v0;
	_ =	sdelay $0x1  }
0x2b6: {  	[tilespmem:s25+$0xFFFFFF60] =	vst v0  }
0x2b7: {  	v0 =	vld [tilespmem:s24+$0xFFFFFC70]  }
0x2b8: {  	v1 =	vld [tilespmem:s24+$0xFFFFFCF0];
	_ =	sdelay $0x1  }
0x2b9: {  	v2 =	vld [tilespmem:s24+$0xFFFFFD70];
	_ =	sdelay $0x1  }
0x2ba: {  	v3 =	vld [tilespmem:s24+$0xFFFFFDF0]  }
0x2bb: {  	v0 =	vadd.f32 v1, v0;
	_ =	sdelay $0x1  }
0x2bc: {  	v0 =	vadd.f32 v2, v0;
	_ =	sdelay $0x1  }
0x2bd: {  	v0 =	vadd.f32 v3, v0;
	_ =	sdelay $0x1  }
0x2be: {  	v0 =	vmul.f32 $2.500000000e-01, v0;
	_ =	sdelay $0x1  }
0x2bf: {  	[tilespmem:s25+$0xFFFFFF70] =	vst v0  }
0x2c0: {  	v0 =	vld [tilespmem:s24+$0xFFFFFC80]  }
0x2c1: {  	v1 =	vld [tilespmem:s24+$0xFFFFFD00];
	_ =	sdelay $0x1  }
0x2c2: {  	v2 =	vld [tilespmem:s24+$0xFFFFFD80];
	_ =	sdelay $0x1  }
0x2c3: {  	v3 =	vld [tilespmem:s24+$0xFFFFFE00]  }
0x2c4: {  	v0 =	vadd.f32 v1, v0;
	_ =	sdelay $0x1  }
0x2c5: {  	v0 =	vadd.f32 v2, v0;
	_ =	sdelay $0x1  }
0x2c6: {  	v0 =	vadd.f32 v3, v0;
	_ =	sdelay $0x1  }
0x2c7: {  	v0 =	vmul.f32 $2.500000000e-01, v0;
	_ =	sdelay $0x1  }
0x2c8: {  	[tilespmem:s25+$0xFFFFFF80] =	vst v0  }
0x2c9: {  	v0 =	vld [tilespmem:s24+$0xFFFFFE10]  }
0x2ca: {  	v1 =	vld [tilespmem:s24+$0xFFFFFE90];
	_ =	sdelay $0x1  }
0x2cb: {  	v2 =	vld [tilespmem:s24+$0xFFFFFF10];
	_ =	sdelay $0x1  }
0x2cc: {  	v3 =	vld [tilespmem:s24+$0xFFFFFF90]  }
0x2cd: {  	v0 =	vadd.f32 v1, v0;
	_ =	sdelay $0x1  }
0x2ce: {  	v0 =	vadd.f32 v2, v0;
	_ =	sdelay $0x1  }
0x2cf: {  	v0 =	vadd.f32 v3, v0;
	_ =	sdelay $0x1  }
0x2d0: {  	v0 =	vmul.f32 $2.500000000e-01, v0;
	_ =	sdelay $0x1  }
0x2d1: {  	[tilespmem:s25+$0xFFFFFF90] =	vst v0  }
0x2d2: {  	v0 =	vld [tilespmem:s24+$0xFFFFFE20]  }
0x2d3: {  	v1 =	vld [tilespmem:s24+$0xFFFFFEA0];
	_ =	sdelay $0x1  }
0x2d4: {  	v2 =	vld [tilespmem:s24+$0xFFFFFF20];
	_ =	sdelay $0x1  }
0x2d5: {  	v3 =	vld [tilespmem:s24+$0xFFFFFFA0]  }
0x2d6: {  	v0 =	vadd.f32 v1, v0;
	_ =	sdelay $0x1  }
0x2d7: {  	v0 =	vadd.f32 v2, v0;
	_ =	sdelay $0x1  }
0x2d8: {  	v0 =	vadd.f32 v3, v0;
	_ =	sdelay $0x1  }
0x2d9: {  	v0 =	vmul.f32 $2.500000000e-01, v0;
	_ =	sdelay $0x1  }
0x2da: {  	[tilespmem:s25+$0xFFFFFFA0] =	vst v0  }
0x2db: {  	v0 =	vld [tilespmem:s24+$0xFFFFFE30]  }
0x2dc: {  	v1 =	vld [tilespmem:s24+$0xFFFFFEB0];
	_ =	sdelay $0x1  }
0x2dd: {  	v2 =	vld [tilespmem:s24+$0xFFFFFF30];
	_ =	sdelay $0x1  }
0x2de: {  	v3 =	vld [tilespmem:s24+$0xFFFFFFB0]  }
0x2df: {  	v0 =	vadd.f32 v1, v0;
	_ =	sdelay $0x1  }
0x2e0: {  	v0 =	vadd.f32 v2, v0;
	_ =	sdelay $0x1  }
0x2e1: {  	v0 =	vadd.f32 v3, v0;
	_ =	sdelay $0x1  }
0x2e2: {  	v0 =	vmul.f32 $2.500000000e-01, v0;
	_ =	sdelay $0x1  }
0x2e3: {  	[tilespmem:s25+$0xFFFFFFB0] =	vst v0  }
0x2e4: {  	v0 =	vld [tilespmem:s24+$0xFFFFFE40]  }
0x2e5: {  	v1 =	vld [tilespmem:s24+$0xFFFFFEC0];
	_ =	sdelay $0x1  }
0x2e6: {  	v2 =	vld [tilespmem:s24+$0xFFFFFF40];
	_ =	sdelay $0x1  }
0x2e7: {  	v3 =	vld [tilespmem:s24+$0xFFFFFFC0]  }
0x2e8: {  	v0 =	vadd.f32 v1, v0;
	_ =	sdelay $0x1  }
0x2e9: {  	v0 =	vadd.f32 v2, v0;
	_ =	sdelay $0x1  }
0x2ea: {  	v0 =	vadd.f32 v3, v0;
	_ =	sdelay $0x1  }
0x2eb: {  	v0 =	vmul.f32 $2.500000000e-01, v0;
	_ =	sdelay $0x1  }
0x2ec: {  	[tilespmem:s25+$0xFFFFFFC0] =	vst v0  }
0x2ed: {  	v0 =	vld [tilespmem:s24+$0xFFFFFE50]  }
0x2ee: {  	v1 =	vld [tilespmem:s24+$0xFFFFFED0];
	_ =	sdelay $0x1  }
0x2ef: {  	v2 =	vld [tilespmem:s24+$0xFFFFFF50];
	_ =	sdelay $0x1  }
0x2f0: {  	v3 =	vld [tilespmem:s24+$0xFFFFFFD0]  }
0x2f1: {  	v0 =	vadd.f32 v1, v0;
	_ =	sdelay $0x1  }
0x2f2: {  	v0 =	vadd.f32 v2, v0;
	_ =	sdelay $0x1  }
0x2f3: {  	v0 =	vadd.f32 v3, v0;
	_ =	sdelay $0x1  }
0x2f4: {  	v0 =	vmul.f32 $2.500000000e-01, v0;
	_ =	sdelay $0x1  }
0x2f5: {  	[tilespmem:s25+$0xFFFFFFD0] =	vst v0  }
0x2f6: {  	v0 =	vld [tilespmem:s24+$0xFFFFFE60]  }
0x2f7: {  	v1 =	vld [tilespmem:s24+$0xFFFFFEE0];
	_ =	sdelay $0x1  }
0x2f8: {  	v2 =	vld [tilespmem:s24+$0xFFFFFF60];
	_ =	sdelay $0x1  }
0x2f9: {  	v3 =	vld [tilespmem:s24+$0xFFFFFFE0]  }
0x2fa: {  	v0 =	vadd.f32 v1, v0;
	_ =	sdelay $0x1  }
0x2fb: {  	v0 =	vadd.f32 v2, v0;
	_ =	sdelay $0x1  }
0x2fc: {  	v0 =	vadd.f32 v3, v0;
	_ =	sdelay $0x1  }
0x2fd: {  	v0 =	vmul.f32 $2.500000000e-01, v0;
	_ =	sdelay $0x1  }
0x2fe: {  	[tilespmem:s25+$0xFFFFFFE0] =	vst v0  }
0x2ff: {  	v0 =	vld [tilespmem:s24+$0xFFFFFE70]  }
0x300: {  	v1 =	vld [tilespmem:s24+$0xFFFFFEF0];
	_ =	sdelay $0x1  }
0x301: {  	v2 =	vld [tilespmem:s24+$0xFFFFFF70];
	_ =	sdelay $0x1  }
0x302: {  	v3 =	vld [tilespmem:s24+$0xFFFFFFF0]  }
0x303: {  	v0 =	vadd.f32 v1, v0;
	_ =	sdelay $0x1  }
0x304: {  	v0 =	vadd.f32 v2, v0;
	_ =	sdelay $0x1  }
0x305: {  	v0 =	vadd.f32 v3, v0;
	_ =	sdelay $0x1  }
0x306: {  	s29 =	simm.s32 $0x40;
	s28 =	simm.s32 $0xC670;
	s26 =	simm.s32 $0x12370;
	v0 =	vmul.f32 $2.500000000e-01, v0  }
.LBB2_6:
0x307: {  	s29 =	sadd.s32 $0x2, s29;
	s24 =	sadd.s32 $0x400, s24;
	s25 =	sadd.s32 $0x100, s25  }
0x308: {  	p0 =	slt.u32 s29, $0x5E;
	[tilespmem:s26+$0xFFFFFFF0] =	vst v0  }
0x309: {  	v0 =	vld [tilespmem:s28+$0xFFFFFE80]  }
0x30a: {  	v1 =	vld [tilespmem:s28+$0xFFFFFF00]  }
0x30b: {  	v2 =	vld [tilespmem:s28+$0xFFFFFF80]  }
0x30c: {  	v3 =	vld [tilespmem:s28+$0x0];
	s28 =	smov.u32 s24;
	_ =	sdelay $0x2  }
0x30d: {  	v0 =	vadd.f32 v1, v0;
	_ =	sdelay $0x1  }
0x30e: {  	v0 =	vadd.f32 v2, v0;
	_ =	sdelay $0x1  }
0x30f: {  	v0 =	vadd.f32 v3, v0;
	_ =	sdelay $0x1  }
0x310: {  	v0 =	vmul.f32 $2.500000000e-01, v0;
	_ =	sdelay $0x1  }
0x311: {  	[tilespmem:s26+$0x0] =	vst v0;
	s26 =	smov.u32 s25  }
0x312: {  	v0 =	vld [tilespmem:s24+$0xFFFFFC90]  }
0x313: {  	v1 =	vld [tilespmem:s24+$0xFFFFFC10]  }
0x314: {  	v2 =	vld [tilespmem:s24+$0xFFFFFD10];
	_ =	sdelay $0x1  }
0x315: {  	v3 =	vld [tilespmem:s24+$0xFFFFFD90];
	_ =	sdelay $0x1  }
0x316: {  	v0 =	vadd.f32 v0, v1;
	_ =	sdelay $0x1  }
0x317: {  	v0 =	vadd.f32 v2, v0;
	_ =	sdelay $0x1  }
0x318: {  	v0 =	vadd.f32 v3, v0;
	_ =	sdelay $0x1  }
0x319: {  	v0 =	vmul.f32 $2.500000000e-01, v0;
	_ =	sdelay $0x1  }
0x31a: {  	[tilespmem:s25+$0xFFFFFF10] =	vst v0  }
0x31b: {  	v0 =	vld [tilespmem:s24+$0xFFFFFC20]  }
0x31c: {  	v1 =	vld [tilespmem:s24+$0xFFFFFCA0];
	_ =	sdelay $0x1  }
0x31d: {  	v2 =	vld [tilespmem:s24+$0xFFFFFD20];
	_ =	sdelay $0x1  }
0x31e: {  	v3 =	vld [tilespmem:s24+$0xFFFFFDA0]  }
0x31f: {  	v0 =	vadd.f32 v1, v0;
	_ =	sdelay $0x1  }
0x320: {  	v0 =	vadd.f32 v2, v0;
	_ =	sdelay $0x1  }
0x321: {  	v0 =	vadd.f32 v3, v0;
	_ =	sdelay $0x1  }
0x322: {  	v0 =	vmul.f32 $2.500000000e-01, v0;
	_ =	sdelay $0x1  }
0x323: {  	[tilespmem:s25+$0xFFFFFF20] =	vst v0  }
0x324: {  	v0 =	vld [tilespmem:s24+$0xFFFFFC30]  }
0x325: {  	v1 =	vld [tilespmem:s24+$0xFFFFFCB0];
	_ =	sdelay $0x1  }
0x326: {  	v2 =	vld [tilespmem:s24+$0xFFFFFD30];
	_ =	sdelay $0x1  }
0x327: {  	v3 =	vld [tilespmem:s24+$0xFFFFFDB0]  }
0x328: {  	v0 =	vadd.f32 v1, v0;
	_ =	sdelay $0x1  }
0x329: {  	v0 =	vadd.f32 v2, v0;
	_ =	sdelay $0x1  }
0x32a: {  	v0 =	vadd.f32 v3, v0;
	_ =	sdelay $0x1  }
0x32b: {  	v0 =	vmul.f32 $2.500000000e-01, v0;
	_ =	sdelay $0x1  }
0x32c: {  	[tilespmem:s25+$0xFFFFFF30] =	vst v0  }
0x32d: {  	v0 =	vld [tilespmem:s24+$0xFFFFFC40]  }
0x32e: {  	v1 =	vld [tilespmem:s24+$0xFFFFFCC0]  }
0x32f: {  	v2 =	vld [tilespmem:s24+$0xFFFFFDC0]  }
0x330: {  	v3 =	vld [tilespmem:s24+$0xFFFFFD40];
	_ =	sdelay $0x2  }
0x331: {  	v0 =	vadd.f32 v1, v0;
	_ =	sdelay $0x1  }
0x332: {  	v0 =	vadd.f32 v3, v0;
	_ =	sdelay $0x1  }
0x333: {  	v0 =	vadd.f32 v2, v0;
	_ =	sdelay $0x1  }
0x334: {  	v0 =	vmul.f32 $2.500000000e-01, v0;
	_ =	sdelay $0x1  }
0x335: {  	[tilespmem:s25+$0xFFFFFF40] =	vst v0  }
0x336: {  	v0 =	vld [tilespmem:s24+$0xFFFFFC50]  }
0x337: {  	v1 =	vld [tilespmem:s24+$0xFFFFFCD0];
	_ =	sdelay $0x1  }
0x338: {  	v2 =	vld [tilespmem:s24+$0xFFFFFD50];
	_ =	sdelay $0x1  }
0x339: {  	v3 =	vld [tilespmem:s24+$0xFFFFFDD0]  }
0x33a: {  	v0 =	vadd.f32 v1, v0;
	_ =	sdelay $0x1  }
0x33b: {  	v0 =	vadd.f32 v2, v0;
	_ =	sdelay $0x1  }
0x33c: {  	v0 =	vadd.f32 v3, v0;
	_ =	sdelay $0x1  }
0x33d: {  	v0 =	vmul.f32 $2.500000000e-01, v0;
	_ =	sdelay $0x1  }
0x33e: {  	[tilespmem:s25+$0xFFFFFF50] =	vst v0  }
0x33f: {  	v0 =	vld [tilespmem:s24+$0xFFFFFC60]  }
0x340: {  	v1 =	vld [tilespmem:s24+$0xFFFFFCE0]  }
0x341: {  	v2 =	vld [tilespmem:s24+$0xFFFFFDE0]  }
0x342: {  	v3 =	vld [tilespmem:s24+$0xFFFFFD60];
	_ =	sdelay $0x2  }
0x343: {  	v0 =	vadd.f32 v1, v0;
	_ =	sdelay $0x1  }
0x344: {  	v0 =	vadd.f32 v3, v0;
	_ =	sdelay $0x1  }
0x345: {  	v0 =	vadd.f32 v2, v0;
	_ =	sdelay $0x1  }
0x346: {  	v0 =	vmul.f32 $2.500000000e-01, v0;
	_ =	sdelay $0x1  }
0x347: {  	[tilespmem:s25+$0xFFFFFF60] =	vst v0  }
0x348: {  	v0 =	vld [tilespmem:s24+$0xFFFFFC70]  }
0x349: {  	v1 =	vld [tilespmem:s24+$0xFFFFFCF0]  }
0x34a: {  	v2 =	vld [tilespmem:s24+$0xFFFFFD70]  }
0x34b: {  	v3 =	vld [tilespmem:s24+$0xFFFFFDF0];
	_ =	sdelay $0x2  }
0x34c: {  	v0 =	vadd.f32 v1, v0;
	_ =	sdelay $0x1  }
0x34d: {  	v0 =	vadd.f32 v2, v0;
	_ =	sdelay $0x1  }
0x34e: {  	v0 =	vadd.f32 v3, v0;
	_ =	sdelay $0x1  }
0x34f: {  	v0 =	vmul.f32 $2.500000000e-01, v0;
	_ =	sdelay $0x1  }
0x350: {  	[tilespmem:s25+$0xFFFFFF70] =	vst v0  }
0x351: {  	v0 =	vld [tilespmem:s24+$0xFFFFFC80]  }
0x352: {  	v1 =	vld [tilespmem:s24+$0xFFFFFD00]  }
0x353: {  	v2 =	vld [tilespmem:s24+$0xFFFFFD80]  }
0x354: {  	v3 =	vld [tilespmem:s24+$0xFFFFFE00];
	_ =	sdelay $0x2  }
0x355: {  	v0 =	vadd.f32 v1, v0;
	_ =	sdelay $0x1  }
0x356: {  	v0 =	vadd.f32 v2, v0;
	_ =	sdelay $0x1  }
0x357: {  	v0 =	vadd.f32 v3, v0;
	_ =	sdelay $0x1  }
0x358: {  	v0 =	vmul.f32 $2.500000000e-01, v0;
	_ =	sdelay $0x1  }
0x359: {  	[tilespmem:s25+$0xFFFFFF80] =	vst v0  }
0x35a: {  	v0 =	vld [tilespmem:s24+$0xFFFFFE10]  }
0x35b: {  	v1 =	vld [tilespmem:s24+$0xFFFFFE90]  }
0x35c: {  	v2 =	vld [tilespmem:s24+$0xFFFFFF90]  }
0x35d: {  	v3 =	vld [tilespmem:s24+$0xFFFFFF10];
	_ =	sdelay $0x2  }
0x35e: {  	v0 =	vadd.f32 v1, v0;
	_ =	sdelay $0x1  }
0x35f: {  	v0 =	vadd.f32 v3, v0;
	_ =	sdelay $0x1  }
0x360: {  	v0 =	vadd.f32 v2, v0;
	_ =	sdelay $0x1  }
0x361: {  	v0 =	vmul.f32 $2.500000000e-01, v0;
	_ =	sdelay $0x1  }
0x362: {  	[tilespmem:s25+$0xFFFFFF90] =	vst v0  }
0x363: {  	v0 =	vld [tilespmem:s24+$0xFFFFFE20]  }
0x364: {  	v1 =	vld [tilespmem:s24+$0xFFFFFEA0]  }
0x365: {  	v2 =	vld [tilespmem:s24+$0xFFFFFFA0]  }
0x366: {  	v3 =	vld [tilespmem:s24+$0xFFFFFF20];
	_ =	sdelay $0x2  }
0x367: {  	v0 =	vadd.f32 v1, v0;
	_ =	sdelay $0x1  }
0x368: {  	v0 =	vadd.f32 v3, v0;
	_ =	sdelay $0x1  }
0x369: {  	v0 =	vadd.f32 v2, v0;
	_ =	sdelay $0x1  }
0x36a: {  	v0 =	vmul.f32 $2.500000000e-01, v0;
	_ =	sdelay $0x1  }
0x36b: {  	[tilespmem:s25+$0xFFFFFFA0] =	vst v0  }
0x36c: {  	v0 =	vld [tilespmem:s24+$0xFFFFFE30]  }
0x36d: {  	v1 =	vld [tilespmem:s24+$0xFFFFFEB0]  }
0x36e: {  	v2 =	vld [tilespmem:s24+$0xFFFFFF30]  }
0x36f: {  	v3 =	vld [tilespmem:s24+$0xFFFFFFB0];
	_ =	sdelay $0x2  }
0x370: {  	v0 =	vadd.f32 v1, v0;
	_ =	sdelay $0x1  }
0x371: {  	v0 =	vadd.f32 v2, v0;
	_ =	sdelay $0x1  }
0x372: {  	v0 =	vadd.f32 v3, v0;
	_ =	sdelay $0x1  }
0x373: {  	v0 =	vmul.f32 $2.500000000e-01, v0;
	_ =	sdelay $0x1  }
0x374: {  	[tilespmem:s25+$0xFFFFFFB0] =	vst v0  }
0x375: {  	v0 =	vld [tilespmem:s24+$0xFFFFFE40]  }
0x376: {  	v1 =	vld [tilespmem:s24+$0xFFFFFEC0]  }
0x377: {  	v2 =	vld [tilespmem:s24+$0xFFFFFF40]  }
0x378: {  	v3 =	vld [tilespmem:s24+$0xFFFFFFC0];
	_ =	sdelay $0x2  }
0x379: {  	v0 =	vadd.f32 v1, v0;
	_ =	sdelay $0x1  }
0x37a: {  	v0 =	vadd.f32 v2, v0;
	_ =	sdelay $0x1  }
0x37b: {  	v0 =	vadd.f32 v3, v0;
	_ =	sdelay $0x1  }
0x37c: {  	v0 =	vmul.f32 $2.500000000e-01, v0;
	_ =	sdelay $0x1  }
0x37d: {  	[tilespmem:s25+$0xFFFFFFC0] =	vst v0  }
0x37e: {  	v0 =	vld [tilespmem:s24+$0xFFFFFE50]  }
0x37f: {  	v1 =	vld [tilespmem:s24+$0xFFFFFED0]  }
0x380: {  	v2 =	vld [tilespmem:s24+$0xFFFFFF50]  }
0x381: {  	v3 =	vld [tilespmem:s24+$0xFFFFFFD0];
	_ =	sdelay $0x2  }
0x382: {  	v0 =	vadd.f32 v1, v0;
	_ =	sdelay $0x1  }
0x383: {  	v0 =	vadd.f32 v2, v0;
	_ =	sdelay $0x1  }
0x384: {  	v0 =	vadd.f32 v3, v0;
	_ =	sdelay $0x1  }
0x385: {  	v0 =	vmul.f32 $2.500000000e-01, v0;
	_ =	sdelay $0x1  }
0x386: {  	[tilespmem:s25+$0xFFFFFFD0] =	vst v0  }
0x387: {  	v0 =	vld [tilespmem:s24+$0xFFFFFE60]  }
0x388: {  	v1 =	vld [tilespmem:s24+$0xFFFFFEE0]  }
0x389: {  	v2 =	vld [tilespmem:s24+$0xFFFFFF60]  }
0x38a: {  	v3 =	vld [tilespmem:s24+$0xFFFFFFE0];
	_ =	sdelay $0x2  }
0x38b: {  	v0 =	vadd.f32 v1, v0;
	_ =	sdelay $0x1  }
0x38c: {  	v0 =	vadd.f32 v2, v0;
	_ =	sdelay $0x1  }
0x38d: {  	v0 =	vadd.f32 v3, v0;
	_ =	sdelay $0x1  }
0x38e: {  	v0 =	vmul.f32 $2.500000000e-01, v0;
	_ =	sdelay $0x1  }
0x38f: {  	[tilespmem:s25+$0xFFFFFFE0] =	vst v0  }
0x390: {  	v0 =	vld [tilespmem:s24+$0xFFFFFE70]  }
0x391: {  	v1 =	vld [tilespmem:s24+$0xFFFFFEF0]  }
0x392: {  	v2 =	vld [tilespmem:s24+$0xFFFFFF70]  }
0x393: {  	v3 =	vld [tilespmem:s24+$0xFFFFFFF0];
	_ =	sdelay $0x2  }
0x394: {  	v0 =	vadd.f32 v1, v0;
	_ =	sdelay $0x1  }
.Ltmp2:
0x395: {  	v0 =	vadd.f32 v2, v0;
	(pc) =	sbr.rel @p0 .LBB2_6-.Ltmp2, $3  }
0x396: {  	_ = 	snop  }
0x397: {  	v0 =	vadd.f32 v3, v0;
	_ =	sdelay $0x1  }
0x398: {  	v0 =	vmul.f32 $2.500000000e-01, v0  }
0x399: {  	_ = 	snop  }
0x39a: {  	[tilespmem:s26+$0xFFFFFFF0] =	vst v0  }
0x39b: {  	v0 =	vld [tilespmem:s28+$0xFFFFFE80]  }
0x39c: {  	v1 =	vld [tilespmem:s28+$0xFFFFFF00];
	_ =	sdelay $0x1  }
0x39d: {  	v2 =	vld [tilespmem:s28+$0xFFFFFF80];
	_ =	sdelay $0x1  }
0x39e: {  	v3 =	vld [tilespmem:s28+$0x0]  }
0x39f: {  	v0 =	vadd.f32 v1, v0;
	_ =	sdelay $0x1  }
0x3a0: {  	v0 =	vadd.f32 v2, v0;
	_ =	sdelay $0x1  }
0x3a1: {  	v0 =	vadd.f32 v3, v0;
	_ =	sdelay $0x1  }
0x3a2: {  	v0 =	vmul.f32 $2.500000000e-01, v0;
	_ =	sdelay $0x1  }
0x3a3: {  	s23 =	sadd.s32 $0x1, s23;
	[tilespmem:s26+$0x0] =	vst v0  }
0x3a4: {  	[hbm4b:s9+s3] =	stream.linear.scatter [tilespmem:s21], [sflag:$0x4], $0x3000, $0x38;
	[tilespmem:$0x13280] =	vst v63  }
0x3a5: {  	p0 =	sne.s32 s23, s10;
	_ =	swait.ge [sflag:s22], $0x4000  }
.Ltmp3:
0x3a6: {  	[sflag:s22] =	ssyncset.done $0x0;
	(pc) =	sbr.rel @p0 .LBB2_1-.Ltmp3, $4  }
0x3a7: {  	[sflag:s22] =	ssyncadd.s32 $0xFFFFC000  }
0x3a8: {  	_ =	swait.ge [sflag:s22], $0x3000  }
0x3a9: {  	[sflag:s22] =	ssyncset.done $0x0  }
0x3aa: {  	[sflag:s22] =	ssyncadd.s32 $0xFFFFD000  }
0x3ab: {  	_ =	sfence.sel $0x180000  }
0x3ac: {  	[bflag:$0x0] =	sbarrier.arrive $0xFFFF  }
0x3ad: {  	p0 =	sne.s32 s0, $0x0;
	_ =	strace $0x90000047  }
0x3ae: {  	s0 =	sadd.s32 @!p0 $0x100000, s1;
	[bflag:$0x2] =	sbarrier.arrive $0xFFFF  }
0x3af: {  	[sflag:s0] =	ssyncadd.tile.s32 @!p0 $0x1;
	_ =	shalt  }
.Lfunc_end2:
_tile_overlayer_lowered:
.L_overlay_start_2:
0x3b0: {  	(tag) =	ssettag $0x2  }
0x3b1: {  	s0 =	rddreg [dreg:$0x0];
	s2 =	stileid.u32  }
0x3b2: {  	s1 =	rddreg [dreg:$0x1];
	p0 =	sne.s32 s2, $0x0  }
0x3b3: {  	s3 =	rddreg [dreg:$0x2];
	[bflag:$0x3] =	sbarrier.arrive $0xFFFF;
	s2 =	simm.s32 @!p0 $0x1C05  }
0x3b4: {  	[timem:s3], [sflag:s2] =	dma.local @!p0 [hbm:s0], s1  }
0x3b5: {  	s0 =	simm.s32 @!p0 $0x5  }
0x3b6: {  	_ =	swait.ge @!p0 [sflag:s0], s1  }
0x3b7: {  	s1 =	ssub.s32 @!p0 $0x0, s1;
	[sflag:s0] =	ssyncset.done @!p0 $0x0  }
0x3b8: {  	[sflag:s0] =	ssyncadd.s32 @!p0 s1  }
0x3b9: {  	[bflag:$0x3] =	sbarrier.arrive $0xFFFF  }
0x3ba: {  	_ =	shalt  }

</sc_bundles>
